<compile_context>
chip_gen: v7x
topology: tpu7x:2x2x1
jax: 0.10.2.dev20260603
libtpu: 0.0.44.dev20260713+nightly
codegen_flags: <defaults>
</compile_context>

<pallas_src>
import functools

import jax
import jax.numpy as jnp
from jax import lax
from jax.experimental import pallas as pl
from jax.experimental.pallas import tpu as pltpu
from jax.experimental.pallas import tpu_sc as plsc

AUDIO_TOKEN_ID = 7
B, S, D = 2, 4096, 2048
A = 1024
NC, NS, L = 2, 16, 16
NW = NC * NS
RPW = (B * S) // NW
WPB = NW // B
CH = 8
NCH = RPW // CH
SCH = L


def _body(emb_hbm, audio_hbm, tok_hbm, out_hbm,
          tok_v, pos_v, cbuf0, cbuf1, sbuf, didx_v, aidx_v,
          lsem0, lsem1, ssem0, ssem1, gsem, scsem):
    wid = lax.axis_index("s") * NC + lax.axis_index("c")
    batch = wid // WPB
    w_local = wid % WPB
    row0 = wid * RPW

    pltpu.sync_copy(tok_hbm.at[pl.ds(batch * S, S)], tok_v)

    zeros = jnp.zeros((L,), jnp.int32)

    def pbody(i, acc):
        t = tok_v[pl.ds(i * L, L)]
        return acc + (t == AUDIO_TOKEN_ID).astype(jnp.int32)

    acc = lax.fori_loop(0, w_local * (RPW // L), pbody, zeros)
    prefix = jnp.sum(acc)

    lane = lax.broadcasted_iota(jnp.int32, (L,), 0)
    base_local = w_local * RPW
    cnt = jnp.int32(0)
    for i in range(RPW // L):
        t = tok_v[pl.ds(base_local + i * L, L)]
        m = t == AUDIO_TOKEN_ID
        m32 = m.astype(jnp.int32)
        rank = plsc.cumsum(m32) - 1
        plsc.store_scatter(pos_v, [cnt + rank], row0 + i * L + lane, mask=m)
        cnt = cnt + jnp.sum(m32)

    cbufs = (cbuf0, cbuf1)
    lsems = (lsem0, lsem1)
    ssems = (ssem0, ssem1)
    loads = [None] * NCH
    stores = [None] * NCH
    for c in range(NCH + 1):
        if c < NCH:
            bb = c % 2
            if c >= 2:
                stores[c - 2].wait()
            loads[c] = pltpu.async_copy(
                emb_hbm.at[pl.ds(row0 + c * CH, CH)], cbufs[bb], lsems[bb])
        if c >= 1:
            pb = (c - 1) % 2
            loads[c - 1].wait()
            stores[c - 1] = pltpu.async_copy(
                cbufs[pb], out_hbm.at[pl.ds(row0 + (c - 1) * CH, CH)],
                ssems[pb])
    stores[NCH - 2].wait()
    stores[NCH - 1].wait()

    nch = (cnt + SCH - 1) // SCH

    def sbody(c, carry):
        j = jnp.minimum(c * SCH + lane, cnt - 1)
        didx_v[...] = plsc.load_gather(pos_v, [j])
        aidx_v[...] = batch * A + jnp.minimum(prefix + j, A - 1)
        pltpu.async_copy(audio_hbm.at[aidx_v], sbuf, gsem).wait()
        pltpu.async_copy(sbuf, out_hbm.at[didx_v], scsem).wait()
        return carry

    lax.fori_loop(0, nch, sbody, jnp.int32(0))


@jax.jit
def _run(emb2d, audio2d, tok1d):
    mesh = plsc.VectorSubcoreMesh(core_axis_name="c", subcore_axis_name="s",
                                  num_cores=NC, num_subcores=NS)
    f = pl.kernel(
        _body,
        out_type=jax.ShapeDtypeStruct((B * S, D), jnp.float32),
        mesh=mesh,
        compiler_params=pltpu.CompilerParams(needs_layout_passes=False),
        scratch_types=[
            pltpu.VMEM((S,), jnp.int32),
            pltpu.VMEM((RPW,), jnp.int32),
            pltpu.VMEM((CH, D), jnp.float32),
            pltpu.VMEM((CH, D), jnp.float32),
            pltpu.VMEM((SCH, D), jnp.float32),
            pltpu.VMEM((L,), jnp.int32),
            pltpu.VMEM((L,), jnp.int32),
            pltpu.SemaphoreType.DMA,
            pltpu.SemaphoreType.DMA,
            pltpu.SemaphoreType.DMA,
            pltpu.SemaphoreType.DMA,
            pltpu.SemaphoreType.DMA,
            pltpu.SemaphoreType.DMA,
        ],
    )
    return f(emb2d, audio2d, tok1d)


def kernel(embeddings, audio_embeddings, token_ids):
    emb2d = embeddings.reshape(B * S, D)
    audio2d = audio_embeddings.reshape(B * A, D)
    tok1d = token_ids.reshape(B * S).astype(jnp.int32)
    out = _run(emb2d, audio2d, tok1d)
    return out.reshape(B, S, D)

# --- scband reference (transcript-rebuilt; emitter-appended) ---
"""Pipeline reference for scband-replace-audio-embeddings-53970559041615 (READ-ONLY COPY).

The authoritative reference and input builder live on the scoring server;
editing this copy changes nothing except your own understanding.
"""

import jax, jax.numpy as jnp
import numpy as np

AUDIO_TOKEN_ID = 7

def setup_inputs(seed: int = 0) -> dict:
    key = jax.random.key(seed)
    k1, k2, k3 = jax.random.split(key, 3)
    embeddings = jax.random.normal(k1, (2, 4096, 2048), dtype=jnp.float32)
    audio_embeddings = jax.random.normal(k2, (2, 1024, 2048), dtype=jnp.float32)
    token_ids = jax.random.randint(k3, (2, 4096), 0, 32, dtype=jnp.int64)
    return {"embeddings": embeddings, "audio_embeddings": audio_embeddings, "token_ids": token_ids}

def reference(embeddings, audio_embeddings, token_ids):
    audio_mask = jnp.equal(token_ids, AUDIO_TOKEN_ID)
    cum = jnp.cumsum(audio_mask.astype(jnp.int32), axis=1)
    indices = jnp.clip(cum - 1, 0, audio_embeddings.shape[1] - 1)
    indices_3d = jnp.broadcast_to(indices[:, :, None], embeddings.shape)
    audio_aligned = jnp.take_along_axis(audio_embeddings, indices_3d, axis=1)
    mask_3d = audio_mask[:, :, None]
    return jnp.where(mask_3d, audio_aligned, embeddings)

if __name__ == "__main__":
    import jax
    _d = setup_inputs()
    print(jax.jit(kernel)(*tuple(_d.values())))

</pallas_src>

<mosaic_0001>
#map = affine_map<(d0, d1) -> (0, 0)>
#map1 = affine_map<(d0, d1) -> (0)>
module attributes {stable_mosaic.version = 14 : i64} {
  func.func @_body(%arg0: i32, %arg1: i32, %arg2: memref<8192x2048xf32, #tpu.memory_space<hbm>>, %arg3: memref<2048x2048xf32, #tpu.memory_space<hbm>>, %arg4: memref<8192xi32, #tpu.memory_space<hbm>>, %arg5: memref<8192x2048xf32, #tpu.memory_space<hbm>>, %arg6: memref<4096xi32, #tpu.memory_space<vmem>>, %arg7: memref<256xi32, #tpu.memory_space<vmem>>, %arg8: memref<8x2048xf32, #tpu.memory_space<vmem>>, %arg9: memref<8x2048xf32, #tpu.memory_space<vmem>>, %arg10: memref<16x2048xf32, #tpu.memory_space<vmem>>, %arg11: memref<16xi32, #tpu.memory_space<vmem>>, %arg12: memref<16xi32, #tpu.memory_space<vmem>>, %arg13: memref<!tpu.dma_semaphore, #tpu.memory_space<semaphore_mem>>, %arg14: memref<!tpu.dma_semaphore, #tpu.memory_space<semaphore_mem>>, %arg15: memref<!tpu.dma_semaphore, #tpu.memory_space<semaphore_mem>>, %arg16: memref<!tpu.dma_semaphore, #tpu.memory_space<semaphore_mem>>, %arg17: memref<!tpu.dma_semaphore, #tpu.memory_space<semaphore_mem>>, %arg18: memref<!tpu.dma_semaphore, #tpu.memory_space<semaphore_mem>>) attributes {dimension_semantics = [#tpu.dimension_semantics<core_parallel>, #tpu.dimension_semantics<subcore_parallel>], iteration_bounds = array<i64: 2, 16>, scalar_prefetch = 0 : i64, scratch_operands = 13 : i64, tpu.core_type = #tpu.core_type<sc_vector_subcore>, window_params = [{transform_indices = #map}, {transform_indices = #map}, {transform_indices = #map1}, {transform_indices = #map}]} {
    %mul3A = arith.constant 2 : i32
    %mul3A_0 = arith.muli %arg1, %mul3A : i32
    %add3A = arith.addi %mul3A_0, %arg0 : i32
    %jit3A = arith.constant 16 : i32
    %div3A = arith.divsi %add3A, %jit3A : i32
    %sign3A = arith.constant 0 : i32
    %sign3A_1 = arith.cmpi sgt, %add3A, %sign3A : i32
    %sign3A_2 = arith.extui %sign3A_1 : i1 to i32
    %sign3A_3 = arith.constant 0 : i32
    %sign3A_4 = arith.cmpi slt, %add3A, %sign3A_3 : i32
    %sign3A_5 = arith.extui %sign3A_4 : i1 to i32
    %sign3A_6 = arith.subi %sign3A_2, %sign3A_5 : i32
    %sign3A_7 = arith.constant 0 : i32
    %sign3A_8 = arith.cmpi sgt, %jit3A, %sign3A_7 : i32
    %sign3A_9 = arith.extui %sign3A_8 : i1 to i32
    %sign3A_10 = arith.constant 0 : i32
    %sign3A_11 = arith.cmpi slt, %jit3A, %sign3A_10 : i32
    %sign3A_12 = arith.extui %sign3A_11 : i1 to i32
    %sign3A_13 = arith.subi %sign3A_9, %sign3A_12 : i32
    %ne3A = arith.cmpi ne, %sign3A_6, %sign3A_13 : i32
    %rem3A = arith.remsi %add3A, %jit3A : i32
    %ne3A_14 = arith.constant 0 : i32
    %ne3A_15 = arith.cmpi ne, %rem3A, %ne3A_14 : i32
    %and3A = arith.andi %ne3A, %ne3A_15 : i1
    %sub3A = arith.constant 1 : i32
    %sub3A_16 = arith.subi %div3A, %sub3A : i32
    %select_n3A = arith.select %and3A, %sub3A_16, %div3A : i32
    %jit3A_17 = arith.constant 16 : i32
    %eq3A = arith.constant 0 : i32
    %eq3A_18 = arith.cmpi eq, %jit3A_17, %eq3A : i32
    %jit3A_19 = arith.constant 1 : i32
    %select_n3A_20 = arith.select %eq3A_18, %jit3A_19, %jit3A_17 : i32
    %rem3A_21 = arith.remsi %add3A, %select_n3A_20 : i32
    %ne3A_22 = arith.constant 0 : i32
    %ne3A_23 = arith.cmpi ne, %rem3A_21, %ne3A_22 : i32
    %lt3A = arith.constant 0 : i32
    %lt3A_24 = arith.cmpi slt, %rem3A_21, %lt3A : i32
    %lt3A_25 = arith.constant 0 : i32
    %lt3A_26 = arith.cmpi slt, %select_n3A_20, %lt3A_25 : i32
    %ne3A_27 = arith.xori %lt3A_24, %lt3A_26 : i1
    %and3A_28 = arith.andi %ne3A_27, %ne3A_23 : i1
    %add3A_29 = arith.addi %rem3A_21, %select_n3A_20 : i32
    %select_n3A_30 = arith.select %and3A_28, %add3A_29, %rem3A_21 : i32
    %mul3A_31 = arith.constant 256 : i32
    %mul3A_32 = arith.muli %add3A, %mul3A_31 : i32
    %mul3A_33 = arith.constant 4096 : i32
    %mul3A_34 = arith.muli %select_n3A, %mul3A_33 : i32
    "tpu.region"() ({
      %run_scoped3A = tpu.sem_alloc : memref<!tpu.dma_semaphore, #tpu.memory_space<semaphore_mem>>
      %dma_start3A_1128 = tpu.memref_slice %arg4[%mul3A_34] : memref<8192xi32, #tpu.memory_space<hbm>> -> memref<4096xi32, #tpu.memory_space<hbm>>
      %dma_start3A_1129 = tpu.memref_slice %arg4[%mul3A_34] : memref<8192xi32, #tpu.memory_space<hbm>> -> memref<4096xi32, #tpu.memory_space<hbm>>
      tpu.enqueue_dma source(%dma_start3A_1129 : memref<4096xi32, #tpu.memory_space<hbm>>) target(%arg6 : memref<4096xi32, #tpu.memory_space<vmem>>) target_semaphore(%run_scoped3A : memref<!tpu.dma_semaphore, #tpu.memory_space<semaphore_mem>>)
      %dma_wait3A_1130 = tpu.memref_slice %arg4[%mul3A_34] : memref<8192xi32, #tpu.memory_space<hbm>> -> memref<4096xi32, #tpu.memory_space<hbm>>
      %dma_wait3A_1131 = tpu.memref_slice %arg4[%mul3A_34] : memref<8192xi32, #tpu.memory_space<hbm>> -> memref<4096xi32, #tpu.memory_space<hbm>>
      tpu.wait_dma2 semaphore(%run_scoped3A : memref<!tpu.dma_semaphore, #tpu.memory_space<semaphore_mem>>) src(%dma_wait3A_1131 : memref<4096xi32, #tpu.memory_space<hbm>>) dst(%arg6 : memref<4096xi32, #tpu.memory_space<vmem>>)
      tpu.yield
    }) : () -> ()
    %broadcast_in_dim3A = arith.constant 0 : i32
    %broadcast_in_dim3A_35 = vector.broadcast %broadcast_in_dim3A : i32 to vector<16xi32>
    %mul3A_36 = arith.constant 16 : i32
    %mul3A_37 = arith.muli %select_n3A_30, %mul3A_36 : i32
    %while3A = arith.constant 0 : i32
    %while3A_38 = arith.subi %mul3A_37, %while3A : i32
    %while3A_39 = arith.addi %while3A, %while3A_38 : i32
    %while3A_40 = arith.constant 1 : i32
    %while3A_41 = arith.divsi %while3A_38, %while3A_40 : i32
    %while3A_42 = arith.muli %while3A_41, %while3A_40 : i32
    %while3A_43 = arith.addi %while3A, %while3A_42 : i32
    %while3A_44 = arith.constant 1 : i32
    %while3A_45 = scf.for %while3A_1128 = %while3A to %while3A_43 step %while3A_44 iter_args(%while3A_1129 = %broadcast_in_dim3A_35) -> (vector<16xi32>)  : i32 {
      %mul3A_1130 = arith.constant 16 : i32
      %mul3A_1131 = arith.muli %while3A_1128, %mul3A_1130 : i32
      %get3A_1132 = arith.index_cast %mul3A_1131 : i32 to index
      %get3A_1133 = tpu.vector_load %arg6[%get3A_1132] {strides = array<i32>} : memref<4096xi32, #tpu.memory_space<vmem>>, vector<16xi32>,
      %eq3A_1134 = arith.constant 7 : i32
      %eq3A_1135 = vector.broadcast %eq3A_1134 : i32 to vector<16xi32>
      %eq3A_1136 = arith.cmpi eq, %get3A_1133, %eq3A_1135 : vector<16xi32>
      %convert_element_type3A_1137 = arith.extui %eq3A_1136 : vector<16xi1> to vector<16xi32>
      %add3A_1138 = arith.addi %while3A_1129, %convert_element_type3A_1137 : vector<16xi32>
      scf.yield %add3A_1138 : vector<16xi32>
    }
    %while3A_46 = arith.constant 1 : i32
    %while3A_47 = scf.for %while3A_1128 = %while3A_43 to %while3A_39 step %while3A_46 iter_args(%while3A_1129 = %while3A_45) -> (vector<16xi32>)  : i32 {
      %mul3A_1130 = arith.constant 16 : i32
      %mul3A_1131 = arith.muli %while3A_1128, %mul3A_1130 : i32
      %get3A_1132 = arith.index_cast %mul3A_1131 : i32 to index
      %get3A_1133 = tpu.vector_load %arg6[%get3A_1132] {strides = array<i32>} : memref<4096xi32, #tpu.memory_space<vmem>>, vector<16xi32>,
      %eq3A_1134 = arith.constant 7 : i32
      %eq3A_1135 = vector.broadcast %eq3A_1134 : i32 to vector<16xi32>
      %eq3A_1136 = arith.cmpi eq, %get3A_1133, %eq3A_1135 : vector<16xi32>
      %convert_element_type3A_1137 = arith.extui %eq3A_1136 : vector<16xi1> to vector<16xi32>
      %add3A_1138 = arith.addi %while3A_1129, %convert_element_type3A_1137 : vector<16xi32>
      scf.yield %add3A_1138 : vector<16xi32>
    }
    %reduce_sum3A = arith.constant true
    %reduce_sum3A_48 = vector.broadcast %reduce_sum3A : i1 to vector<16xi1>
    %reduce_sum3A_49 = tpu.scan <sum>, %while3A_47 masked %reduce_sum3A_48 : vector<16xi32>, vector<16xi1> -> vector<16xi32>
    %reduce_sum3A_50 = vector.extract %reduce_sum3A_49[15] : i32 from vector<16xi32>
    %iota3A = tpu.iota {dimensions = array<i32: 0>} : vector<16xi32>
    %mul3A_51 = arith.constant 256 : i32
    %mul3A_52 = arith.muli %select_n3A_30, %mul3A_51 : i32
    %add3A_53 = arith.constant 0 : i32
    %add3A_54 = arith.addi %mul3A_52, %add3A_53 : i32
    %get3A = arith.index_cast %add3A_54 : i32 to index
    %get3A_55 = tpu.vector_load %arg6[%get3A] {strides = array<i32>} : memref<4096xi32, #tpu.memory_space<vmem>>, vector<16xi32>,
    %eq3A_56 = arith.constant 7 : i32
    %eq3A_57 = vector.broadcast %eq3A_56 : i32 to vector<16xi32>
    %eq3A_58 = arith.cmpi eq, %get3A_55, %eq3A_57 : vector<16xi32>
    %convert_element_type3A = arith.extui %eq3A_58 : vector<16xi1> to vector<16xi32>
    %broadcast_in_dim3A_59 = arith.constant true
    %broadcast_in_dim3A_60 = vector.broadcast %broadcast_in_dim3A_59 : i1 to vector<16xi1>
    %masked_cumsum3A = tpu.scan <sum>, %convert_element_type3A masked %broadcast_in_dim3A_60 : vector<16xi32>, vector<16xi1> -> vector<16xi32>
    %sub3A_61 = arith.constant 1 : i32
    %sub3A_62 = vector.broadcast %sub3A_61 : i32 to vector<16xi32>
    %sub3A_63 = arith.subi %masked_cumsum3A, %sub3A_62 : vector<16xi32>
    %add3A_64 = arith.constant 0 : i32
    %add3A_65 = vector.broadcast %add3A_64 : i32 to vector<16xi32>
    %add3A_66 = arith.addi %add3A_65, %sub3A_63 : vector<16xi32>
    %add3A_67 = arith.constant 0 : i32
    %add3A_68 = arith.addi %mul3A_32, %add3A_67 : i32
    %add3A_69 = vector.broadcast %add3A_68 : i32 to vector<16xi32>
    %add3A_70 = arith.addi %add3A_69, %iota3A : vector<16xi32>
    tpu.vector_store_idx %arg7[%add3A_66], %add3A_70 masked %eq3A_58 : memref<256xi32, #tpu.memory_space<vmem>>[vector<16xi32>], vector<16xi32>, vector<16xi1>
    %reduce_sum3A_71 = arith.constant true
    %reduce_sum3A_72 = vector.broadcast %reduce_sum3A_71 : i1 to vector<16xi1>
    %reduce_sum3A_73 = tpu.scan <sum>, %convert_element_type3A masked %reduce_sum3A_72 : vector<16xi32>, vector<16xi1> -> vector<16xi32>
    %reduce_sum3A_74 = vector.extract %reduce_sum3A_73[15] : i32 from vector<16xi32>
    %add3A_75 = arith.constant 0 : i32
    %add3A_76 = arith.addi %add3A_75, %reduce_sum3A_74 : i32
    %add3A_77 = arith.constant 16 : i32
    %add3A_78 = arith.addi %mul3A_52, %add3A_77 : i32
    %get3A_79 = arith.index_cast %add3A_78 : i32 to index
    %get3A_80 = tpu.vector_load %arg6[%get3A_79] {strides = array<i32>} : memref<4096xi32, #tpu.memory_space<vmem>>, vector<16xi32>,
    %eq3A_81 = arith.constant 7 : i32
    %eq3A_82 = vector.broadcast %eq3A_81 : i32 to vector<16xi32>
    %eq3A_83 = arith.cmpi eq, %get3A_80, %eq3A_82 : vector<16xi32>
    %convert_element_type3A_84 = arith.extui %eq3A_83 : vector<16xi1> to vector<16xi32>
    %broadcast_in_dim3A_85 = arith.constant true
    %broadcast_in_dim3A_86 = vector.broadcast %broadcast_in_dim3A_85 : i1 to vector<16xi1>
    %masked_cumsum3A_87 = tpu.scan <sum>, %convert_element_type3A_84 masked %broadcast_in_dim3A_86 : vector<16xi32>, vector<16xi1> -> vector<16xi32>
    %sub3A_88 = arith.constant 1 : i32
    %sub3A_89 = vector.broadcast %sub3A_88 : i32 to vector<16xi32>
    %sub3A_90 = arith.subi %masked_cumsum3A_87, %sub3A_89 : vector<16xi32>
    %add3A_91 = vector.broadcast %add3A_76 : i32 to vector<16xi32>
    %add3A_92 = arith.addi %add3A_91, %sub3A_90 : vector<16xi32>
    %add3A_93 = arith.constant 16 : i32
    %add3A_94 = arith.addi %mul3A_32, %add3A_93 : i32
    %add3A_95 = vector.broadcast %add3A_94 : i32 to vector<16xi32>
    %add3A_96 = arith.addi %add3A_95, %iota3A : vector<16xi32>
    tpu.vector_store_idx %arg7[%add3A_92], %add3A_96 masked %eq3A_83 : memref<256xi32, #tpu.memory_space<vmem>>[vector<16xi32>], vector<16xi32>, vector<16xi1>
    %reduce_sum3A_97 = arith.constant true
    %reduce_sum3A_98 = vector.broadcast %reduce_sum3A_97 : i1 to vector<16xi1>
    %reduce_sum3A_99 = tpu.scan <sum>, %convert_element_type3A_84 masked %reduce_sum3A_98 : vector<16xi32>, vector<16xi1> -> vector<16xi32>
    %reduce_sum3A_100 = vector.extract %reduce_sum3A_99[15] : i32 from vector<16xi32>
    %add3A_101 = arith.addi %add3A_76, %reduce_sum3A_100 : i32
    %add3A_102 = arith.constant 32 : i32
    %add3A_103 = arith.addi %mul3A_52, %add3A_102 : i32
    %get3A_104 = arith.index_cast %add3A_103 : i32 to index
    %get3A_105 = tpu.vector_load %arg6[%get3A_104] {strides = array<i32>} : memref<4096xi32, #tpu.memory_space<vmem>>, vector<16xi32>,
    %eq3A_106 = arith.constant 7 : i32
    %eq3A_107 = vector.broadcast %eq3A_106 : i32 to vector<16xi32>
    %eq3A_108 = arith.cmpi eq, %get3A_105, %eq3A_107 : vector<16xi32>
    %convert_element_type3A_109 = arith.extui %eq3A_108 : vector<16xi1> to vector<16xi32>
    %broadcast_in_dim3A_110 = arith.constant true
    %broadcast_in_dim3A_111 = vector.broadcast %broadcast_in_dim3A_110 : i1 to vector<16xi1>
    %masked_cumsum3A_112 = tpu.scan <sum>, %convert_element_type3A_109 masked %broadcast_in_dim3A_111 : vector<16xi32>, vector<16xi1> -> vector<16xi32>
    %sub3A_113 = arith.constant 1 : i32
    %sub3A_114 = vector.broadcast %sub3A_113 : i32 to vector<16xi32>
    %sub3A_115 = arith.subi %masked_cumsum3A_112, %sub3A_114 : vector<16xi32>
    %add3A_116 = vector.broadcast %add3A_101 : i32 to vector<16xi32>
    %add3A_117 = arith.addi %add3A_116, %sub3A_115 : vector<16xi32>
    %add3A_118 = arith.constant 32 : i32
    %add3A_119 = arith.addi %mul3A_32, %add3A_118 : i32
    %add3A_120 = vector.broadcast %add3A_119 : i32 to vector<16xi32>
    %add3A_121 = arith.addi %add3A_120, %iota3A : vector<16xi32>
    tpu.vector_store_idx %arg7[%add3A_117], %add3A_121 masked %eq3A_108 : memref<256xi32, #tpu.memory_space<vmem>>[vector<16xi32>], vector<16xi32>, vector<16xi1>
    %reduce_sum3A_122 = arith.constant true
    %reduce_sum3A_123 = vector.broadcast %reduce_sum3A_122 : i1 to vector<16xi1>
    %reduce_sum3A_124 = tpu.scan <sum>, %convert_element_type3A_109 masked %reduce_sum3A_123 : vector<16xi32>, vector<16xi1> -> vector<16xi32>
    %reduce_sum3A_125 = vector.extract %reduce_sum3A_124[15] : i32 from vector<16xi32>
    %add3A_126 = arith.addi %add3A_101, %reduce_sum3A_125 : i32
    %add3A_127 = arith.constant 48 : i32
    %add3A_128 = arith.addi %mul3A_52, %add3A_127 : i32
    %get3A_129 = arith.index_cast %add3A_128 : i32 to index
    %get3A_130 = tpu.vector_load %arg6[%get3A_129] {strides = array<i32>} : memref<4096xi32, #tpu.memory_space<vmem>>, vector<16xi32>,
    %eq3A_131 = arith.constant 7 : i32
    %eq3A_132 = vector.broadcast %eq3A_131 : i32 to vector<16xi32>
    %eq3A_133 = arith.cmpi eq, %get3A_130, %eq3A_132 : vector<16xi32>
    %convert_element_type3A_134 = arith.extui %eq3A_133 : vector<16xi1> to vector<16xi32>
    %broadcast_in_dim3A_135 = arith.constant true
    %broadcast_in_dim3A_136 = vector.broadcast %broadcast_in_dim3A_135 : i1 to vector<16xi1>
    %masked_cumsum3A_137 = tpu.scan <sum>, %convert_element_type3A_134 masked %broadcast_in_dim3A_136 : vector<16xi32>, vector<16xi1> -> vector<16xi32>
    %sub3A_138 = arith.constant 1 : i32
    %sub3A_139 = vector.broadcast %sub3A_138 : i32 to vector<16xi32>
    %sub3A_140 = arith.subi %masked_cumsum3A_137, %sub3A_139 : vector<16xi32>
    %add3A_141 = vector.broadcast %add3A_126 : i32 to vector<16xi32>
    %add3A_142 = arith.addi %add3A_141, %sub3A_140 : vector<16xi32>
    %add3A_143 = arith.constant 48 : i32
    %add3A_144 = arith.addi %mul3A_32, %add3A_143 : i32
    %add3A_145 = vector.broadcast %add3A_144 : i32 to vector<16xi32>
    %add3A_146 = arith.addi %add3A_145, %iota3A : vector<16xi32>
    tpu.vector_store_idx %arg7[%add3A_142], %add3A_146 masked %eq3A_133 : memref<256xi32, #tpu.memory_space<vmem>>[vector<16xi32>], vector<16xi32>, vector<16xi1>
    %reduce_sum3A_147 = arith.constant true
    %reduce_sum3A_148 = vector.broadcast %reduce_sum3A_147 : i1 to vector<16xi1>
    %reduce_sum3A_149 = tpu.scan <sum>, %convert_element_type3A_134 masked %reduce_sum3A_148 : vector<16xi32>, vector<16xi1> -> vector<16xi32>
    %reduce_sum3A_150 = vector.extract %reduce_sum3A_149[15] : i32 from vector<16xi32>
    %add3A_151 = arith.addi %add3A_126, %reduce_sum3A_150 : i32
    %add3A_152 = arith.constant 64 : i32
    %add3A_153 = arith.addi %mul3A_52, %add3A_152 : i32
    %get3A_154 = arith.index_cast %add3A_153 : i32 to index
    %get3A_155 = tpu.vector_load %arg6[%get3A_154] {strides = array<i32>} : memref<4096xi32, #tpu.memory_space<vmem>>, vector<16xi32>,
    %eq3A_156 = arith.constant 7 : i32
    %eq3A_157 = vector.broadcast %eq3A_156 : i32 to vector<16xi32>
    %eq3A_158 = arith.cmpi eq, %get3A_155, %eq3A_157 : vector<16xi32>
    %convert_element_type3A_159 = arith.extui %eq3A_158 : vector<16xi1> to vector<16xi32>
    %broadcast_in_dim3A_160 = arith.constant true
    %broadcast_in_dim3A_161 = vector.broadcast %broadcast_in_dim3A_160 : i1 to vector<16xi1>
    %masked_cumsum3A_162 = tpu.scan <sum>, %convert_element_type3A_159 masked %broadcast_in_dim3A_161 : vector<16xi32>, vector<16xi1> -> vector<16xi32>
    %sub3A_163 = arith.constant 1 : i32
    %sub3A_164 = vector.broadcast %sub3A_163 : i32 to vector<16xi32>
    %sub3A_165 = arith.subi %masked_cumsum3A_162, %sub3A_164 : vector<16xi32>
    %add3A_166 = vector.broadcast %add3A_151 : i32 to vector<16xi32>
    %add3A_167 = arith.addi %add3A_166, %sub3A_165 : vector<16xi32>
    %add3A_168 = arith.constant 64 : i32
    %add3A_169 = arith.addi %mul3A_32, %add3A_168 : i32
    %add3A_170 = vector.broadcast %add3A_169 : i32 to vector<16xi32>
    %add3A_171 = arith.addi %add3A_170, %iota3A : vector<16xi32>
    tpu.vector_store_idx %arg7[%add3A_167], %add3A_171 masked %eq3A_158 : memref<256xi32, #tpu.memory_space<vmem>>[vector<16xi32>], vector<16xi32>, vector<16xi1>
    %reduce_sum3A_172 = arith.constant true
    %reduce_sum3A_173 = vector.broadcast %reduce_sum3A_172 : i1 to vector<16xi1>
    %reduce_sum3A_174 = tpu.scan <sum>, %convert_element_type3A_159 masked %reduce_sum3A_173 : vector<16xi32>, vector<16xi1> -> vector<16xi32>
    %reduce_sum3A_175 = vector.extract %reduce_sum3A_174[15] : i32 from vector<16xi32>
    %add3A_176 = arith.addi %add3A_151, %reduce_sum3A_175 : i32
    %add3A_177 = arith.constant 80 : i32
    %add3A_178 = arith.addi %mul3A_52, %add3A_177 : i32
    %get3A_179 = arith.index_cast %add3A_178 : i32 to index
    %get3A_180 = tpu.vector_load %arg6[%get3A_179] {strides = array<i32>} : memref<4096xi32, #tpu.memory_space<vmem>>, vector<16xi32>,
    %eq3A_181 = arith.constant 7 : i32
    %eq3A_182 = vector.broadcast %eq3A_181 : i32 to vector<16xi32>
    %eq3A_183 = arith.cmpi eq, %get3A_180, %eq3A_182 : vector<16xi32>
    %convert_element_type3A_184 = arith.extui %eq3A_183 : vector<16xi1> to vector<16xi32>
    %broadcast_in_dim3A_185 = arith.constant true
    %broadcast_in_dim3A_186 = vector.broadcast %broadcast_in_dim3A_185 : i1 to vector<16xi1>
    %masked_cumsum3A_187 = tpu.scan <sum>, %convert_element_type3A_184 masked %broadcast_in_dim3A_186 : vector<16xi32>, vector<16xi1> -> vector<16xi32>
    %sub3A_188 = arith.constant 1 : i32
    %sub3A_189 = vector.broadcast %sub3A_188 : i32 to vector<16xi32>
    %sub3A_190 = arith.subi %masked_cumsum3A_187, %sub3A_189 : vector<16xi32>
    %add3A_191 = vector.broadcast %add3A_176 : i32 to vector<16xi32>
    %add3A_192 = arith.addi %add3A_191, %sub3A_190 : vector<16xi32>
    %add3A_193 = arith.constant 80 : i32
    %add3A_194 = arith.addi %mul3A_32, %add3A_193 : i32
    %add3A_195 = vector.broadcast %add3A_194 : i32 to vector<16xi32>
    %add3A_196 = arith.addi %add3A_195, %iota3A : vector<16xi32>
    tpu.vector_store_idx %arg7[%add3A_192], %add3A_196 masked %eq3A_183 : memref<256xi32, #tpu.memory_space<vmem>>[vector<16xi32>], vector<16xi32>, vector<16xi1>
    %reduce_sum3A_197 = arith.constant true
    %reduce_sum3A_198 = vector.broadcast %reduce_sum3A_197 : i1 to vector<16xi1>
    %reduce_sum3A_199 = tpu.scan <sum>, %convert_element_type3A_184 masked %reduce_sum3A_198 : vector<16xi32>, vector<16xi1> -> vector<16xi32>
    %reduce_sum3A_200 = vector.extract %reduce_sum3A_199[15] : i32 from vector<16xi32>
    %add3A_201 = arith.addi %add3A_176, %reduce_sum3A_200 : i32
    %add3A_202 = arith.constant 96 : i32
    %add3A_203 = arith.addi %mul3A_52, %add3A_202 : i32
    %get3A_204 = arith.index_cast %add3A_203 : i32 to index
    %get3A_205 = tpu.vector_load %arg6[%get3A_204] {strides = array<i32>} : memref<4096xi32, #tpu.memory_space<vmem>>, vector<16xi32>,
    %eq3A_206 = arith.constant 7 : i32
    %eq3A_207 = vector.broadcast %eq3A_206 : i32 to vector<16xi32>
    %eq3A_208 = arith.cmpi eq, %get3A_205, %eq3A_207 : vector<16xi32>
    %convert_element_type3A_209 = arith.extui %eq3A_208 : vector<16xi1> to vector<16xi32>
    %broadcast_in_dim3A_210 = arith.constant true
    %broadcast_in_dim3A_211 = vector.broadcast %broadcast_in_dim3A_210 : i1 to vector<16xi1>
    %masked_cumsum3A_212 = tpu.scan <sum>, %convert_element_type3A_209 masked %broadcast_in_dim3A_211 : vector<16xi32>, vector<16xi1> -> vector<16xi32>
    %sub3A_213 = arith.constant 1 : i32
    %sub3A_214 = vector.broadcast %sub3A_213 : i32 to vector<16xi32>
    %sub3A_215 = arith.subi %masked_cumsum3A_212, %sub3A_214 : vector<16xi32>
    %add3A_216 = vector.broadcast %add3A_201 : i32 to vector<16xi32>
    %add3A_217 = arith.addi %add3A_216, %sub3A_215 : vector<16xi32>
    %add3A_218 = arith.constant 96 : i32
    %add3A_219 = arith.addi %mul3A_32, %add3A_218 : i32
    %add3A_220 = vector.broadcast %add3A_219 : i32 to vector<16xi32>
    %add3A_221 = arith.addi %add3A_220, %iota3A : vector<16xi32>
    tpu.vector_store_idx %arg7[%add3A_217], %add3A_221 masked %eq3A_208 : memref<256xi32, #tpu.memory_space<vmem>>[vector<16xi32>], vector<16xi32>, vector<16xi1>
    %reduce_sum3A_222 = arith.constant true
    %reduce_sum3A_223 = vector.broadcast %reduce_sum3A_222 : i1 to vector<16xi1>
    %reduce_sum3A_224 = tpu.scan <sum>, %convert_element_type3A_209 masked %reduce_sum3A_223 : vector<16xi32>, vector<16xi1> -> vector<16xi32>
    %reduce_sum3A_225 = vector.extract %reduce_sum3A_224[15] : i32 from vector<16xi32>
    %add3A_226 = arith.addi %add3A_201, %reduce_sum3A_225 : i32
    %add3A_227 = arith.constant 112 : i32
    %add3A_228 = arith.addi %mul3A_52, %add3A_227 : i32
    %get3A_229 = arith.index_cast %add3A_228 : i32 to index
    %get3A_230 = tpu.vector_load %arg6[%get3A_229] {strides = array<i32>} : memref<4096xi32, #tpu.memory_space<vmem>>, vector<16xi32>,
    %eq3A_231 = arith.constant 7 : i32
    %eq3A_232 = vector.broadcast %eq3A_231 : i32 to vector<16xi32>
    %eq3A_233 = arith.cmpi eq, %get3A_230, %eq3A_232 : vector<16xi32>
    %convert_element_type3A_234 = arith.extui %eq3A_233 : vector<16xi1> to vector<16xi32>
    %broadcast_in_dim3A_235 = arith.constant true
    %broadcast_in_dim3A_236 = vector.broadcast %broadcast_in_dim3A_235 : i1 to vector<16xi1>
    %masked_cumsum3A_237 = tpu.scan <sum>, %convert_element_type3A_234 masked %broadcast_in_dim3A_236 : vector<16xi32>, vector<16xi1> -> vector<16xi32>
    %sub3A_238 = arith.constant 1 : i32
    %sub3A_239 = vector.broadcast %sub3A_238 : i32 to vector<16xi32>
    %sub3A_240 = arith.subi %masked_cumsum3A_237, %sub3A_239 : vector<16xi32>
    %add3A_241 = vector.broadcast %add3A_226 : i32 to vector<16xi32>
    %add3A_242 = arith.addi %add3A_241, %sub3A_240 : vector<16xi32>
    %add3A_243 = arith.constant 112 : i32
    %add3A_244 = arith.addi %mul3A_32, %add3A_243 : i32
    %add3A_245 = vector.broadcast %add3A_244 : i32 to vector<16xi32>
    %add3A_246 = arith.addi %add3A_245, %iota3A : vector<16xi32>
    tpu.vector_store_idx %arg7[%add3A_242], %add3A_246 masked %eq3A_233 : memref<256xi32, #tpu.memory_space<vmem>>[vector<16xi32>], vector<16xi32>, vector<16xi1>
    %reduce_sum3A_247 = arith.constant true
    %reduce_sum3A_248 = vector.broadcast %reduce_sum3A_247 : i1 to vector<16xi1>
    %reduce_sum3A_249 = tpu.scan <sum>, %convert_element_type3A_234 masked %reduce_sum3A_248 : vector<16xi32>, vector<16xi1> -> vector<16xi32>
    %reduce_sum3A_250 = vector.extract %reduce_sum3A_249[15] : i32 from vector<16xi32>
    %add3A_251 = arith.addi %add3A_226, %reduce_sum3A_250 : i32
    %add3A_252 = arith.constant 128 : i32
    %add3A_253 = arith.addi %mul3A_52, %add3A_252 : i32
    %get3A_254 = arith.index_cast %add3A_253 : i32 to index
    %get3A_255 = tpu.vector_load %arg6[%get3A_254] {strides = array<i32>} : memref<4096xi32, #tpu.memory_space<vmem>>, vector<16xi32>,
    %eq3A_256 = arith.constant 7 : i32
    %eq3A_257 = vector.broadcast %eq3A_256 : i32 to vector<16xi32>
    %eq3A_258 = arith.cmpi eq, %get3A_255, %eq3A_257 : vector<16xi32>
    %convert_element_type3A_259 = arith.extui %eq3A_258 : vector<16xi1> to vector<16xi32>
    %broadcast_in_dim3A_260 = arith.constant true
    %broadcast_in_dim3A_261 = vector.broadcast %broadcast_in_dim3A_260 : i1 to vector<16xi1>
    %masked_cumsum3A_262 = tpu.scan <sum>, %convert_element_type3A_259 masked %broadcast_in_dim3A_261 : vector<16xi32>, vector<16xi1> -> vector<16xi32>
    %sub3A_263 = arith.constant 1 : i32
    %sub3A_264 = vector.broadcast %sub3A_263 : i32 to vector<16xi32>
    %sub3A_265 = arith.subi %masked_cumsum3A_262, %sub3A_264 : vector<16xi32>
    %add3A_266 = vector.broadcast %add3A_251 : i32 to vector<16xi32>
    %add3A_267 = arith.addi %add3A_266, %sub3A_265 : vector<16xi32>
    %add3A_268 = arith.constant 128 : i32
    %add3A_269 = arith.addi %mul3A_32, %add3A_268 : i32
    %add3A_270 = vector.broadcast %add3A_269 : i32 to vector<16xi32>
    %add3A_271 = arith.addi %add3A_270, %iota3A : vector<16xi32>
    tpu.vector_store_idx %arg7[%add3A_267], %add3A_271 masked %eq3A_258 : memref<256xi32, #tpu.memory_space<vmem>>[vector<16xi32>], vector<16xi32>, vector<16xi1>
    %reduce_sum3A_272 = arith.constant true
    %reduce_sum3A_273 = vector.broadcast %reduce_sum3A_272 : i1 to vector<16xi1>
    %reduce_sum3A_274 = tpu.scan <sum>, %convert_element_type3A_259 masked %reduce_sum3A_273 : vector<16xi32>, vector<16xi1> -> vector<16xi32>
    %reduce_sum3A_275 = vector.extract %reduce_sum3A_274[15] : i32 from vector<16xi32>
    %add3A_276 = arith.addi %add3A_251, %reduce_sum3A_275 : i32
    %add3A_277 = arith.constant 144 : i32
    %add3A_278 = arith.addi %mul3A_52, %add3A_277 : i32
    %get3A_279 = arith.index_cast %add3A_278 : i32 to index
    %get3A_280 = tpu.vector_load %arg6[%get3A_279] {strides = array<i32>} : memref<4096xi32, #tpu.memory_space<vmem>>, vector<16xi32>,
    %eq3A_281 = arith.constant 7 : i32
    %eq3A_282 = vector.broadcast %eq3A_281 : i32 to vector<16xi32>
    %eq3A_283 = arith.cmpi eq, %get3A_280, %eq3A_282 : vector<16xi32>
    %convert_element_type3A_284 = arith.extui %eq3A_283 : vector<16xi1> to vector<16xi32>
    %broadcast_in_dim3A_285 = arith.constant true
    %broadcast_in_dim3A_286 = vector.broadcast %broadcast_in_dim3A_285 : i1 to vector<16xi1>
    %masked_cumsum3A_287 = tpu.scan <sum>, %convert_element_type3A_284 masked %broadcast_in_dim3A_286 : vector<16xi32>, vector<16xi1> -> vector<16xi32>
    %sub3A_288 = arith.constant 1 : i32
    %sub3A_289 = vector.broadcast %sub3A_288 : i32 to vector<16xi32>
    %sub3A_290 = arith.subi %masked_cumsum3A_287, %sub3A_289 : vector<16xi32>
    %add3A_291 = vector.broadcast %add3A_276 : i32 to vector<16xi32>
    %add3A_292 = arith.addi %add3A_291, %sub3A_290 : vector<16xi32>
    %add3A_293 = arith.constant 144 : i32
    %add3A_294 = arith.addi %mul3A_32, %add3A_293 : i32
    %add3A_295 = vector.broadcast %add3A_294 : i32 to vector<16xi32>
    %add3A_296 = arith.addi %add3A_295, %iota3A : vector<16xi32>
    tpu.vector_store_idx %arg7[%add3A_292], %add3A_296 masked %eq3A_283 : memref<256xi32, #tpu.memory_space<vmem>>[vector<16xi32>], vector<16xi32>, vector<16xi1>
    %reduce_sum3A_297 = arith.constant true
    %reduce_sum3A_298 = vector.broadcast %reduce_sum3A_297 : i1 to vector<16xi1>
    %reduce_sum3A_299 = tpu.scan <sum>, %convert_element_type3A_284 masked %reduce_sum3A_298 : vector<16xi32>, vector<16xi1> -> vector<16xi32>
    %reduce_sum3A_300 = vector.extract %reduce_sum3A_299[15] : i32 from vector<16xi32>
    %add3A_301 = arith.addi %add3A_276, %reduce_sum3A_300 : i32
    %add3A_302 = arith.constant 160 : i32
    %add3A_303 = arith.addi %mul3A_52, %add3A_302 : i32
    %get3A_304 = arith.index_cast %add3A_303 : i32 to index
    %get3A_305 = tpu.vector_load %arg6[%get3A_304] {strides = array<i32>} : memref<4096xi32, #tpu.memory_space<vmem>>, vector<16xi32>,
    %eq3A_306 = arith.constant 7 : i32
    %eq3A_307 = vector.broadcast %eq3A_306 : i32 to vector<16xi32>
    %eq3A_308 = arith.cmpi eq, %get3A_305, %eq3A_307 : vector<16xi32>
    %convert_element_type3A_309 = arith.extui %eq3A_308 : vector<16xi1> to vector<16xi32>
    %broadcast_in_dim3A_310 = arith.constant true
    %broadcast_in_dim3A_311 = vector.broadcast %broadcast_in_dim3A_310 : i1 to vector<16xi1>
    %masked_cumsum3A_312 = tpu.scan <sum>, %convert_element_type3A_309 masked %broadcast_in_dim3A_311 : vector<16xi32>, vector<16xi1> -> vector<16xi32>
    %sub3A_313 = arith.constant 1 : i32
    %sub3A_314 = vector.broadcast %sub3A_313 : i32 to vector<16xi32>
    %sub3A_315 = arith.subi %masked_cumsum3A_312, %sub3A_314 : vector<16xi32>
    %add3A_316 = vector.broadcast %add3A_301 : i32 to vector<16xi32>
    %add3A_317 = arith.addi %add3A_316, %sub3A_315 : vector<16xi32>
    %add3A_318 = arith.constant 160 : i32
    %add3A_319 = arith.addi %mul3A_32, %add3A_318 : i32
    %add3A_320 = vector.broadcast %add3A_319 : i32 to vector<16xi32>
    %add3A_321 = arith.addi %add3A_320, %iota3A : vector<16xi32>
    tpu.vector_store_idx %arg7[%add3A_317], %add3A_321 masked %eq3A_308 : memref<256xi32, #tpu.memory_space<vmem>>[vector<16xi32>], vector<16xi32>, vector<16xi1>
    %reduce_sum3A_322 = arith.constant true
    %reduce_sum3A_323 = vector.broadcast %reduce_sum3A_322 : i1 to vector<16xi1>
    %reduce_sum3A_324 = tpu.scan <sum>, %convert_element_type3A_309 masked %reduce_sum3A_323 : vector<16xi32>, vector<16xi1> -> vector<16xi32>
    %reduce_sum3A_325 = vector.extract %reduce_sum3A_324[15] : i32 from vector<16xi32>
    %add3A_326 = arith.addi %add3A_301, %reduce_sum3A_325 : i32
    %add3A_327 = arith.constant 176 : i32
    %add3A_328 = arith.addi %mul3A_52, %add3A_327 : i32
    %get3A_329 = arith.index_cast %add3A_328 : i32 to index
    %get3A_330 = tpu.vector_load %arg6[%get3A_329] {strides = array<i32>} : memref<4096xi32, #tpu.memory_space<vmem>>, vector<16xi32>,
    %eq3A_331 = arith.constant 7 : i32
    %eq3A_332 = vector.broadcast %eq3A_331 : i32 to vector<16xi32>
    %eq3A_333 = arith.cmpi eq, %get3A_330, %eq3A_332 : vector<16xi32>
    %convert_element_type3A_334 = arith.extui %eq3A_333 : vector<16xi1> to vector<16xi32>
    %broadcast_in_dim3A_335 = arith.constant true
    %broadcast_in_dim3A_336 = vector.broadcast %broadcast_in_dim3A_335 : i1 to vector<16xi1>
    %masked_cumsum3A_337 = tpu.scan <sum>, %convert_element_type3A_334 masked %broadcast_in_dim3A_336 : vector<16xi32>, vector<16xi1> -> vector<16xi32>
    %sub3A_338 = arith.constant 1 : i32
    %sub3A_339 = vector.broadcast %sub3A_338 : i32 to vector<16xi32>
    %sub3A_340 = arith.subi %masked_cumsum3A_337, %sub3A_339 : vector<16xi32>
    %add3A_341 = vector.broadcast %add3A_326 : i32 to vector<16xi32>
    %add3A_342 = arith.addi %add3A_341, %sub3A_340 : vector<16xi32>
    %add3A_343 = arith.constant 176 : i32
    %add3A_344 = arith.addi %mul3A_32, %add3A_343 : i32
    %add3A_345 = vector.broadcast %add3A_344 : i32 to vector<16xi32>
    %add3A_346 = arith.addi %add3A_345, %iota3A : vector<16xi32>
    tpu.vector_store_idx %arg7[%add3A_342], %add3A_346 masked %eq3A_333 : memref<256xi32, #tpu.memory_space<vmem>>[vector<16xi32>], vector<16xi32>, vector<16xi1>
    %reduce_sum3A_347 = arith.constant true
    %reduce_sum3A_348 = vector.broadcast %reduce_sum3A_347 : i1 to vector<16xi1>
    %reduce_sum3A_349 = tpu.scan <sum>, %convert_element_type3A_334 masked %reduce_sum3A_348 : vector<16xi32>, vector<16xi1> -> vector<16xi32>
    %reduce_sum3A_350 = vector.extract %reduce_sum3A_349[15] : i32 from vector<16xi32>
    %add3A_351 = arith.addi %add3A_326, %reduce_sum3A_350 : i32
    %add3A_352 = arith.constant 192 : i32
    %add3A_353 = arith.addi %mul3A_52, %add3A_352 : i32
    %get3A_354 = arith.index_cast %add3A_353 : i32 to index
    %get3A_355 = tpu.vector_load %arg6[%get3A_354] {strides = array<i32>} : memref<4096xi32, #tpu.memory_space<vmem>>, vector<16xi32>,
    %eq3A_356 = arith.constant 7 : i32
    %eq3A_357 = vector.broadcast %eq3A_356 : i32 to vector<16xi32>
    %eq3A_358 = arith.cmpi eq, %get3A_355, %eq3A_357 : vector<16xi32>
    %convert_element_type3A_359 = arith.extui %eq3A_358 : vector<16xi1> to vector<16xi32>
    %broadcast_in_dim3A_360 = arith.constant true
    %broadcast_in_dim3A_361 = vector.broadcast %broadcast_in_dim3A_360 : i1 to vector<16xi1>
    %masked_cumsum3A_362 = tpu.scan <sum>, %convert_element_type3A_359 masked %broadcast_in_dim3A_361 : vector<16xi32>, vector<16xi1> -> vector<16xi32>
    %sub3A_363 = arith.constant 1 : i32
    %sub3A_364 = vector.broadcast %sub3A_363 : i32 to vector<16xi32>
    %sub3A_365 = arith.subi %masked_cumsum3A_362, %sub3A_364 : vector<16xi32>
    %add3A_366 = vector.broadcast %add3A_351 : i32 to vector<16xi32>
    %add3A_367 = arith.addi %add3A_366, %sub3A_365 : vector<16xi32>
    %add3A_368 = arith.constant 192 : i32
    %add3A_369 = arith.addi %mul3A_32, %add3A_368 : i32
    %add3A_370 = vector.broadcast %add3A_369 : i32 to vector<16xi32>
    %add3A_371 = arith.addi %add3A_370, %iota3A : vector<16xi32>
    tpu.vector_store_idx %arg7[%add3A_367], %add3A_371 masked %eq3A_358 : memref<256xi32, #tpu.memory_space<vmem>>[vector<16xi32>], vector<16xi32>, vector<16xi1>
    %reduce_sum3A_372 = arith.constant true
    %reduce_sum3A_373 = vector.broadcast %reduce_sum3A_372 : i1 to vector<16xi1>
    %reduce_sum3A_374 = tpu.scan <sum>, %convert_element_type3A_359 masked %reduce_sum3A_373 : vector<16xi32>, vector<16xi1> -> vector<16xi32>
    %reduce_sum3A_375 = vector.extract %reduce_sum3A_374[15] : i32 from vector<16xi32>
    %add3A_376 = arith.addi %add3A_351, %reduce_sum3A_375 : i32
    %add3A_377 = arith.constant 208 : i32
    %add3A_378 = arith.addi %mul3A_52, %add3A_377 : i32
    %get3A_379 = arith.index_cast %add3A_378 : i32 to index
    %get3A_380 = tpu.vector_load %arg6[%get3A_379] {strides = array<i32>} : memref<4096xi32, #tpu.memory_space<vmem>>, vector<16xi32>,
    %eq3A_381 = arith.constant 7 : i32
    %eq3A_382 = vector.broadcast %eq3A_381 : i32 to vector<16xi32>
    %eq3A_383 = arith.cmpi eq, %get3A_380, %eq3A_382 : vector<16xi32>
    %convert_element_type3A_384 = arith.extui %eq3A_383 : vector<16xi1> to vector<16xi32>
    %broadcast_in_dim3A_385 = arith.constant true
    %broadcast_in_dim3A_386 = vector.broadcast %broadcast_in_dim3A_385 : i1 to vector<16xi1>
    %masked_cumsum3A_387 = tpu.scan <sum>, %convert_element_type3A_384 masked %broadcast_in_dim3A_386 : vector<16xi32>, vector<16xi1> -> vector<16xi32>
    %sub3A_388 = arith.constant 1 : i32
    %sub3A_389 = vector.broadcast %sub3A_388 : i32 to vector<16xi32>
    %sub3A_390 = arith.subi %masked_cumsum3A_387, %sub3A_389 : vector<16xi32>
    %add3A_391 = vector.broadcast %add3A_376 : i32 to vector<16xi32>
    %add3A_392 = arith.addi %add3A_391, %sub3A_390 : vector<16xi32>
    %add3A_393 = arith.constant 208 : i32
    %add3A_394 = arith.addi %mul3A_32, %add3A_393 : i32
    %add3A_395 = vector.broadcast %add3A_394 : i32 to vector<16xi32>
    %add3A_396 = arith.addi %add3A_395, %iota3A : vector<16xi32>
    tpu.vector_store_idx %arg7[%add3A_392], %add3A_396 masked %eq3A_383 : memref<256xi32, #tpu.memory_space<vmem>>[vector<16xi32>], vector<16xi32>, vector<16xi1>
    %reduce_sum3A_397 = arith.constant true
    %reduce_sum3A_398 = vector.broadcast %reduce_sum3A_397 : i1 to vector<16xi1>
    %reduce_sum3A_399 = tpu.scan <sum>, %convert_element_type3A_384 masked %reduce_sum3A_398 : vector<16xi32>, vector<16xi1> -> vector<16xi32>
    %reduce_sum3A_400 = vector.extract %reduce_sum3A_399[15] : i32 from vector<16xi32>
    %add3A_401 = arith.addi %add3A_376, %reduce_sum3A_400 : i32
    %add3A_402 = arith.constant 224 : i32
    %add3A_403 = arith.addi %mul3A_52, %add3A_402 : i32
    %get3A_404 = arith.index_cast %add3A_403 : i32 to index
    %get3A_405 = tpu.vector_load %arg6[%get3A_404] {strides = array<i32>} : memref<4096xi32, #tpu.memory_space<vmem>>, vector<16xi32>,
    %eq3A_406 = arith.constant 7 : i32
    %eq3A_407 = vector.broadcast %eq3A_406 : i32 to vector<16xi32>
    %eq3A_408 = arith.cmpi eq, %get3A_405, %eq3A_407 : vector<16xi32>
    %convert_element_type3A_409 = arith.extui %eq3A_408 : vector<16xi1> to vector<16xi32>
    %broadcast_in_dim3A_410 = arith.constant true
    %broadcast_in_dim3A_411 = vector.broadcast %broadcast_in_dim3A_410 : i1 to vector<16xi1>
    %masked_cumsum3A_412 = tpu.scan <sum>, %convert_element_type3A_409 masked %broadcast_in_dim3A_411 : vector<16xi32>, vector<16xi1> -> vector<16xi32>
    %sub3A_413 = arith.constant 1 : i32
    %sub3A_414 = vector.broadcast %sub3A_413 : i32 to vector<16xi32>
    %sub3A_415 = arith.subi %masked_cumsum3A_412, %sub3A_414 : vector<16xi32>
    %add3A_416 = vector.broadcast %add3A_401 : i32 to vector<16xi32>
    %add3A_417 = arith.addi %add3A_416, %sub3A_415 : vector<16xi32>
    %add3A_418 = arith.constant 224 : i32
    %add3A_419 = arith.addi %mul3A_32, %add3A_418 : i32
    %add3A_420 = vector.broadcast %add3A_419 : i32 to vector<16xi32>
    %add3A_421 = arith.addi %add3A_420, %iota3A : vector<16xi32>
    tpu.vector_store_idx %arg7[%add3A_417], %add3A_421 masked %eq3A_408 : memref<256xi32, #tpu.memory_space<vmem>>[vector<16xi32>], vector<16xi32>, vector<16xi1>
    %reduce_sum3A_422 = arith.constant true
    %reduce_sum3A_423 = vector.broadcast %reduce_sum3A_422 : i1 to vector<16xi1>
    %reduce_sum3A_424 = tpu.scan <sum>, %convert_element_type3A_409 masked %reduce_sum3A_423 : vector<16xi32>, vector<16xi1> -> vector<16xi32>
    %reduce_sum3A_425 = vector.extract %reduce_sum3A_424[15] : i32 from vector<16xi32>
    %add3A_426 = arith.addi %add3A_401, %reduce_sum3A_425 : i32
    %add3A_427 = arith.constant 240 : i32
    %add3A_428 = arith.addi %mul3A_52, %add3A_427 : i32
    %get3A_429 = arith.index_cast %add3A_428 : i32 to index
    %get3A_430 = tpu.vector_load %arg6[%get3A_429] {strides = array<i32>} : memref<4096xi32, #tpu.memory_space<vmem>>, vector<16xi32>,
    %eq3A_431 = arith.constant 7 : i32
    %eq3A_432 = vector.broadcast %eq3A_431 : i32 to vector<16xi32>
    %eq3A_433 = arith.cmpi eq, %get3A_430, %eq3A_432 : vector<16xi32>
    %convert_element_type3A_434 = arith.extui %eq3A_433 : vector<16xi1> to vector<16xi32>
    %broadcast_in_dim3A_435 = arith.constant true
    %broadcast_in_dim3A_436 = vector.broadcast %broadcast_in_dim3A_435 : i1 to vector<16xi1>
    %masked_cumsum3A_437 = tpu.scan <sum>, %convert_element_type3A_434 masked %broadcast_in_dim3A_436 : vector<16xi32>, vector<16xi1> -> vector<16xi32>
    %sub3A_438 = arith.constant 1 : i32
    %sub3A_439 = vector.broadcast %sub3A_438 : i32 to vector<16xi32>
    %sub3A_440 = arith.subi %masked_cumsum3A_437, %sub3A_439 : vector<16xi32>
    %add3A_441 = vector.broadcast %add3A_426 : i32 to vector<16xi32>
    %add3A_442 = arith.addi %add3A_441, %sub3A_440 : vector<16xi32>
    %add3A_443 = arith.constant 240 : i32
    %add3A_444 = arith.addi %mul3A_32, %add3A_443 : i32
    %add3A_445 = vector.broadcast %add3A_444 : i32 to vector<16xi32>
    %add3A_446 = arith.addi %add3A_445, %iota3A : vector<16xi32>
    tpu.vector_store_idx %arg7[%add3A_442], %add3A_446 masked %eq3A_433 : memref<256xi32, #tpu.memory_space<vmem>>[vector<16xi32>], vector<16xi32>, vector<16xi1>
    %reduce_sum3A_447 = arith.constant true
    %reduce_sum3A_448 = vector.broadcast %reduce_sum3A_447 : i1 to vector<16xi1>
    %reduce_sum3A_449 = tpu.scan <sum>, %convert_element_type3A_434 masked %reduce_sum3A_448 : vector<16xi32>, vector<16xi1> -> vector<16xi32>
    %reduce_sum3A_450 = vector.extract %reduce_sum3A_449[15] : i32 from vector<16xi32>
    %add3A_451 = arith.addi %add3A_426, %reduce_sum3A_450 : i32
    %add3A_452 = arith.constant 0 : i32
    %add3A_453 = arith.addi %mul3A_32, %add3A_452 : i32
    %dma_start3A = arith.constant 0 : i32
    %dma_start3A_454 = tpu.memref_slice %arg2[%add3A_453, %dma_start3A] : memref<8192x2048xf32, #tpu.memory_space<hbm>> -> memref<8x2048xf32, #tpu.memory_space<hbm>>
    %dma_start3A_455 = arith.constant 0 : i32
    %dma_start3A_456 = tpu.memref_slice %arg2[%add3A_453, %dma_start3A_455] : memref<8192x2048xf32, #tpu.memory_space<hbm>> -> memref<8x2048xf32, #tpu.memory_space<hbm>>
    tpu.enqueue_dma source(%dma_start3A_456 : memref<8x2048xf32, #tpu.memory_space<hbm>>) target(%arg8 : memref<8x2048xf32, #tpu.memory_space<vmem>>) target_semaphore(%arg13 : memref<!tpu.dma_semaphore, #tpu.memory_space<semaphore_mem>>)
    %add3A_457 = arith.constant 8 : i32
    %add3A_458 = arith.addi %mul3A_32, %add3A_457 : i32
    %dma_start3A_459 = arith.constant 0 : i32
    %dma_start3A_460 = tpu.memref_slice %arg2[%add3A_458, %dma_start3A_459] : memref<8192x2048xf32, #tpu.memory_space<hbm>> -> memref<8x2048xf32, #tpu.memory_space<hbm>>
    %dma_start3A_461 = arith.constant 0 : i32
    %dma_start3A_462 = tpu.memref_slice %arg2[%add3A_458, %dma_start3A_461] : memref<8192x2048xf32, #tpu.memory_space<hbm>> -> memref<8x2048xf32, #tpu.memory_space<hbm>>
    tpu.enqueue_dma source(%dma_start3A_462 : memref<8x2048xf32, #tpu.memory_space<hbm>>) target(%arg9 : memref<8x2048xf32, #tpu.memory_space<vmem>>) target_semaphore(%arg14 : memref<!tpu.dma_semaphore, #tpu.memory_space<semaphore_mem>>)
    %dma_wait3A = arith.constant 0 : i32
    %dma_wait3A_463 = tpu.memref_slice %arg2[%add3A_453, %dma_wait3A] : memref<8192x2048xf32, #tpu.memory_space<hbm>> -> memref<8x2048xf32, #tpu.memory_space<hbm>>
    %dma_wait3A_464 = arith.constant 0 : i32
    %dma_wait3A_465 = tpu.memref_slice %arg2[%add3A_453, %dma_wait3A_464] : memref<8192x2048xf32, #tpu.memory_space<hbm>> -> memref<8x2048xf32, #tpu.memory_space<hbm>>
    tpu.wait_dma2 semaphore(%arg13 : memref<!tpu.dma_semaphore, #tpu.memory_space<semaphore_mem>>) src(%dma_wait3A_465 : memref<8x2048xf32, #tpu.memory_space<hbm>>) dst(%arg8 : memref<8x2048xf32, #tpu.memory_space<vmem>>)
    %add3A_466 = arith.constant 0 : i32
    %add3A_467 = arith.addi %mul3A_32, %add3A_466 : i32
    %dma_start3A_468 = arith.constant 0 : i32
    %dma_start3A_469 = tpu.memref_slice %arg5[%add3A_467, %dma_start3A_468] : memref<8192x2048xf32, #tpu.memory_space<hbm>> -> memref<8x2048xf32, #tpu.memory_space<hbm>>
    %dma_start3A_470 = arith.constant 0 : i32
    %dma_start3A_471 = tpu.memref_slice %arg5[%add3A_467, %dma_start3A_470] : memref<8192x2048xf32, #tpu.memory_space<hbm>> -> memref<8x2048xf32, #tpu.memory_space<hbm>>
    tpu.enqueue_dma source(%arg8 : memref<8x2048xf32, #tpu.memory_space<vmem>>) target(%dma_start3A_471 : memref<8x2048xf32, #tpu.memory_space<hbm>>) target_semaphore(%arg15 : memref<!tpu.dma_semaphore, #tpu.memory_space<semaphore_mem>>)
    %dma_wait3A_472 = arith.constant 0 : i32
    %dma_wait3A_473 = tpu.memref_slice %arg5[%add3A_467, %dma_wait3A_472] : memref<8192x2048xf32, #tpu.memory_space<hbm>> -> memref<8x2048xf32, #tpu.memory_space<hbm>>
    %dma_wait3A_474 = arith.constant 0 : i32
    %dma_wait3A_475 = tpu.memref_slice %arg5[%add3A_467, %dma_wait3A_474] : memref<8192x2048xf32, #tpu.memory_space<hbm>> -> memref<8x2048xf32, #tpu.memory_space<hbm>>
    tpu.wait_dma2 semaphore(%arg15 : memref<!tpu.dma_semaphore, #tpu.memory_space<semaphore_mem>>) src(%arg8 : memref<8x2048xf32, #tpu.memory_space<vmem>>) dst(%dma_wait3A_475 : memref<8x2048xf32, #tpu.memory_space<hbm>>)
    %add3A_476 = arith.constant 16 : i32
    %add3A_477 = arith.addi %mul3A_32, %add3A_476 : i32
    %dma_start3A_478 = arith.constant 0 : i32
    %dma_start3A_479 = tpu.memref_slice %arg2[%add3A_477, %dma_start3A_478] : memref<8192x2048xf32, #tpu.memory_space<hbm>> -> memref<8x2048xf32, #tpu.memory_space<hbm>>
    %dma_start3A_480 = arith.constant 0 : i32
    %dma_start3A_481 = tpu.memref_slice %arg2[%add3A_477, %dma_start3A_480] : memref<8192x2048xf32, #tpu.memory_space<hbm>> -> memref<8x2048xf32, #tpu.memory_space<hbm>>
    tpu.enqueue_dma source(%dma_start3A_481 : memref<8x2048xf32, #tpu.memory_space<hbm>>) target(%arg8 : memref<8x2048xf32, #tpu.memory_space<vmem>>) target_semaphore(%arg13 : memref<!tpu.dma_semaphore, #tpu.memory_space<semaphore_mem>>)
    %dma_wait3A_482 = arith.constant 0 : i32
    %dma_wait3A_483 = tpu.memref_slice %arg2[%add3A_458, %dma_wait3A_482] : memref<8192x2048xf32, #tpu.memory_space<hbm>> -> memref<8x2048xf32, #tpu.memory_space<hbm>>
    %dma_wait3A_484 = arith.constant 0 : i32
    %dma_wait3A_485 = tpu.memref_slice %arg2[%add3A_458, %dma_wait3A_484] : memref<8192x2048xf32, #tpu.memory_space<hbm>> -> memref<8x2048xf32, #tpu.memory_space<hbm>>
    tpu.wait_dma2 semaphore(%arg14 : memref<!tpu.dma_semaphore, #tpu.memory_space<semaphore_mem>>) src(%dma_wait3A_485 : memref<8x2048xf32, #tpu.memory_space<hbm>>) dst(%arg9 : memref<8x2048xf32, #tpu.memory_space<vmem>>)
    %add3A_486 = arith.constant 8 : i32
    %add3A_487 = arith.addi %mul3A_32, %add3A_486 : i32
    %dma_start3A_488 = arith.constant 0 : i32
    %dma_start3A_489 = tpu.memref_slice %arg5[%add3A_487, %dma_start3A_488] : memref<8192x2048xf32, #tpu.memory_space<hbm>> -> memref<8x2048xf32, #tpu.memory_space<hbm>>
    %dma_start3A_490 = arith.constant 0 : i32
    %dma_start3A_491 = tpu.memref_slice %arg5[%add3A_487, %dma_start3A_490] : memref<8192x2048xf32, #tpu.memory_space<hbm>> -> memref<8x2048xf32, #tpu.memory_space<hbm>>
    tpu.enqueue_dma source(%arg9 : memref<8x2048xf32, #tpu.memory_space<vmem>>) target(%dma_start3A_491 : memref<8x2048xf32, #tpu.memory_space<hbm>>) target_semaphore(%arg16 : memref<!tpu.dma_semaphore, #tpu.memory_space<semaphore_mem>>)
    %dma_wait3A_492 = arith.constant 0 : i32
    %dma_wait3A_493 = tpu.memref_slice %arg5[%add3A_487, %dma_wait3A_492] : memref<8192x2048xf32, #tpu.memory_space<hbm>> -> memref<8x2048xf32, #tpu.memory_space<hbm>>
    %dma_wait3A_494 = arith.constant 0 : i32
    %dma_wait3A_495 = tpu.memref_slice %arg5[%add3A_487, %dma_wait3A_494] : memref<8192x2048xf32, #tpu.memory_space<hbm>> -> memref<8x2048xf32, #tpu.memory_space<hbm>>
    tpu.wait_dma2 semaphore(%arg16 : memref<!tpu.dma_semaphore, #tpu.memory_space<semaphore_mem>>) src(%arg9 : memref<8x2048xf32, #tpu.memory_space<vmem>>) dst(%dma_wait3A_495 : memref<8x2048xf32, #tpu.memory_space<hbm>>)
    %add3A_496 = arith.constant 24 : i32
    %add3A_497 = arith.addi %mul3A_32, %add3A_496 : i32
    %dma_start3A_498 = arith.constant 0 : i32
    %dma_start3A_499 = tpu.memref_slice %arg2[%add3A_497, %dma_start3A_498] : memref<8192x2048xf32, #tpu.memory_space<hbm>> -> memref<8x2048xf32, #tpu.memory_space<hbm>>
    %dma_start3A_500 = arith.constant 0 : i32
    %dma_start3A_501 = tpu.memref_slice %arg2[%add3A_497, %dma_start3A_500] : memref<8192x2048xf32, #tpu.memory_space<hbm>> -> memref<8x2048xf32, #tpu.memory_space<hbm>>
    tpu.enqueue_dma source(%dma_start3A_501 : memref<8x2048xf32, #tpu.memory_space<hbm>>) target(%arg9 : memref<8x2048xf32, #tpu.memory_space<vmem>>) target_semaphore(%arg14 : memref<!tpu.dma_semaphore, #tpu.memory_space<semaphore_mem>>)
    %dma_wait3A_502 = arith.constant 0 : i32
    %dma_wait3A_503 = tpu.memref_slice %arg2[%add3A_477, %dma_wait3A_502] : memref<8192x2048xf32, #tpu.memory_space<hbm>> -> memref<8x2048xf32, #tpu.memory_space<hbm>>
    %dma_wait3A_504 = arith.constant 0 : i32
    %dma_wait3A_505 = tpu.memref_slice %arg2[%add3A_477, %dma_wait3A_504] : memref<8192x2048xf32, #tpu.memory_space<hbm>> -> memref<8x2048xf32, #tpu.memory_space<hbm>>
    tpu.wait_dma2 semaphore(%arg13 : memref<!tpu.dma_semaphore, #tpu.memory_space<semaphore_mem>>) src(%dma_wait3A_505 : memref<8x2048xf32, #tpu.memory_space<hbm>>) dst(%arg8 : memref<8x2048xf32, #tpu.memory_space<vmem>>)
    %add3A_506 = arith.constant 16 : i32
    %add3A_507 = arith.addi %mul3A_32, %add3A_506 : i32
    %dma_start3A_508 = arith.constant 0 : i32
    %dma_start3A_509 = tpu.memref_slice %arg5[%add3A_507, %dma_start3A_508] : memref<8192x2048xf32, #tpu.memory_space<hbm>> -> memref<8x2048xf32, #tpu.memory_space<hbm>>
    %dma_start3A_510 = arith.constant 0 : i32
    %dma_start3A_511 = tpu.memref_slice %arg5[%add3A_507, %dma_start3A_510] : memref<8192x2048xf32, #tpu.memory_space<hbm>> -> memref<8x2048xf32, #tpu.memory_space<hbm>>
    tpu.enqueue_dma source(%arg8 : memref<8x2048xf32, #tpu.memory_space<vmem>>) target(%dma_start3A_511 : memref<8x2048xf32, #tpu.memory_space<hbm>>) target_semaphore(%arg15 : memref<!tpu.dma_semaphore, #tpu.memory_space<semaphore_mem>>)
    %dma_wait3A_512 = arith.constant 0 : i32
    %dma_wait3A_513 = tpu.memref_slice %arg5[%add3A_507, %dma_wait3A_512] : memref<8192x2048xf32, #tpu.memory_space<hbm>> -> memref<8x2048xf32, #tpu.memory_space<hbm>>
    %dma_wait3A_514 = arith.constant 0 : i32
    %dma_wait3A_515 = tpu.memref_slice %arg5[%add3A_507, %dma_wait3A_514] : memref<8192x2048xf32, #tpu.memory_space<hbm>> -> memref<8x2048xf32, #tpu.memory_space<hbm>>
    tpu.wait_dma2 semaphore(%arg15 : memref<!tpu.dma_semaphore, #tpu.memory_space<semaphore_mem>>) src(%arg8 : memref<8x2048xf32, #tpu.memory_space<vmem>>) dst(%dma_wait3A_515 : memref<8x2048xf32, #tpu.memory_space<hbm>>)
    %add3A_516 = arith.constant 32 : i32
    %add3A_517 = arith.addi %mul3A_32, %add3A_516 : i32
    %dma_start3A_518 = arith.constant 0 : i32
    %dma_start3A_519 = tpu.memref_slice %arg2[%add3A_517, %dma_start3A_518] : memref<8192x2048xf32, #tpu.memory_space<hbm>> -> memref<8x2048xf32, #tpu.memory_space<hbm>>
    %dma_start3A_520 = arith.constant 0 : i32
    %dma_start3A_521 = tpu.memref_slice %arg2[%add3A_517, %dma_start3A_520] : memref<8192x2048xf32, #tpu.memory_space<hbm>> -> memref<8x2048xf32, #tpu.memory_space<hbm>>
    tpu.enqueue_dma source(%dma_start3A_521 : memref<8x2048xf32, #tpu.memory_space<hbm>>) target(%arg8 : memref<8x2048xf32, #tpu.memory_space<vmem>>) target_semaphore(%arg13 : memref<!tpu.dma_semaphore, #tpu.memory_space<semaphore_mem>>)
    %dma_wait3A_522 = arith.constant 0 : i32
    %dma_wait3A_523 = tpu.memref_slice %arg2[%add3A_497, %dma_wait3A_522] : memref<8192x2048xf32, #tpu.memory_space<hbm>> -> memref<8x2048xf32, #tpu.memory_space<hbm>>
    %dma_wait3A_524 = arith.constant 0 : i32
    %dma_wait3A_525 = tpu.memref_slice %arg2[%add3A_497, %dma_wait3A_524] : memref<8192x2048xf32, #tpu.memory_space<hbm>> -> memref<8x2048xf32, #tpu.memory_space<hbm>>
    tpu.wait_dma2 semaphore(%arg14 : memref<!tpu.dma_semaphore, #tpu.memory_space<semaphore_mem>>) src(%dma_wait3A_525 : memref<8x2048xf32, #tpu.memory_space<hbm>>) dst(%arg9 : memref<8x2048xf32, #tpu.memory_space<vmem>>)
    %add3A_526 = arith.constant 24 : i32
    %add3A_527 = arith.addi %mul3A_32, %add3A_526 : i32
    %dma_start3A_528 = arith.constant 0 : i32
    %dma_start3A_529 = tpu.memref_slice %arg5[%add3A_527, %dma_start3A_528] : memref<8192x2048xf32, #tpu.memory_space<hbm>> -> memref<8x2048xf32, #tpu.memory_space<hbm>>
    %dma_start3A_530 = arith.constant 0 : i32
    %dma_start3A_531 = tpu.memref_slice %arg5[%add3A_527, %dma_start3A_530] : memref<8192x2048xf32, #tpu.memory_space<hbm>> -> memref<8x2048xf32, #tpu.memory_space<hbm>>
    tpu.enqueue_dma source(%arg9 : memref<8x2048xf32, #tpu.memory_space<vmem>>) target(%dma_start3A_531 : memref<8x2048xf32, #tpu.memory_space<hbm>>) target_semaphore(%arg16 : memref<!tpu.dma_semaphore, #tpu.memory_space<semaphore_mem>>)
    %dma_wait3A_532 = arith.constant 0 : i32
    %dma_wait3A_533 = tpu.memref_slice %arg5[%add3A_527, %dma_wait3A_532] : memref<8192x2048xf32, #tpu.memory_space<hbm>> -> memref<8x2048xf32, #tpu.memory_space<hbm>>
    %dma_wait3A_534 = arith.constant 0 : i32
    %dma_wait3A_535 = tpu.memref_slice %arg5[%add3A_527, %dma_wait3A_534] : memref<8192x2048xf32, #tpu.memory_space<hbm>> -> memref<8x2048xf32, #tpu.memory_space<hbm>>
    tpu.wait_dma2 semaphore(%arg16 : memref<!tpu.dma_semaphore, #tpu.memory_space<semaphore_mem>>) src(%arg9 : memref<8x2048xf32, #tpu.memory_space<vmem>>) dst(%dma_wait3A_535 : memref<8x2048xf32, #tpu.memory_space<hbm>>)
    %add3A_536 = arith.constant 40 : i32
    %add3A_537 = arith.addi %mul3A_32, %add3A_536 : i32
    %dma_start3A_538 = arith.constant 0 : i32
    %dma_start3A_539 = tpu.memref_slice %arg2[%add3A_537, %dma_start3A_538] : memref<8192x2048xf32, #tpu.memory_space<hbm>> -> memref<8x2048xf32, #tpu.memory_space<hbm>>
    %dma_start3A_540 = arith.constant 0 : i32
    %dma_start3A_541 = tpu.memref_slice %arg2[%add3A_537, %dma_start3A_540] : memref<8192x2048xf32, #tpu.memory_space<hbm>> -> memref<8x2048xf32, #tpu.memory_space<hbm>>
    tpu.enqueue_dma source(%dma_start3A_541 : memref<8x2048xf32, #tpu.memory_space<hbm>>) target(%arg9 : memref<8x2048xf32, #tpu.memory_space<vmem>>) target_semaphore(%arg14 : memref<!tpu.dma_semaphore, #tpu.memory_space<semaphore_mem>>)
    %dma_wait3A_542 = arith.constant 0 : i32
    %dma_wait3A_543 = tpu.memref_slice %arg2[%add3A_517, %dma_wait3A_542] : memref<8192x2048xf32, #tpu.memory_space<hbm>> -> memref<8x2048xf32, #tpu.memory_space<hbm>>
    %dma_wait3A_544 = arith.constant 0 : i32
    %dma_wait3A_545 = tpu.memref_slice %arg2[%add3A_517, %dma_wait3A_544] : memref<8192x2048xf32, #tpu.memory_space<hbm>> -> memref<8x2048xf32, #tpu.memory_space<hbm>>
    tpu.wait_dma2 semaphore(%arg13 : memref<!tpu.dma_semaphore, #tpu.memory_space<semaphore_mem>>) src(%dma_wait3A_545 : memref<8x2048xf32, #tpu.memory_space<hbm>>) dst(%arg8 : memref<8x2048xf32, #tpu.memory_space<vmem>>)
    %add3A_546 = arith.constant 32 : i32
    %add3A_547 = arith.addi %mul3A_32, %add3A_546 : i32
    %dma_start3A_548 = arith.constant 0 : i32
    %dma_start3A_549 = tpu.memref_slice %arg5[%add3A_547, %dma_start3A_548] : memref<8192x2048xf32, #tpu.memory_space<hbm>> -> memref<8x2048xf32, #tpu.memory_space<hbm>>
    %dma_start3A_550 = arith.constant 0 : i32
    %dma_start3A_551 = tpu.memref_slice %arg5[%add3A_547, %dma_start3A_550] : memref<8192x2048xf32, #tpu.memory_space<hbm>> -> memref<8x2048xf32, #tpu.memory_space<hbm>>
    tpu.enqueue_dma source(%arg8 : memref<8x2048xf32, #tpu.memory_space<vmem>>) target(%dma_start3A_551 : memref<8x2048xf32, #tpu.memory_space<hbm>>) target_semaphore(%arg15 : memref<!tpu.dma_semaphore, #tpu.memory_space<semaphore_mem>>)
    %dma_wait3A_552 = arith.constant 0 : i32
    %dma_wait3A_553 = tpu.memref_slice %arg5[%add3A_547, %dma_wait3A_552] : memref<8192x2048xf32, #tpu.memory_space<hbm>> -> memref<8x2048xf32, #tpu.memory_space<hbm>>
    %dma_wait3A_554 = arith.constant 0 : i32
    %dma_wait3A_555 = tpu.memref_slice %arg5[%add3A_547, %dma_wait3A_554] : memref<8192x2048xf32, #tpu.memory_space<hbm>> -> memref<8x2048xf32, #tpu.memory_space<hbm>>
    tpu.wait_dma2 semaphore(%arg15 : memref<!tpu.dma_semaphore, #tpu.memory_space<semaphore_mem>>) src(%arg8 : memref<8x2048xf32, #tpu.memory_space<vmem>>) dst(%dma_wait3A_555 : memref<8x2048xf32, #tpu.memory_space<hbm>>)
    %add3A_556 = arith.constant 48 : i32
    %add3A_557 = arith.addi %mul3A_32, %add3A_556 : i32
    %dma_start3A_558 = arith.constant 0 : i32
    %dma_start3A_559 = tpu.memref_slice %arg2[%add3A_557, %dma_start3A_558] : memref<8192x2048xf32, #tpu.memory_space<hbm>> -> memref<8x2048xf32, #tpu.memory_space<hbm>>
    %dma_start3A_560 = arith.constant 0 : i32
    %dma_start3A_561 = tpu.memref_slice %arg2[%add3A_557, %dma_start3A_560] : memref<8192x2048xf32, #tpu.memory_space<hbm>> -> memref<8x2048xf32, #tpu.memory_space<hbm>>
    tpu.enqueue_dma source(%dma_start3A_561 : memref<8x2048xf32, #tpu.memory_space<hbm>>) target(%arg8 : memref<8x2048xf32, #tpu.memory_space<vmem>>) target_semaphore(%arg13 : memref<!tpu.dma_semaphore, #tpu.memory_space<semaphore_mem>>)
    %dma_wait3A_562 = arith.constant 0 : i32
    %dma_wait3A_563 = tpu.memref_slice %arg2[%add3A_537, %dma_wait3A_562] : memref<8192x2048xf32, #tpu.memory_space<hbm>> -> memref<8x2048xf32, #tpu.memory_space<hbm>>
    %dma_wait3A_564 = arith.constant 0 : i32
    %dma_wait3A_565 = tpu.memref_slice %arg2[%add3A_537, %dma_wait3A_564] : memref<8192x2048xf32, #tpu.memory_space<hbm>> -> memref<8x2048xf32, #tpu.memory_space<hbm>>
    tpu.wait_dma2 semaphore(%arg14 : memref<!tpu.dma_semaphore, #tpu.memory_space<semaphore_mem>>) src(%dma_wait3A_565 : memref<8x2048xf32, #tpu.memory_space<hbm>>) dst(%arg9 : memref<8x2048xf32, #tpu.memory_space<vmem>>)
    %add3A_566 = arith.constant 40 : i32
    %add3A_567 = arith.addi %mul3A_32, %add3A_566 : i32
    %dma_start3A_568 = arith.constant 0 : i32
    %dma_start3A_569 = tpu.memref_slice %arg5[%add3A_567, %dma_start3A_568] : memref<8192x2048xf32, #tpu.memory_space<hbm>> -> memref<8x2048xf32, #tpu.memory_space<hbm>>
    %dma_start3A_570 = arith.constant 0 : i32
    %dma_start3A_571 = tpu.memref_slice %arg5[%add3A_567, %dma_start3A_570] : memref<8192x2048xf32, #tpu.memory_space<hbm>> -> memref<8x2048xf32, #tpu.memory_space<hbm>>
    tpu.enqueue_dma source(%arg9 : memref<8x2048xf32, #tpu.memory_space<vmem>>) target(%dma_start3A_571 : memref<8x2048xf32, #tpu.memory_space<hbm>>) target_semaphore(%arg16 : memref<!tpu.dma_semaphore, #tpu.memory_space<semaphore_mem>>)
    %dma_wait3A_572 = arith.constant 0 : i32
    %dma_wait3A_573 = tpu.memref_slice %arg5[%add3A_567, %dma_wait3A_572] : memref<8192x2048xf32, #tpu.memory_space<hbm>> -> memref<8x2048xf32, #tpu.memory_space<hbm>>
    %dma_wait3A_574 = arith.constant 0 : i32
    %dma_wait3A_575 = tpu.memref_slice %arg5[%add3A_567, %dma_wait3A_574] : memref<8192x2048xf32, #tpu.memory_space<hbm>> -> memref<8x2048xf32, #tpu.memory_space<hbm>>
    tpu.wait_dma2 semaphore(%arg16 : memref<!tpu.dma_semaphore, #tpu.memory_space<semaphore_mem>>) src(%arg9 : memref<8x2048xf32, #tpu.memory_space<vmem>>) dst(%dma_wait3A_575 : memref<8x2048xf32, #tpu.memory_space<hbm>>)
    %add3A_576 = arith.constant 56 : i32
    %add3A_577 = arith.addi %mul3A_32, %add3A_576 : i32
    %dma_start3A_578 = arith.constant 0 : i32
    %dma_start3A_579 = tpu.memref_slice %arg2[%add3A_577, %dma_start3A_578] : memref<8192x2048xf32, #tpu.memory_space<hbm>> -> memref<8x2048xf32, #tpu.memory_space<hbm>>
    %dma_start3A_580 = arith.constant 0 : i32
    %dma_start3A_581 = tpu.memref_slice %arg2[%add3A_577, %dma_start3A_580] : memref<8192x2048xf32, #tpu.memory_space<hbm>> -> memref<8x2048xf32, #tpu.memory_space<hbm>>
    tpu.enqueue_dma source(%dma_start3A_581 : memref<8x2048xf32, #tpu.memory_space<hbm>>) target(%arg9 : memref<8x2048xf32, #tpu.memory_space<vmem>>) target_semaphore(%arg14 : memref<!tpu.dma_semaphore, #tpu.memory_space<semaphore_mem>>)
    %dma_wait3A_582 = arith.constant 0 : i32
    %dma_wait3A_583 = tpu.memref_slice %arg2[%add3A_557, %dma_wait3A_582] : memref<8192x2048xf32, #tpu.memory_space<hbm>> -> memref<8x2048xf32, #tpu.memory_space<hbm>>
    %dma_wait3A_584 = arith.constant 0 : i32
    %dma_wait3A_585 = tpu.memref_slice %arg2[%add3A_557, %dma_wait3A_584] : memref<8192x2048xf32, #tpu.memory_space<hbm>> -> memref<8x2048xf32, #tpu.memory_space<hbm>>
    tpu.wait_dma2 semaphore(%arg13 : memref<!tpu.dma_semaphore, #tpu.memory_space<semaphore_mem>>) src(%dma_wait3A_585 : memref<8x2048xf32, #tpu.memory_space<hbm>>) dst(%arg8 : memref<8x2048xf32, #tpu.memory_space<vmem>>)
    %add3A_586 = arith.constant 48 : i32
    %add3A_587 = arith.addi %mul3A_32, %add3A_586 : i32
    %dma_start3A_588 = arith.constant 0 : i32
    %dma_start3A_589 = tpu.memref_slice %arg5[%add3A_587, %dma_start3A_588] : memref<8192x2048xf32, #tpu.memory_space<hbm>> -> memref<8x2048xf32, #tpu.memory_space<hbm>>
    %dma_start3A_590 = arith.constant 0 : i32
    %dma_start3A_591 = tpu.memref_slice %arg5[%add3A_587, %dma_start3A_590] : memref<8192x2048xf32, #tpu.memory_space<hbm>> -> memref<8x2048xf32, #tpu.memory_space<hbm>>
    tpu.enqueue_dma source(%arg8 : memref<8x2048xf32, #tpu.memory_space<vmem>>) target(%dma_start3A_591 : memref<8x2048xf32, #tpu.memory_space<hbm>>) target_semaphore(%arg15 : memref<!tpu.dma_semaphore, #tpu.memory_space<semaphore_mem>>)
    %dma_wait3A_592 = arith.constant 0 : i32
    %dma_wait3A_593 = tpu.memref_slice %arg5[%add3A_587, %dma_wait3A_592] : memref<8192x2048xf32, #tpu.memory_space<hbm>> -> memref<8x2048xf32, #tpu.memory_space<hbm>>
    %dma_wait3A_594 = arith.constant 0 : i32
    %dma_wait3A_595 = tpu.memref_slice %arg5[%add3A_587, %dma_wait3A_594] : memref<8192x2048xf32, #tpu.memory_space<hbm>> -> memref<8x2048xf32, #tpu.memory_space<hbm>>
    tpu.wait_dma2 semaphore(%arg15 : memref<!tpu.dma_semaphore, #tpu.memory_space<semaphore_mem>>) src(%arg8 : memref<8x2048xf32, #tpu.memory_space<vmem>>) dst(%dma_wait3A_595 : memref<8x2048xf32, #tpu.memory_space<hbm>>)
    %add3A_596 = arith.constant 64 : i32
    %add3A_597 = arith.addi %mul3A_32, %add3A_596 : i32
    %dma_start3A_598 = arith.constant 0 : i32
    %dma_start3A_599 = tpu.memref_slice %arg2[%add3A_597, %dma_start3A_598] : memref<8192x2048xf32, #tpu.memory_space<hbm>> -> memref<8x2048xf32, #tpu.memory_space<hbm>>
    %dma_start3A_600 = arith.constant 0 : i32
    %dma_start3A_601 = tpu.memref_slice %arg2[%add3A_597, %dma_start3A_600] : memref<8192x2048xf32, #tpu.memory_space<hbm>> -> memref<8x2048xf32, #tpu.memory_space<hbm>>
    tpu.enqueue_dma source(%dma_start3A_601 : memref<8x2048xf32, #tpu.memory_space<hbm>>) target(%arg8 : memref<8x2048xf32, #tpu.memory_space<vmem>>) target_semaphore(%arg13 : memref<!tpu.dma_semaphore, #tpu.memory_space<semaphore_mem>>)
    %dma_wait3A_602 = arith.constant 0 : i32
    %dma_wait3A_603 = tpu.memref_slice %arg2[%add3A_577, %dma_wait3A_602] : memref<8192x2048xf32, #tpu.memory_space<hbm>> -> memref<8x2048xf32, #tpu.memory_space<hbm>>
    %dma_wait3A_604 = arith.constant 0 : i32
    %dma_wait3A_605 = tpu.memref_slice %arg2[%add3A_577, %dma_wait3A_604] : memref<8192x2048xf32, #tpu.memory_space<hbm>> -> memref<8x2048xf32, #tpu.memory_space<hbm>>
    tpu.wait_dma2 semaphore(%arg14 : memref<!tpu.dma_semaphore, #tpu.memory_space<semaphore_mem>>) src(%dma_wait3A_605 : memref<8x2048xf32, #tpu.memory_space<hbm>>) dst(%arg9 : memref<8x2048xf32, #tpu.memory_space<vmem>>)
    %add3A_606 = arith.constant 56 : i32
    %add3A_607 = arith.addi %mul3A_32, %add3A_606 : i32
    %dma_start3A_608 = arith.constant 0 : i32
    %dma_start3A_609 = tpu.memref_slice %arg5[%add3A_607, %dma_start3A_608] : memref<8192x2048xf32, #tpu.memory_space<hbm>> -> memref<8x2048xf32, #tpu.memory_space<hbm>>
    %dma_start3A_610 = arith.constant 0 : i32
    %dma_start3A_611 = tpu.memref_slice %arg5[%add3A_607, %dma_start3A_610] : memref<8192x2048xf32, #tpu.memory_space<hbm>> -> memref<8x2048xf32, #tpu.memory_space<hbm>>
    tpu.enqueue_dma source(%arg9 : memref<8x2048xf32, #tpu.memory_space<vmem>>) target(%dma_start3A_611 : memref<8x2048xf32, #tpu.memory_space<hbm>>) target_semaphore(%arg16 : memref<!tpu.dma_semaphore, #tpu.memory_space<semaphore_mem>>)
    %dma_wait3A_612 = arith.constant 0 : i32
    %dma_wait3A_613 = tpu.memref_slice %arg5[%add3A_607, %dma_wait3A_612] : memref<8192x2048xf32, #tpu.memory_space<hbm>> -> memref<8x2048xf32, #tpu.memory_space<hbm>>
    %dma_wait3A_614 = arith.constant 0 : i32
    %dma_wait3A_615 = tpu.memref_slice %arg5[%add3A_607, %dma_wait3A_614] : memref<8192x2048xf32, #tpu.memory_space<hbm>> -> memref<8x2048xf32, #tpu.memory_space<hbm>>
    tpu.wait_dma2 semaphore(%arg16 : memref<!tpu.dma_semaphore, #tpu.memory_space<semaphore_mem>>) src(%arg9 : memref<8x2048xf32, #tpu.memory_space<vmem>>) dst(%dma_wait3A_615 : memref<8x2048xf32, #tpu.memory_space<hbm>>)
    %add3A_616 = arith.constant 72 : i32
    %add3A_617 = arith.addi %mul3A_32, %add3A_616 : i32
    %dma_start3A_618 = arith.constant 0 : i32
    %dma_start3A_619 = tpu.memref_slice %arg2[%add3A_617, %dma_start3A_618] : memref<8192x2048xf32, #tpu.memory_space<hbm>> -> memref<8x2048xf32, #tpu.memory_space<hbm>>
    %dma_start3A_620 = arith.constant 0 : i32
    %dma_start3A_621 = tpu.memref_slice %arg2[%add3A_617, %dma_start3A_620] : memref<8192x2048xf32, #tpu.memory_space<hbm>> -> memref<8x2048xf32, #tpu.memory_space<hbm>>
    tpu.enqueue_dma source(%dma_start3A_621 : memref<8x2048xf32, #tpu.memory_space<hbm>>) target(%arg9 : memref<8x2048xf32, #tpu.memory_space<vmem>>) target_semaphore(%arg14 : memref<!tpu.dma_semaphore, #tpu.memory_space<semaphore_mem>>)
    %dma_wait3A_622 = arith.constant 0 : i32
    %dma_wait3A_623 = tpu.memref_slice %arg2[%add3A_597, %dma_wait3A_622] : memref<8192x2048xf32, #tpu.memory_space<hbm>> -> memref<8x2048xf32, #tpu.memory_space<hbm>>
    %dma_wait3A_624 = arith.constant 0 : i32
    %dma_wait3A_625 = tpu.memref_slice %arg2[%add3A_597, %dma_wait3A_624] : memref<8192x2048xf32, #tpu.memory_space<hbm>> -> memref<8x2048xf32, #tpu.memory_space<hbm>>
    tpu.wait_dma2 semaphore(%arg13 : memref<!tpu.dma_semaphore, #tpu.memory_space<semaphore_mem>>) src(%dma_wait3A_625 : memref<8x2048xf32, #tpu.memory_space<hbm>>) dst(%arg8 : memref<8x2048xf32, #tpu.memory_space<vmem>>)
    %add3A_626 = arith.constant 64 : i32
    %add3A_627 = arith.addi %mul3A_32, %add3A_626 : i32
    %dma_start3A_628 = arith.constant 0 : i32
    %dma_start3A_629 = tpu.memref_slice %arg5[%add3A_627, %dma_start3A_628] : memref<8192x2048xf32, #tpu.memory_space<hbm>> -> memref<8x2048xf32, #tpu.memory_space<hbm>>
    %dma_start3A_630 = arith.constant 0 : i32
    %dma_start3A_631 = tpu.memref_slice %arg5[%add3A_627, %dma_start3A_630] : memref<8192x2048xf32, #tpu.memory_space<hbm>> -> memref<8x2048xf32, #tpu.memory_space<hbm>>
    tpu.enqueue_dma source(%arg8 : memref<8x2048xf32, #tpu.memory_space<vmem>>) target(%dma_start3A_631 : memref<8x2048xf32, #tpu.memory_space<hbm>>) target_semaphore(%arg15 : memref<!tpu.dma_semaphore, #tpu.memory_space<semaphore_mem>>)
    %dma_wait3A_632 = arith.constant 0 : i32
    %dma_wait3A_633 = tpu.memref_slice %arg5[%add3A_627, %dma_wait3A_632] : memref<8192x2048xf32, #tpu.memory_space<hbm>> -> memref<8x2048xf32, #tpu.memory_space<hbm>>
    %dma_wait3A_634 = arith.constant 0 : i32
    %dma_wait3A_635 = tpu.memref_slice %arg5[%add3A_627, %dma_wait3A_634] : memref<8192x2048xf32, #tpu.memory_space<hbm>> -> memref<8x2048xf32, #tpu.memory_space<hbm>>
    tpu.wait_dma2 semaphore(%arg15 : memref<!tpu.dma_semaphore, #tpu.memory_space<semaphore_mem>>) src(%arg8 : memref<8x2048xf32, #tpu.memory_space<vmem>>) dst(%dma_wait3A_635 : memref<8x2048xf32, #tpu.memory_space<hbm>>)
    %add3A_636 = arith.constant 80 : i32
    %add3A_637 = arith.addi %mul3A_32, %add3A_636 : i32
    %dma_start3A_638 = arith.constant 0 : i32
    %dma_start3A_639 = tpu.memref_slice %arg2[%add3A_637, %dma_start3A_638] : memref<8192x2048xf32, #tpu.memory_space<hbm>> -> memref<8x2048xf32, #tpu.memory_space<hbm>>
    %dma_start3A_640 = arith.constant 0 : i32
    %dma_start3A_641 = tpu.memref_slice %arg2[%add3A_637, %dma_start3A_640] : memref<8192x2048xf32, #tpu.memory_space<hbm>> -> memref<8x2048xf32, #tpu.memory_space<hbm>>
    tpu.enqueue_dma source(%dma_start3A_641 : memref<8x2048xf32, #tpu.memory_space<hbm>>) target(%arg8 : memref<8x2048xf32, #tpu.memory_space<vmem>>) target_semaphore(%arg13 : memref<!tpu.dma_semaphore, #tpu.memory_space<semaphore_mem>>)
    %dma_wait3A_642 = arith.constant 0 : i32
    %dma_wait3A_643 = tpu.memref_slice %arg2[%add3A_617, %dma_wait3A_642] : memref<8192x2048xf32, #tpu.memory_space<hbm>> -> memref<8x2048xf32, #tpu.memory_space<hbm>>
    %dma_wait3A_644 = arith.constant 0 : i32
    %dma_wait3A_645 = tpu.memref_slice %arg2[%add3A_617, %dma_wait3A_644] : memref<8192x2048xf32, #tpu.memory_space<hbm>> -> memref<8x2048xf32, #tpu.memory_space<hbm>>
    tpu.wait_dma2 semaphore(%arg14 : memref<!tpu.dma_semaphore, #tpu.memory_space<semaphore_mem>>) src(%dma_wait3A_645 : memref<8x2048xf32, #tpu.memory_space<hbm>>) dst(%arg9 : memref<8x2048xf32, #tpu.memory_space<vmem>>)
    %add3A_646 = arith.constant 72 : i32
    %add3A_647 = arith.addi %mul3A_32, %add3A_646 : i32
    %dma_start3A_648 = arith.constant 0 : i32
    %dma_start3A_649 = tpu.memref_slice %arg5[%add3A_647, %dma_start3A_648] : memref<8192x2048xf32, #tpu.memory_space<hbm>> -> memref<8x2048xf32, #tpu.memory_space<hbm>>
    %dma_start3A_650 = arith.constant 0 : i32
    %dma_start3A_651 = tpu.memref_slice %arg5[%add3A_647, %dma_start3A_650] : memref<8192x2048xf32, #tpu.memory_space<hbm>> -> memref<8x2048xf32, #tpu.memory_space<hbm>>
    tpu.enqueue_dma source(%arg9 : memref<8x2048xf32, #tpu.memory_space<vmem>>) target(%dma_start3A_651 : memref<8x2048xf32, #tpu.memory_space<hbm>>) target_semaphore(%arg16 : memref<!tpu.dma_semaphore, #tpu.memory_space<semaphore_mem>>)
    %dma_wait3A_652 = arith.constant 0 : i32
    %dma_wait3A_653 = tpu.memref_slice %arg5[%add3A_647, %dma_wait3A_652] : memref<8192x2048xf32, #tpu.memory_space<hbm>> -> memref<8x2048xf32, #tpu.memory_space<hbm>>
    %dma_wait3A_654 = arith.constant 0 : i32
    %dma_wait3A_655 = tpu.memref_slice %arg5[%add3A_647, %dma_wait3A_654] : memref<8192x2048xf32, #tpu.memory_space<hbm>> -> memref<8x2048xf32, #tpu.memory_space<hbm>>
    tpu.wait_dma2 semaphore(%arg16 : memref<!tpu.dma_semaphore, #tpu.memory_space<semaphore_mem>>) src(%arg9 : memref<8x2048xf32, #tpu.memory_space<vmem>>) dst(%dma_wait3A_655 : memref<8x2048xf32, #tpu.memory_space<hbm>>)
    %add3A_656 = arith.constant 88 : i32
    %add3A_657 = arith.addi %mul3A_32, %add3A_656 : i32
    %dma_start3A_658 = arith.constant 0 : i32
    %dma_start3A_659 = tpu.memref_slice %arg2[%add3A_657, %dma_start3A_658] : memref<8192x2048xf32, #tpu.memory_space<hbm>> -> memref<8x2048xf32, #tpu.memory_space<hbm>>
    %dma_start3A_660 = arith.constant 0 : i32
    %dma_start3A_661 = tpu.memref_slice %arg2[%add3A_657, %dma_start3A_660] : memref<8192x2048xf32, #tpu.memory_space<hbm>> -> memref<8x2048xf32, #tpu.memory_space<hbm>>
    tpu.enqueue_dma source(%dma_start3A_661 : memref<8x2048xf32, #tpu.memory_space<hbm>>) target(%arg9 : memref<8x2048xf32, #tpu.memory_space<vmem>>) target_semaphore(%arg14 : memref<!tpu.dma_semaphore, #tpu.memory_space<semaphore_mem>>)
    %dma_wait3A_662 = arith.constant 0 : i32
    %dma_wait3A_663 = tpu.memref_slice %arg2[%add3A_637, %dma_wait3A_662] : memref<8192x2048xf32, #tpu.memory_space<hbm>> -> memref<8x2048xf32, #tpu.memory_space<hbm>>
    %dma_wait3A_664 = arith.constant 0 : i32
    %dma_wait3A_665 = tpu.memref_slice %arg2[%add3A_637, %dma_wait3A_664] : memref<8192x2048xf32, #tpu.memory_space<hbm>> -> memref<8x2048xf32, #tpu.memory_space<hbm>>
    tpu.wait_dma2 semaphore(%arg13 : memref<!tpu.dma_semaphore, #tpu.memory_space<semaphore_mem>>) src(%dma_wait3A_665 : memref<8x2048xf32, #tpu.memory_space<hbm>>) dst(%arg8 : memref<8x2048xf32, #tpu.memory_space<vmem>>)
    %add3A_666 = arith.constant 80 : i32
    %add3A_667 = arith.addi %mul3A_32, %add3A_666 : i32
    %dma_start3A_668 = arith.constant 0 : i32
    %dma_start3A_669 = tpu.memref_slice %arg5[%add3A_667, %dma_start3A_668] : memref<8192x2048xf32, #tpu.memory_space<hbm>> -> memref<8x2048xf32, #tpu.memory_space<hbm>>
    %dma_start3A_670 = arith.constant 0 : i32
    %dma_start3A_671 = tpu.memref_slice %arg5[%add3A_667, %dma_start3A_670] : memref<8192x2048xf32, #tpu.memory_space<hbm>> -> memref<8x2048xf32, #tpu.memory_space<hbm>>
    tpu.enqueue_dma source(%arg8 : memref<8x2048xf32, #tpu.memory_space<vmem>>) target(%dma_start3A_671 : memref<8x2048xf32, #tpu.memory_space<hbm>>) target_semaphore(%arg15 : memref<!tpu.dma_semaphore, #tpu.memory_space<semaphore_mem>>)
    %dma_wait3A_672 = arith.constant 0 : i32
    %dma_wait3A_673 = tpu.memref_slice %arg5[%add3A_667, %dma_wait3A_672] : memref<8192x2048xf32, #tpu.memory_space<hbm>> -> memref<8x2048xf32, #tpu.memory_space<hbm>>
    %dma_wait3A_674 = arith.constant 0 : i32
    %dma_wait3A_675 = tpu.memref_slice %arg5[%add3A_667, %dma_wait3A_674] : memref<8192x2048xf32, #tpu.memory_space<hbm>> -> memref<8x2048xf32, #tpu.memory_space<hbm>>
    tpu.wait_dma2 semaphore(%arg15 : memref<!tpu.dma_semaphore, #tpu.memory_space<semaphore_mem>>) src(%arg8 : memref<8x2048xf32, #tpu.memory_space<vmem>>) dst(%dma_wait3A_675 : memref<8x2048xf32, #tpu.memory_space<hbm>>)
    %add3A_676 = arith.constant 96 : i32
    %add3A_677 = arith.addi %mul3A_32, %add3A_676 : i32
    %dma_start3A_678 = arith.constant 0 : i32
    %dma_start3A_679 = tpu.memref_slice %arg2[%add3A_677, %dma_start3A_678] : memref<8192x2048xf32, #tpu.memory_space<hbm>> -> memref<8x2048xf32, #tpu.memory_space<hbm>>
    %dma_start3A_680 = arith.constant 0 : i32
    %dma_start3A_681 = tpu.memref_slice %arg2[%add3A_677, %dma_start3A_680] : memref<8192x2048xf32, #tpu.memory_space<hbm>> -> memref<8x2048xf32, #tpu.memory_space<hbm>>
    tpu.enqueue_dma source(%dma_start3A_681 : memref<8x2048xf32, #tpu.memory_space<hbm>>) target(%arg8 : memref<8x2048xf32, #tpu.memory_space<vmem>>) target_semaphore(%arg13 : memref<!tpu.dma_semaphore, #tpu.memory_space<semaphore_mem>>)
    %dma_wait3A_682 = arith.constant 0 : i32
    %dma_wait3A_683 = tpu.memref_slice %arg2[%add3A_657, %dma_wait3A_682] : memref<8192x2048xf32, #tpu.memory_space<hbm>> -> memref<8x2048xf32, #tpu.memory_space<hbm>>
    %dma_wait3A_684 = arith.constant 0 : i32
    %dma_wait3A_685 = tpu.memref_slice %arg2[%add3A_657, %dma_wait3A_684] : memref<8192x2048xf32, #tpu.memory_space<hbm>> -> memref<8x2048xf32, #tpu.memory_space<hbm>>
    tpu.wait_dma2 semaphore(%arg14 : memref<!tpu.dma_semaphore, #tpu.memory_space<semaphore_mem>>) src(%dma_wait3A_685 : memref<8x2048xf32, #tpu.memory_space<hbm>>) dst(%arg9 : memref<8x2048xf32, #tpu.memory_space<vmem>>)
    %add3A_686 = arith.constant 88 : i32
    %add3A_687 = arith.addi %mul3A_32, %add3A_686 : i32
    %dma_start3A_688 = arith.constant 0 : i32
    %dma_start3A_689 = tpu.memref_slice %arg5[%add3A_687, %dma_start3A_688] : memref<8192x2048xf32, #tpu.memory_space<hbm>> -> memref<8x2048xf32, #tpu.memory_space<hbm>>
    %dma_start3A_690 = arith.constant 0 : i32
    %dma_start3A_691 = tpu.memref_slice %arg5[%add3A_687, %dma_start3A_690] : memref<8192x2048xf32, #tpu.memory_space<hbm>> -> memref<8x2048xf32, #tpu.memory_space<hbm>>
    tpu.enqueue_dma source(%arg9 : memref<8x2048xf32, #tpu.memory_space<vmem>>) target(%dma_start3A_691 : memref<8x2048xf32, #tpu.memory_space<hbm>>) target_semaphore(%arg16 : memref<!tpu.dma_semaphore, #tpu.memory_space<semaphore_mem>>)
    %dma_wait3A_692 = arith.constant 0 : i32
    %dma_wait3A_693 = tpu.memref_slice %arg5[%add3A_687, %dma_wait3A_692] : memref<8192x2048xf32, #tpu.memory_space<hbm>> -> memref<8x2048xf32, #tpu.memory_space<hbm>>
    %dma_wait3A_694 = arith.constant 0 : i32
    %dma_wait3A_695 = tpu.memref_slice %arg5[%add3A_687, %dma_wait3A_694] : memref<8192x2048xf32, #tpu.memory_space<hbm>> -> memref<8x2048xf32, #tpu.memory_space<hbm>>
    tpu.wait_dma2 semaphore(%arg16 : memref<!tpu.dma_semaphore, #tpu.memory_space<semaphore_mem>>) src(%arg9 : memref<8x2048xf32, #tpu.memory_space<vmem>>) dst(%dma_wait3A_695 : memref<8x2048xf32, #tpu.memory_space<hbm>>)
    %add3A_696 = arith.constant 104 : i32
    %add3A_697 = arith.addi %mul3A_32, %add3A_696 : i32
    %dma_start3A_698 = arith.constant 0 : i32
    %dma_start3A_699 = tpu.memref_slice %arg2[%add3A_697, %dma_start3A_698] : memref<8192x2048xf32, #tpu.memory_space<hbm>> -> memref<8x2048xf32, #tpu.memory_space<hbm>>
    %dma_start3A_700 = arith.constant 0 : i32
    %dma_start3A_701 = tpu.memref_slice %arg2[%add3A_697, %dma_start3A_700] : memref<8192x2048xf32, #tpu.memory_space<hbm>> -> memref<8x2048xf32, #tpu.memory_space<hbm>>
    tpu.enqueue_dma source(%dma_start3A_701 : memref<8x2048xf32, #tpu.memory_space<hbm>>) target(%arg9 : memref<8x2048xf32, #tpu.memory_space<vmem>>) target_semaphore(%arg14 : memref<!tpu.dma_semaphore, #tpu.memory_space<semaphore_mem>>)
    %dma_wait3A_702 = arith.constant 0 : i32
    %dma_wait3A_703 = tpu.memref_slice %arg2[%add3A_677, %dma_wait3A_702] : memref<8192x2048xf32, #tpu.memory_space<hbm>> -> memref<8x2048xf32, #tpu.memory_space<hbm>>
    %dma_wait3A_704 = arith.constant 0 : i32
    %dma_wait3A_705 = tpu.memref_slice %arg2[%add3A_677, %dma_wait3A_704] : memref<8192x2048xf32, #tpu.memory_space<hbm>> -> memref<8x2048xf32, #tpu.memory_space<hbm>>
    tpu.wait_dma2 semaphore(%arg13 : memref<!tpu.dma_semaphore, #tpu.memory_space<semaphore_mem>>) src(%dma_wait3A_705 : memref<8x2048xf32, #tpu.memory_space<hbm>>) dst(%arg8 : memref<8x2048xf32, #tpu.memory_space<vmem>>)
    %add3A_706 = arith.constant 96 : i32
    %add3A_707 = arith.addi %mul3A_32, %add3A_706 : i32
    %dma_start3A_708 = arith.constant 0 : i32
    %dma_start3A_709 = tpu.memref_slice %arg5[%add3A_707, %dma_start3A_708] : memref<8192x2048xf32, #tpu.memory_space<hbm>> -> memref<8x2048xf32, #tpu.memory_space<hbm>>
    %dma_start3A_710 = arith.constant 0 : i32
    %dma_start3A_711 = tpu.memref_slice %arg5[%add3A_707, %dma_start3A_710] : memref<8192x2048xf32, #tpu.memory_space<hbm>> -> memref<8x2048xf32, #tpu.memory_space<hbm>>
    tpu.enqueue_dma source(%arg8 : memref<8x2048xf32, #tpu.memory_space<vmem>>) target(%dma_start3A_711 : memref<8x2048xf32, #tpu.memory_space<hbm>>) target_semaphore(%arg15 : memref<!tpu.dma_semaphore, #tpu.memory_space<semaphore_mem>>)
    %dma_wait3A_712 = arith.constant 0 : i32
    %dma_wait3A_713 = tpu.memref_slice %arg5[%add3A_707, %dma_wait3A_712] : memref<8192x2048xf32, #tpu.memory_space<hbm>> -> memref<8x2048xf32, #tpu.memory_space<hbm>>
    %dma_wait3A_714 = arith.constant 0 : i32
    %dma_wait3A_715 = tpu.memref_slice %arg5[%add3A_707, %dma_wait3A_714] : memref<8192x2048xf32, #tpu.memory_space<hbm>> -> memref<8x2048xf32, #tpu.memory_space<hbm>>
    tpu.wait_dma2 semaphore(%arg15 : memref<!tpu.dma_semaphore, #tpu.memory_space<semaphore_mem>>) src(%arg8 : memref<8x2048xf32, #tpu.memory_space<vmem>>) dst(%dma_wait3A_715 : memref<8x2048xf32, #tpu.memory_space<hbm>>)
    %add3A_716 = arith.constant 112 : i32
    %add3A_717 = arith.addi %mul3A_32, %add3A_716 : i32
    %dma_start3A_718 = arith.constant 0 : i32
    %dma_start3A_719 = tpu.memref_slice %arg2[%add3A_717, %dma_start3A_718] : memref<8192x2048xf32, #tpu.memory_space<hbm>> -> memref<8x2048xf32, #tpu.memory_space<hbm>>
    %dma_start3A_720 = arith.constant 0 : i32
    %dma_start3A_721 = tpu.memref_slice %arg2[%add3A_717, %dma_start3A_720] : memref<8192x2048xf32, #tpu.memory_space<hbm>> -> memref<8x2048xf32, #tpu.memory_space<hbm>>
    tpu.enqueue_dma source(%dma_start3A_721 : memref<8x2048xf32, #tpu.memory_space<hbm>>) target(%arg8 : memref<8x2048xf32, #tpu.memory_space<vmem>>) target_semaphore(%arg13 : memref<!tpu.dma_semaphore, #tpu.memory_space<semaphore_mem>>)
    %dma_wait3A_722 = arith.constant 0 : i32
    %dma_wait3A_723 = tpu.memref_slice %arg2[%add3A_697, %dma_wait3A_722] : memref<8192x2048xf32, #tpu.memory_space<hbm>> -> memref<8x2048xf32, #tpu.memory_space<hbm>>
    %dma_wait3A_724 = arith.constant 0 : i32
    %dma_wait3A_725 = tpu.memref_slice %arg2[%add3A_697, %dma_wait3A_724] : memref<8192x2048xf32, #tpu.memory_space<hbm>> -> memref<8x2048xf32, #tpu.memory_space<hbm>>
    tpu.wait_dma2 semaphore(%arg14 : memref<!tpu.dma_semaphore, #tpu.memory_space<semaphore_mem>>) src(%dma_wait3A_725 : memref<8x2048xf32, #tpu.memory_space<hbm>>) dst(%arg9 : memref<8x2048xf32, #tpu.memory_space<vmem>>)
    %add3A_726 = arith.constant 104 : i32
    %add3A_727 = arith.addi %mul3A_32, %add3A_726 : i32
    %dma_start3A_728 = arith.constant 0 : i32
    %dma_start3A_729 = tpu.memref_slice %arg5[%add3A_727, %dma_start3A_728] : memref<8192x2048xf32, #tpu.memory_space<hbm>> -> memref<8x2048xf32, #tpu.memory_space<hbm>>
    %dma_start3A_730 = arith.constant 0 : i32
    %dma_start3A_731 = tpu.memref_slice %arg5[%add3A_727, %dma_start3A_730] : memref<8192x2048xf32, #tpu.memory_space<hbm>> -> memref<8x2048xf32, #tpu.memory_space<hbm>>
    tpu.enqueue_dma source(%arg9 : memref<8x2048xf32, #tpu.memory_space<vmem>>) target(%dma_start3A_731 : memref<8x2048xf32, #tpu.memory_space<hbm>>) target_semaphore(%arg16 : memref<!tpu.dma_semaphore, #tpu.memory_space<semaphore_mem>>)
    %dma_wait3A_732 = arith.constant 0 : i32
    %dma_wait3A_733 = tpu.memref_slice %arg5[%add3A_727, %dma_wait3A_732] : memref<8192x2048xf32, #tpu.memory_space<hbm>> -> memref<8x2048xf32, #tpu.memory_space<hbm>>
    %dma_wait3A_734 = arith.constant 0 : i32
    %dma_wait3A_735 = tpu.memref_slice %arg5[%add3A_727, %dma_wait3A_734] : memref<8192x2048xf32, #tpu.memory_space<hbm>> -> memref<8x2048xf32, #tpu.memory_space<hbm>>
    tpu.wait_dma2 semaphore(%arg16 : memref<!tpu.dma_semaphore, #tpu.memory_space<semaphore_mem>>) src(%arg9 : memref<8x2048xf32, #tpu.memory_space<vmem>>) dst(%dma_wait3A_735 : memref<8x2048xf32, #tpu.memory_space<hbm>>)
    %add3A_736 = arith.constant 120 : i32
    %add3A_737 = arith.addi %mul3A_32, %add3A_736 : i32
    %dma_start3A_738 = arith.constant 0 : i32
    %dma_start3A_739 = tpu.memref_slice %arg2[%add3A_737, %dma_start3A_738] : memref<8192x2048xf32, #tpu.memory_space<hbm>> -> memref<8x2048xf32, #tpu.memory_space<hbm>>
    %dma_start3A_740 = arith.constant 0 : i32
    %dma_start3A_741 = tpu.memref_slice %arg2[%add3A_737, %dma_start3A_740] : memref<8192x2048xf32, #tpu.memory_space<hbm>> -> memref<8x2048xf32, #tpu.memory_space<hbm>>
    tpu.enqueue_dma source(%dma_start3A_741 : memref<8x2048xf32, #tpu.memory_space<hbm>>) target(%arg9 : memref<8x2048xf32, #tpu.memory_space<vmem>>) target_semaphore(%arg14 : memref<!tpu.dma_semaphore, #tpu.memory_space<semaphore_mem>>)
    %dma_wait3A_742 = arith.constant 0 : i32
    %dma_wait3A_743 = tpu.memref_slice %arg2[%add3A_717, %dma_wait3A_742] : memref<8192x2048xf32, #tpu.memory_space<hbm>> -> memref<8x2048xf32, #tpu.memory_space<hbm>>
    %dma_wait3A_744 = arith.constant 0 : i32
    %dma_wait3A_745 = tpu.memref_slice %arg2[%add3A_717, %dma_wait3A_744] : memref<8192x2048xf32, #tpu.memory_space<hbm>> -> memref<8x2048xf32, #tpu.memory_space<hbm>>
    tpu.wait_dma2 semaphore(%arg13 : memref<!tpu.dma_semaphore, #tpu.memory_space<semaphore_mem>>) src(%dma_wait3A_745 : memref<8x2048xf32, #tpu.memory_space<hbm>>) dst(%arg8 : memref<8x2048xf32, #tpu.memory_space<vmem>>)
    %add3A_746 = arith.constant 112 : i32
    %add3A_747 = arith.addi %mul3A_32, %add3A_746 : i32
    %dma_start3A_748 = arith.constant 0 : i32
    %dma_start3A_749 = tpu.memref_slice %arg5[%add3A_747, %dma_start3A_748] : memref<8192x2048xf32, #tpu.memory_space<hbm>> -> memref<8x2048xf32, #tpu.memory_space<hbm>>
    %dma_start3A_750 = arith.constant 0 : i32
    %dma_start3A_751 = tpu.memref_slice %arg5[%add3A_747, %dma_start3A_750] : memref<8192x2048xf32, #tpu.memory_space<hbm>> -> memref<8x2048xf32, #tpu.memory_space<hbm>>
    tpu.enqueue_dma source(%arg8 : memref<8x2048xf32, #tpu.memory_space<vmem>>) target(%dma_start3A_751 : memref<8x2048xf32, #tpu.memory_space<hbm>>) target_semaphore(%arg15 : memref<!tpu.dma_semaphore, #tpu.memory_space<semaphore_mem>>)
    %dma_wait3A_752 = arith.constant 0 : i32
    %dma_wait3A_753 = tpu.memref_slice %arg5[%add3A_747, %dma_wait3A_752] : memref<8192x2048xf32, #tpu.memory_space<hbm>> -> memref<8x2048xf32, #tpu.memory_space<hbm>>
    %dma_wait3A_754 = arith.constant 0 : i32
    %dma_wait3A_755 = tpu.memref_slice %arg5[%add3A_747, %dma_wait3A_754] : memref<8192x2048xf32, #tpu.memory_space<hbm>> -> memref<8x2048xf32, #tpu.memory_space<hbm>>
    tpu.wait_dma2 semaphore(%arg15 : memref<!tpu.dma_semaphore, #tpu.memory_space<semaphore_mem>>) src(%arg8 : memref<8x2048xf32, #tpu.memory_space<vmem>>) dst(%dma_wait3A_755 : memref<8x2048xf32, #tpu.memory_space<hbm>>)
    %add3A_756 = arith.constant 128 : i32
    %add3A_757 = arith.addi %mul3A_32, %add3A_756 : i32
    %dma_start3A_758 = arith.constant 0 : i32
    %dma_start3A_759 = tpu.memref_slice %arg2[%add3A_757, %dma_start3A_758] : memref<8192x2048xf32, #tpu.memory_space<hbm>> -> memref<8x2048xf32, #tpu.memory_space<hbm>>
    %dma_start3A_760 = arith.constant 0 : i32
    %dma_start3A_761 = tpu.memref_slice %arg2[%add3A_757, %dma_start3A_760] : memref<8192x2048xf32, #tpu.memory_space<hbm>> -> memref<8x2048xf32, #tpu.memory_space<hbm>>
    tpu.enqueue_dma source(%dma_start3A_761 : memref<8x2048xf32, #tpu.memory_space<hbm>>) target(%arg8 : memref<8x2048xf32, #tpu.memory_space<vmem>>) target_semaphore(%arg13 : memref<!tpu.dma_semaphore, #tpu.memory_space<semaphore_mem>>)
    %dma_wait3A_762 = arith.constant 0 : i32
    %dma_wait3A_763 = tpu.memref_slice %arg2[%add3A_737, %dma_wait3A_762] : memref<8192x2048xf32, #tpu.memory_space<hbm>> -> memref<8x2048xf32, #tpu.memory_space<hbm>>
    %dma_wait3A_764 = arith.constant 0 : i32
    %dma_wait3A_765 = tpu.memref_slice %arg2[%add3A_737, %dma_wait3A_764] : memref<8192x2048xf32, #tpu.memory_space<hbm>> -> memref<8x2048xf32, #tpu.memory_space<hbm>>
    tpu.wait_dma2 semaphore(%arg14 : memref<!tpu.dma_semaphore, #tpu.memory_space<semaphore_mem>>) src(%dma_wait3A_765 : memref<8x2048xf32, #tpu.memory_space<hbm>>) dst(%arg9 : memref<8x2048xf32, #tpu.memory_space<vmem>>)
    %add3A_766 = arith.constant 120 : i32
    %add3A_767 = arith.addi %mul3A_32, %add3A_766 : i32
    %dma_start3A_768 = arith.constant 0 : i32
    %dma_start3A_769 = tpu.memref_slice %arg5[%add3A_767, %dma_start3A_768] : memref<8192x2048xf32, #tpu.memory_space<hbm>> -> memref<8x2048xf32, #tpu.memory_space<hbm>>
    %dma_start3A_770 = arith.constant 0 : i32
    %dma_start3A_771 = tpu.memref_slice %arg5[%add3A_767, %dma_start3A_770] : memref<8192x2048xf32, #tpu.memory_space<hbm>> -> memref<8x2048xf32, #tpu.memory_space<hbm>>
    tpu.enqueue_dma source(%arg9 : memref<8x2048xf32, #tpu.memory_space<vmem>>) target(%dma_start3A_771 : memref<8x2048xf32, #tpu.memory_space<hbm>>) target_semaphore(%arg16 : memref<!tpu.dma_semaphore, #tpu.memory_space<semaphore_mem>>)
    %dma_wait3A_772 = arith.constant 0 : i32
    %dma_wait3A_773 = tpu.memref_slice %arg5[%add3A_767, %dma_wait3A_772] : memref<8192x2048xf32, #tpu.memory_space<hbm>> -> memref<8x2048xf32, #tpu.memory_space<hbm>>
    %dma_wait3A_774 = arith.constant 0 : i32
    %dma_wait3A_775 = tpu.memref_slice %arg5[%add3A_767, %dma_wait3A_774] : memref<8192x2048xf32, #tpu.memory_space<hbm>> -> memref<8x2048xf32, #tpu.memory_space<hbm>>
    tpu.wait_dma2 semaphore(%arg16 : memref<!tpu.dma_semaphore, #tpu.memory_space<semaphore_mem>>) src(%arg9 : memref<8x2048xf32, #tpu.memory_space<vmem>>) dst(%dma_wait3A_775 : memref<8x2048xf32, #tpu.memory_space<hbm>>)
    %add3A_776 = arith.constant 136 : i32
    %add3A_777 = arith.addi %mul3A_32, %add3A_776 : i32
    %dma_start3A_778 = arith.constant 0 : i32
    %dma_start3A_779 = tpu.memref_slice %arg2[%add3A_777, %dma_start3A_778] : memref<8192x2048xf32, #tpu.memory_space<hbm>> -> memref<8x2048xf32, #tpu.memory_space<hbm>>
    %dma_start3A_780 = arith.constant 0 : i32
    %dma_start3A_781 = tpu.memref_slice %arg2[%add3A_777, %dma_start3A_780] : memref<8192x2048xf32, #tpu.memory_space<hbm>> -> memref<8x2048xf32, #tpu.memory_space<hbm>>
    tpu.enqueue_dma source(%dma_start3A_781 : memref<8x2048xf32, #tpu.memory_space<hbm>>) target(%arg9 : memref<8x2048xf32, #tpu.memory_space<vmem>>) target_semaphore(%arg14 : memref<!tpu.dma_semaphore, #tpu.memory_space<semaphore_mem>>)
    %dma_wait3A_782 = arith.constant 0 : i32
    %dma_wait3A_783 = tpu.memref_slice %arg2[%add3A_757, %dma_wait3A_782] : memref<8192x2048xf32, #tpu.memory_space<hbm>> -> memref<8x2048xf32, #tpu.memory_space<hbm>>
    %dma_wait3A_784 = arith.constant 0 : i32
    %dma_wait3A_785 = tpu.memref_slice %arg2[%add3A_757, %dma_wait3A_784] : memref<8192x2048xf32, #tpu.memory_space<hbm>> -> memref<8x2048xf32, #tpu.memory_space<hbm>>
    tpu.wait_dma2 semaphore(%arg13 : memref<!tpu.dma_semaphore, #tpu.memory_space<semaphore_mem>>) src(%dma_wait3A_785 : memref<8x2048xf32, #tpu.memory_space<hbm>>) dst(%arg8 : memref<8x2048xf32, #tpu.memory_space<vmem>>)
    %add3A_786 = arith.constant 128 : i32
    %add3A_787 = arith.addi %mul3A_32, %add3A_786 : i32
    %dma_start3A_788 = arith.constant 0 : i32
    %dma_start3A_789 = tpu.memref_slice %arg5[%add3A_787, %dma_start3A_788] : memref<8192x2048xf32, #tpu.memory_space<hbm>> -> memref<8x2048xf32, #tpu.memory_space<hbm>>
    %dma_start3A_790 = arith.constant 0 : i32
    %dma_start3A_791 = tpu.memref_slice %arg5[%add3A_787, %dma_start3A_790] : memref<8192x2048xf32, #tpu.memory_space<hbm>> -> memref<8x2048xf32, #tpu.memory_space<hbm>>
    tpu.enqueue_dma source(%arg8 : memref<8x2048xf32, #tpu.memory_space<vmem>>) target(%dma_start3A_791 : memref<8x2048xf32, #tpu.memory_space<hbm>>) target_semaphore(%arg15 : memref<!tpu.dma_semaphore, #tpu.memory_space<semaphore_mem>>)
    %dma_wait3A_792 = arith.constant 0 : i32
    %dma_wait3A_793 = tpu.memref_slice %arg5[%add3A_787, %dma_wait3A_792] : memref<8192x2048xf32, #tpu.memory_space<hbm>> -> memref<8x2048xf32, #tpu.memory_space<hbm>>
    %dma_wait3A_794 = arith.constant 0 : i32
    %dma_wait3A_795 = tpu.memref_slice %arg5[%add3A_787, %dma_wait3A_794] : memref<8192x2048xf32, #tpu.memory_space<hbm>> -> memref<8x2048xf32, #tpu.memory_space<hbm>>
    tpu.wait_dma2 semaphore(%arg15 : memref<!tpu.dma_semaphore, #tpu.memory_space<semaphore_mem>>) src(%arg8 : memref<8x2048xf32, #tpu.memory_space<vmem>>) dst(%dma_wait3A_795 : memref<8x2048xf32, #tpu.memory_space<hbm>>)
    %add3A_796 = arith.constant 144 : i32
    %add3A_797 = arith.addi %mul3A_32, %add3A_796 : i32
    %dma_start3A_798 = arith.constant 0 : i32
    %dma_start3A_799 = tpu.memref_slice %arg2[%add3A_797, %dma_start3A_798] : memref<8192x2048xf32, #tpu.memory_space<hbm>> -> memref<8x2048xf32, #tpu.memory_space<hbm>>
    %dma_start3A_800 = arith.constant 0 : i32
    %dma_start3A_801 = tpu.memref_slice %arg2[%add3A_797, %dma_start3A_800] : memref<8192x2048xf32, #tpu.memory_space<hbm>> -> memref<8x2048xf32, #tpu.memory_space<hbm>>
    tpu.enqueue_dma source(%dma_start3A_801 : memref<8x2048xf32, #tpu.memory_space<hbm>>) target(%arg8 : memref<8x2048xf32, #tpu.memory_space<vmem>>) target_semaphore(%arg13 : memref<!tpu.dma_semaphore, #tpu.memory_space<semaphore_mem>>)
    %dma_wait3A_802 = arith.constant 0 : i32
    %dma_wait3A_803 = tpu.memref_slice %arg2[%add3A_777, %dma_wait3A_802] : memref<8192x2048xf32, #tpu.memory_space<hbm>> -> memref<8x2048xf32, #tpu.memory_space<hbm>>
    %dma_wait3A_804 = arith.constant 0 : i32
    %dma_wait3A_805 = tpu.memref_slice %arg2[%add3A_777, %dma_wait3A_804] : memref<8192x2048xf32, #tpu.memory_space<hbm>> -> memref<8x2048xf32, #tpu.memory_space<hbm>>
    tpu.wait_dma2 semaphore(%arg14 : memref<!tpu.dma_semaphore, #tpu.memory_space<semaphore_mem>>) src(%dma_wait3A_805 : memref<8x2048xf32, #tpu.memory_space<hbm>>) dst(%arg9 : memref<8x2048xf32, #tpu.memory_space<vmem>>)
    %add3A_806 = arith.constant 136 : i32
    %add3A_807 = arith.addi %mul3A_32, %add3A_806 : i32
    %dma_start3A_808 = arith.constant 0 : i32
    %dma_start3A_809 = tpu.memref_slice %arg5[%add3A_807, %dma_start3A_808] : memref<8192x2048xf32, #tpu.memory_space<hbm>> -> memref<8x2048xf32, #tpu.memory_space<hbm>>
    %dma_start3A_810 = arith.constant 0 : i32
    %dma_start3A_811 = tpu.memref_slice %arg5[%add3A_807, %dma_start3A_810] : memref<8192x2048xf32, #tpu.memory_space<hbm>> -> memref<8x2048xf32, #tpu.memory_space<hbm>>
    tpu.enqueue_dma source(%arg9 : memref<8x2048xf32, #tpu.memory_space<vmem>>) target(%dma_start3A_811 : memref<8x2048xf32, #tpu.memory_space<hbm>>) target_semaphore(%arg16 : memref<!tpu.dma_semaphore, #tpu.memory_space<semaphore_mem>>)
    %dma_wait3A_812 = arith.constant 0 : i32
    %dma_wait3A_813 = tpu.memref_slice %arg5[%add3A_807, %dma_wait3A_812] : memref<8192x2048xf32, #tpu.memory_space<hbm>> -> memref<8x2048xf32, #tpu.memory_space<hbm>>
    %dma_wait3A_814 = arith.constant 0 : i32
    %dma_wait3A_815 = tpu.memref_slice %arg5[%add3A_807, %dma_wait3A_814] : memref<8192x2048xf32, #tpu.memory_space<hbm>> -> memref<8x2048xf32, #tpu.memory_space<hbm>>
    tpu.wait_dma2 semaphore(%arg16 : memref<!tpu.dma_semaphore, #tpu.memory_space<semaphore_mem>>) src(%arg9 : memref<8x2048xf32, #tpu.memory_space<vmem>>) dst(%dma_wait3A_815 : memref<8x2048xf32, #tpu.memory_space<hbm>>)
    %add3A_816 = arith.constant 152 : i32
    %add3A_817 = arith.addi %mul3A_32, %add3A_816 : i32
    %dma_start3A_818 = arith.constant 0 : i32
    %dma_start3A_819 = tpu.memref_slice %arg2[%add3A_817, %dma_start3A_818] : memref<8192x2048xf32, #tpu.memory_space<hbm>> -> memref<8x2048xf32, #tpu.memory_space<hbm>>
    %dma_start3A_820 = arith.constant 0 : i32
    %dma_start3A_821 = tpu.memref_slice %arg2[%add3A_817, %dma_start3A_820] : memref<8192x2048xf32, #tpu.memory_space<hbm>> -> memref<8x2048xf32, #tpu.memory_space<hbm>>
    tpu.enqueue_dma source(%dma_start3A_821 : memref<8x2048xf32, #tpu.memory_space<hbm>>) target(%arg9 : memref<8x2048xf32, #tpu.memory_space<vmem>>) target_semaphore(%arg14 : memref<!tpu.dma_semaphore, #tpu.memory_space<semaphore_mem>>)
    %dma_wait3A_822 = arith.constant 0 : i32
    %dma_wait3A_823 = tpu.memref_slice %arg2[%add3A_797, %dma_wait3A_822] : memref<8192x2048xf32, #tpu.memory_space<hbm>> -> memref<8x2048xf32, #tpu.memory_space<hbm>>
    %dma_wait3A_824 = arith.constant 0 : i32
    %dma_wait3A_825 = tpu.memref_slice %arg2[%add3A_797, %dma_wait3A_824] : memref<8192x2048xf32, #tpu.memory_space<hbm>> -> memref<8x2048xf32, #tpu.memory_space<hbm>>
    tpu.wait_dma2 semaphore(%arg13 : memref<!tpu.dma_semaphore, #tpu.memory_space<semaphore_mem>>) src(%dma_wait3A_825 : memref<8x2048xf32, #tpu.memory_space<hbm>>) dst(%arg8 : memref<8x2048xf32, #tpu.memory_space<vmem>>)
    %add3A_826 = arith.constant 144 : i32
    %add3A_827 = arith.addi %mul3A_32, %add3A_826 : i32
    %dma_start3A_828 = arith.constant 0 : i32
    %dma_start3A_829 = tpu.memref_slice %arg5[%add3A_827, %dma_start3A_828] : memref<8192x2048xf32, #tpu.memory_space<hbm>> -> memref<8x2048xf32, #tpu.memory_space<hbm>>
    %dma_start3A_830 = arith.constant 0 : i32
    %dma_start3A_831 = tpu.memref_slice %arg5[%add3A_827, %dma_start3A_830] : memref<8192x2048xf32, #tpu.memory_space<hbm>> -> memref<8x2048xf32, #tpu.memory_space<hbm>>
    tpu.enqueue_dma source(%arg8 : memref<8x2048xf32, #tpu.memory_space<vmem>>) target(%dma_start3A_831 : memref<8x2048xf32, #tpu.memory_space<hbm>>) target_semaphore(%arg15 : memref<!tpu.dma_semaphore, #tpu.memory_space<semaphore_mem>>)
    %dma_wait3A_832 = arith.constant 0 : i32
    %dma_wait3A_833 = tpu.memref_slice %arg5[%add3A_827, %dma_wait3A_832] : memref<8192x2048xf32, #tpu.memory_space<hbm>> -> memref<8x2048xf32, #tpu.memory_space<hbm>>
    %dma_wait3A_834 = arith.constant 0 : i32
    %dma_wait3A_835 = tpu.memref_slice %arg5[%add3A_827, %dma_wait3A_834] : memref<8192x2048xf32, #tpu.memory_space<hbm>> -> memref<8x2048xf32, #tpu.memory_space<hbm>>
    tpu.wait_dma2 semaphore(%arg15 : memref<!tpu.dma_semaphore, #tpu.memory_space<semaphore_mem>>) src(%arg8 : memref<8x2048xf32, #tpu.memory_space<vmem>>) dst(%dma_wait3A_835 : memref<8x2048xf32, #tpu.memory_space<hbm>>)
    %add3A_836 = arith.constant 160 : i32
    %add3A_837 = arith.addi %mul3A_32, %add3A_836 : i32
    %dma_start3A_838 = arith.constant 0 : i32
    %dma_start3A_839 = tpu.memref_slice %arg2[%add3A_837, %dma_start3A_838] : memref<8192x2048xf32, #tpu.memory_space<hbm>> -> memref<8x2048xf32, #tpu.memory_space<hbm>>
    %dma_start3A_840 = arith.constant 0 : i32
    %dma_start3A_841 = tpu.memref_slice %arg2[%add3A_837, %dma_start3A_840] : memref<8192x2048xf32, #tpu.memory_space<hbm>> -> memref<8x2048xf32, #tpu.memory_space<hbm>>
    tpu.enqueue_dma source(%dma_start3A_841 : memref<8x2048xf32, #tpu.memory_space<hbm>>) target(%arg8 : memref<8x2048xf32, #tpu.memory_space<vmem>>) target_semaphore(%arg13 : memref<!tpu.dma_semaphore, #tpu.memory_space<semaphore_mem>>)
    %dma_wait3A_842 = arith.constant 0 : i32
    %dma_wait3A_843 = tpu.memref_slice %arg2[%add3A_817, %dma_wait3A_842] : memref<8192x2048xf32, #tpu.memory_space<hbm>> -> memref<8x2048xf32, #tpu.memory_space<hbm>>
    %dma_wait3A_844 = arith.constant 0 : i32
    %dma_wait3A_845 = tpu.memref_slice %arg2[%add3A_817, %dma_wait3A_844] : memref<8192x2048xf32, #tpu.memory_space<hbm>> -> memref<8x2048xf32, #tpu.memory_space<hbm>>
    tpu.wait_dma2 semaphore(%arg14 : memref<!tpu.dma_semaphore, #tpu.memory_space<semaphore_mem>>) src(%dma_wait3A_845 : memref<8x2048xf32, #tpu.memory_space<hbm>>) dst(%arg9 : memref<8x2048xf32, #tpu.memory_space<vmem>>)
    %add3A_846 = arith.constant 152 : i32
    %add3A_847 = arith.addi %mul3A_32, %add3A_846 : i32
    %dma_start3A_848 = arith.constant 0 : i32
    %dma_start3A_849 = tpu.memref_slice %arg5[%add3A_847, %dma_start3A_848] : memref<8192x2048xf32, #tpu.memory_space<hbm>> -> memref<8x2048xf32, #tpu.memory_space<hbm>>
    %dma_start3A_850 = arith.constant 0 : i32
    %dma_start3A_851 = tpu.memref_slice %arg5[%add3A_847, %dma_start3A_850] : memref<8192x2048xf32, #tpu.memory_space<hbm>> -> memref<8x2048xf32, #tpu.memory_space<hbm>>
    tpu.enqueue_dma source(%arg9 : memref<8x2048xf32, #tpu.memory_space<vmem>>) target(%dma_start3A_851 : memref<8x2048xf32, #tpu.memory_space<hbm>>) target_semaphore(%arg16 : memref<!tpu.dma_semaphore, #tpu.memory_space<semaphore_mem>>)
    %dma_wait3A_852 = arith.constant 0 : i32
    %dma_wait3A_853 = tpu.memref_slice %arg5[%add3A_847, %dma_wait3A_852] : memref<8192x2048xf32, #tpu.memory_space<hbm>> -> memref<8x2048xf32, #tpu.memory_space<hbm>>
    %dma_wait3A_854 = arith.constant 0 : i32
    %dma_wait3A_855 = tpu.memref_slice %arg5[%add3A_847, %dma_wait3A_854] : memref<8192x2048xf32, #tpu.memory_space<hbm>> -> memref<8x2048xf32, #tpu.memory_space<hbm>>
    tpu.wait_dma2 semaphore(%arg16 : memref<!tpu.dma_semaphore, #tpu.memory_space<semaphore_mem>>) src(%arg9 : memref<8x2048xf32, #tpu.memory_space<vmem>>) dst(%dma_wait3A_855 : memref<8x2048xf32, #tpu.memory_space<hbm>>)
    %add3A_856 = arith.constant 168 : i32
    %add3A_857 = arith.addi %mul3A_32, %add3A_856 : i32
    %dma_start3A_858 = arith.constant 0 : i32
    %dma_start3A_859 = tpu.memref_slice %arg2[%add3A_857, %dma_start3A_858] : memref<8192x2048xf32, #tpu.memory_space<hbm>> -> memref<8x2048xf32, #tpu.memory_space<hbm>>
    %dma_start3A_860 = arith.constant 0 : i32
    %dma_start3A_861 = tpu.memref_slice %arg2[%add3A_857, %dma_start3A_860] : memref<8192x2048xf32, #tpu.memory_space<hbm>> -> memref<8x2048xf32, #tpu.memory_space<hbm>>
    tpu.enqueue_dma source(%dma_start3A_861 : memref<8x2048xf32, #tpu.memory_space<hbm>>) target(%arg9 : memref<8x2048xf32, #tpu.memory_space<vmem>>) target_semaphore(%arg14 : memref<!tpu.dma_semaphore, #tpu.memory_space<semaphore_mem>>)
    %dma_wait3A_862 = arith.constant 0 : i32
    %dma_wait3A_863 = tpu.memref_slice %arg2[%add3A_837, %dma_wait3A_862] : memref<8192x2048xf32, #tpu.memory_space<hbm>> -> memref<8x2048xf32, #tpu.memory_space<hbm>>
    %dma_wait3A_864 = arith.constant 0 : i32
    %dma_wait3A_865 = tpu.memref_slice %arg2[%add3A_837, %dma_wait3A_864] : memref<8192x2048xf32, #tpu.memory_space<hbm>> -> memref<8x2048xf32, #tpu.memory_space<hbm>>
    tpu.wait_dma2 semaphore(%arg13 : memref<!tpu.dma_semaphore, #tpu.memory_space<semaphore_mem>>) src(%dma_wait3A_865 : memref<8x2048xf32, #tpu.memory_space<hbm>>) dst(%arg8 : memref<8x2048xf32, #tpu.memory_space<vmem>>)
    %add3A_866 = arith.constant 160 : i32
    %add3A_867 = arith.addi %mul3A_32, %add3A_866 : i32
    %dma_start3A_868 = arith.constant 0 : i32
    %dma_start3A_869 = tpu.memref_slice %arg5[%add3A_867, %dma_start3A_868] : memref<8192x2048xf32, #tpu.memory_space<hbm>> -> memref<8x2048xf32, #tpu.memory_space<hbm>>
    %dma_start3A_870 = arith.constant 0 : i32
    %dma_start3A_871 = tpu.memref_slice %arg5[%add3A_867, %dma_start3A_870] : memref<8192x2048xf32, #tpu.memory_space<hbm>> -> memref<8x2048xf32, #tpu.memory_space<hbm>>
    tpu.enqueue_dma source(%arg8 : memref<8x2048xf32, #tpu.memory_space<vmem>>) target(%dma_start3A_871 : memref<8x2048xf32, #tpu.memory_space<hbm>>) target_semaphore(%arg15 : memref<!tpu.dma_semaphore, #tpu.memory_space<semaphore_mem>>)
    %dma_wait3A_872 = arith.constant 0 : i32
    %dma_wait3A_873 = tpu.memref_slice %arg5[%add3A_867, %dma_wait3A_872] : memref<8192x2048xf32, #tpu.memory_space<hbm>> -> memref<8x2048xf32, #tpu.memory_space<hbm>>
    %dma_wait3A_874 = arith.constant 0 : i32
    %dma_wait3A_875 = tpu.memref_slice %arg5[%add3A_867, %dma_wait3A_874] : memref<8192x2048xf32, #tpu.memory_space<hbm>> -> memref<8x2048xf32, #tpu.memory_space<hbm>>
    tpu.wait_dma2 semaphore(%arg15 : memref<!tpu.dma_semaphore, #tpu.memory_space<semaphore_mem>>) src(%arg8 : memref<8x2048xf32, #tpu.memory_space<vmem>>) dst(%dma_wait3A_875 : memref<8x2048xf32, #tpu.memory_space<hbm>>)
    %add3A_876 = arith.constant 176 : i32
    %add3A_877 = arith.addi %mul3A_32, %add3A_876 : i32
    %dma_start3A_878 = arith.constant 0 : i32
    %dma_start3A_879 = tpu.memref_slice %arg2[%add3A_877, %dma_start3A_878] : memref<8192x2048xf32, #tpu.memory_space<hbm>> -> memref<8x2048xf32, #tpu.memory_space<hbm>>
    %dma_start3A_880 = arith.constant 0 : i32
    %dma_start3A_881 = tpu.memref_slice %arg2[%add3A_877, %dma_start3A_880] : memref<8192x2048xf32, #tpu.memory_space<hbm>> -> memref<8x2048xf32, #tpu.memory_space<hbm>>
    tpu.enqueue_dma source(%dma_start3A_881 : memref<8x2048xf32, #tpu.memory_space<hbm>>) target(%arg8 : memref<8x2048xf32, #tpu.memory_space<vmem>>) target_semaphore(%arg13 : memref<!tpu.dma_semaphore, #tpu.memory_space<semaphore_mem>>)
    %dma_wait3A_882 = arith.constant 0 : i32
    %dma_wait3A_883 = tpu.memref_slice %arg2[%add3A_857, %dma_wait3A_882] : memref<8192x2048xf32, #tpu.memory_space<hbm>> -> memref<8x2048xf32, #tpu.memory_space<hbm>>
    %dma_wait3A_884 = arith.constant 0 : i32
    %dma_wait3A_885 = tpu.memref_slice %arg2[%add3A_857, %dma_wait3A_884] : memref<8192x2048xf32, #tpu.memory_space<hbm>> -> memref<8x2048xf32, #tpu.memory_space<hbm>>
    tpu.wait_dma2 semaphore(%arg14 : memref<!tpu.dma_semaphore, #tpu.memory_space<semaphore_mem>>) src(%dma_wait3A_885 : memref<8x2048xf32, #tpu.memory_space<hbm>>) dst(%arg9 : memref<8x2048xf32, #tpu.memory_space<vmem>>)
    %add3A_886 = arith.constant 168 : i32
    %add3A_887 = arith.addi %mul3A_32, %add3A_886 : i32
    %dma_start3A_888 = arith.constant 0 : i32
    %dma_start3A_889 = tpu.memref_slice %arg5[%add3A_887, %dma_start3A_888] : memref<8192x2048xf32, #tpu.memory_space<hbm>> -> memref<8x2048xf32, #tpu.memory_space<hbm>>
    %dma_start3A_890 = arith.constant 0 : i32
    %dma_start3A_891 = tpu.memref_slice %arg5[%add3A_887, %dma_start3A_890] : memref<8192x2048xf32, #tpu.memory_space<hbm>> -> memref<8x2048xf32, #tpu.memory_space<hbm>>
    tpu.enqueue_dma source(%arg9 : memref<8x2048xf32, #tpu.memory_space<vmem>>) target(%dma_start3A_891 : memref<8x2048xf32, #tpu.memory_space<hbm>>) target_semaphore(%arg16 : memref<!tpu.dma_semaphore, #tpu.memory_space<semaphore_mem>>)
    %dma_wait3A_892 = arith.constant 0 : i32
    %dma_wait3A_893 = tpu.memref_slice %arg5[%add3A_887, %dma_wait3A_892] : memref<8192x2048xf32, #tpu.memory_space<hbm>> -> memref<8x2048xf32, #tpu.memory_space<hbm>>
    %dma_wait3A_894 = arith.constant 0 : i32
    %dma_wait3A_895 = tpu.memref_slice %arg5[%add3A_887, %dma_wait3A_894] : memref<8192x2048xf32, #tpu.memory_space<hbm>> -> memref<8x2048xf32, #tpu.memory_space<hbm>>
    tpu.wait_dma2 semaphore(%arg16 : memref<!tpu.dma_semaphore, #tpu.memory_space<semaphore_mem>>) src(%arg9 : memref<8x2048xf32, #tpu.memory_space<vmem>>) dst(%dma_wait3A_895 : memref<8x2048xf32, #tpu.memory_space<hbm>>)
    %add3A_896 = arith.constant 184 : i32
    %add3A_897 = arith.addi %mul3A_32, %add3A_896 : i32
    %dma_start3A_898 = arith.constant 0 : i32
    %dma_start3A_899 = tpu.memref_slice %arg2[%add3A_897, %dma_start3A_898] : memref<8192x2048xf32, #tpu.memory_space<hbm>> -> memref<8x2048xf32, #tpu.memory_space<hbm>>
    %dma_start3A_900 = arith.constant 0 : i32
    %dma_start3A_901 = tpu.memref_slice %arg2[%add3A_897, %dma_start3A_900] : memref<8192x2048xf32, #tpu.memory_space<hbm>> -> memref<8x2048xf32, #tpu.memory_space<hbm>>
    tpu.enqueue_dma source(%dma_start3A_901 : memref<8x2048xf32, #tpu.memory_space<hbm>>) target(%arg9 : memref<8x2048xf32, #tpu.memory_space<vmem>>) target_semaphore(%arg14 : memref<!tpu.dma_semaphore, #tpu.memory_space<semaphore_mem>>)
    %dma_wait3A_902 = arith.constant 0 : i32
    %dma_wait3A_903 = tpu.memref_slice %arg2[%add3A_877, %dma_wait3A_902] : memref<8192x2048xf32, #tpu.memory_space<hbm>> -> memref<8x2048xf32, #tpu.memory_space<hbm>>
    %dma_wait3A_904 = arith.constant 0 : i32
    %dma_wait3A_905 = tpu.memref_slice %arg2[%add3A_877, %dma_wait3A_904] : memref<8192x2048xf32, #tpu.memory_space<hbm>> -> memref<8x2048xf32, #tpu.memory_space<hbm>>
    tpu.wait_dma2 semaphore(%arg13 : memref<!tpu.dma_semaphore, #tpu.memory_space<semaphore_mem>>) src(%dma_wait3A_905 : memref<8x2048xf32, #tpu.memory_space<hbm>>) dst(%arg8 : memref<8x2048xf32, #tpu.memory_space<vmem>>)
    %add3A_906 = arith.constant 176 : i32
    %add3A_907 = arith.addi %mul3A_32, %add3A_906 : i32
    %dma_start3A_908 = arith.constant 0 : i32
    %dma_start3A_909 = tpu.memref_slice %arg5[%add3A_907, %dma_start3A_908] : memref<8192x2048xf32, #tpu.memory_space<hbm>> -> memref<8x2048xf32, #tpu.memory_space<hbm>>
    %dma_start3A_910 = arith.constant 0 : i32
    %dma_start3A_911 = tpu.memref_slice %arg5[%add3A_907, %dma_start3A_910] : memref<8192x2048xf32, #tpu.memory_space<hbm>> -> memref<8x2048xf32, #tpu.memory_space<hbm>>
    tpu.enqueue_dma source(%arg8 : memref<8x2048xf32, #tpu.memory_space<vmem>>) target(%dma_start3A_911 : memref<8x2048xf32, #tpu.memory_space<hbm>>) target_semaphore(%arg15 : memref<!tpu.dma_semaphore, #tpu.memory_space<semaphore_mem>>)
    %dma_wait3A_912 = arith.constant 0 : i32
    %dma_wait3A_913 = tpu.memref_slice %arg5[%add3A_907, %dma_wait3A_912] : memref<8192x2048xf32, #tpu.memory_space<hbm>> -> memref<8x2048xf32, #tpu.memory_space<hbm>>
    %dma_wait3A_914 = arith.constant 0 : i32
    %dma_wait3A_915 = tpu.memref_slice %arg5[%add3A_907, %dma_wait3A_914] : memref<8192x2048xf32, #tpu.memory_space<hbm>> -> memref<8x2048xf32, #tpu.memory_space<hbm>>
    tpu.wait_dma2 semaphore(%arg15 : memref<!tpu.dma_semaphore, #tpu.memory_space<semaphore_mem>>) src(%arg8 : memref<8x2048xf32, #tpu.memory_space<vmem>>) dst(%dma_wait3A_915 : memref<8x2048xf32, #tpu.memory_space<hbm>>)
    %add3A_916 = arith.constant 192 : i32
    %add3A_917 = arith.addi %mul3A_32, %add3A_916 : i32
    %dma_start3A_918 = arith.constant 0 : i32
    %dma_start3A_919 = tpu.memref_slice %arg2[%add3A_917, %dma_start3A_918] : memref<8192x2048xf32, #tpu.memory_space<hbm>> -> memref<8x2048xf32, #tpu.memory_space<hbm>>
    %dma_start3A_920 = arith.constant 0 : i32
    %dma_start3A_921 = tpu.memref_slice %arg2[%add3A_917, %dma_start3A_920] : memref<8192x2048xf32, #tpu.memory_space<hbm>> -> memref<8x2048xf32, #tpu.memory_space<hbm>>
    tpu.enqueue_dma source(%dma_start3A_921 : memref<8x2048xf32, #tpu.memory_space<hbm>>) target(%arg8 : memref<8x2048xf32, #tpu.memory_space<vmem>>) target_semaphore(%arg13 : memref<!tpu.dma_semaphore, #tpu.memory_space<semaphore_mem>>)
    %dma_wait3A_922 = arith.constant 0 : i32
    %dma_wait3A_923 = tpu.memref_slice %arg2[%add3A_897, %dma_wait3A_922] : memref<8192x2048xf32, #tpu.memory_space<hbm>> -> memref<8x2048xf32, #tpu.memory_space<hbm>>
    %dma_wait3A_924 = arith.constant 0 : i32
    %dma_wait3A_925 = tpu.memref_slice %arg2[%add3A_897, %dma_wait3A_924] : memref<8192x2048xf32, #tpu.memory_space<hbm>> -> memref<8x2048xf32, #tpu.memory_space<hbm>>
    tpu.wait_dma2 semaphore(%arg14 : memref<!tpu.dma_semaphore, #tpu.memory_space<semaphore_mem>>) src(%dma_wait3A_925 : memref<8x2048xf32, #tpu.memory_space<hbm>>) dst(%arg9 : memref<8x2048xf32, #tpu.memory_space<vmem>>)
    %add3A_926 = arith.constant 184 : i32
    %add3A_927 = arith.addi %mul3A_32, %add3A_926 : i32
    %dma_start3A_928 = arith.constant 0 : i32
    %dma_start3A_929 = tpu.memref_slice %arg5[%add3A_927, %dma_start3A_928] : memref<8192x2048xf32, #tpu.memory_space<hbm>> -> memref<8x2048xf32, #tpu.memory_space<hbm>>
    %dma_start3A_930 = arith.constant 0 : i32
    %dma_start3A_931 = tpu.memref_slice %arg5[%add3A_927, %dma_start3A_930] : memref<8192x2048xf32, #tpu.memory_space<hbm>> -> memref<8x2048xf32, #tpu.memory_space<hbm>>
    tpu.enqueue_dma source(%arg9 : memref<8x2048xf32, #tpu.memory_space<vmem>>) target(%dma_start3A_931 : memref<8x2048xf32, #tpu.memory_space<hbm>>) target_semaphore(%arg16 : memref<!tpu.dma_semaphore, #tpu.memory_space<semaphore_mem>>)
    %dma_wait3A_932 = arith.constant 0 : i32
    %dma_wait3A_933 = tpu.memref_slice %arg5[%add3A_927, %dma_wait3A_932] : memref<8192x2048xf32, #tpu.memory_space<hbm>> -> memref<8x2048xf32, #tpu.memory_space<hbm>>
    %dma_wait3A_934 = arith.constant 0 : i32
    %dma_wait3A_935 = tpu.memref_slice %arg5[%add3A_927, %dma_wait3A_934] : memref<8192x2048xf32, #tpu.memory_space<hbm>> -> memref<8x2048xf32, #tpu.memory_space<hbm>>
    tpu.wait_dma2 semaphore(%arg16 : memref<!tpu.dma_semaphore, #tpu.memory_space<semaphore_mem>>) src(%arg9 : memref<8x2048xf32, #tpu.memory_space<vmem>>) dst(%dma_wait3A_935 : memref<8x2048xf32, #tpu.memory_space<hbm>>)
    %add3A_936 = arith.constant 200 : i32
    %add3A_937 = arith.addi %mul3A_32, %add3A_936 : i32
    %dma_start3A_938 = arith.constant 0 : i32
    %dma_start3A_939 = tpu.memref_slice %arg2[%add3A_937, %dma_start3A_938] : memref<8192x2048xf32, #tpu.memory_space<hbm>> -> memref<8x2048xf32, #tpu.memory_space<hbm>>
    %dma_start3A_940 = arith.constant 0 : i32
    %dma_start3A_941 = tpu.memref_slice %arg2[%add3A_937, %dma_start3A_940] : memref<8192x2048xf32, #tpu.memory_space<hbm>> -> memref<8x2048xf32, #tpu.memory_space<hbm>>
    tpu.enqueue_dma source(%dma_start3A_941 : memref<8x2048xf32, #tpu.memory_space<hbm>>) target(%arg9 : memref<8x2048xf32, #tpu.memory_space<vmem>>) target_semaphore(%arg14 : memref<!tpu.dma_semaphore, #tpu.memory_space<semaphore_mem>>)
    %dma_wait3A_942 = arith.constant 0 : i32
    %dma_wait3A_943 = tpu.memref_slice %arg2[%add3A_917, %dma_wait3A_942] : memref<8192x2048xf32, #tpu.memory_space<hbm>> -> memref<8x2048xf32, #tpu.memory_space<hbm>>
    %dma_wait3A_944 = arith.constant 0 : i32
    %dma_wait3A_945 = tpu.memref_slice %arg2[%add3A_917, %dma_wait3A_944] : memref<8192x2048xf32, #tpu.memory_space<hbm>> -> memref<8x2048xf32, #tpu.memory_space<hbm>>
    tpu.wait_dma2 semaphore(%arg13 : memref<!tpu.dma_semaphore, #tpu.memory_space<semaphore_mem>>) src(%dma_wait3A_945 : memref<8x2048xf32, #tpu.memory_space<hbm>>) dst(%arg8 : memref<8x2048xf32, #tpu.memory_space<vmem>>)
    %add3A_946 = arith.constant 192 : i32
    %add3A_947 = arith.addi %mul3A_32, %add3A_946 : i32
    %dma_start3A_948 = arith.constant 0 : i32
    %dma_start3A_949 = tpu.memref_slice %arg5[%add3A_947, %dma_start3A_948] : memref<8192x2048xf32, #tpu.memory_space<hbm>> -> memref<8x2048xf32, #tpu.memory_space<hbm>>
    %dma_start3A_950 = arith.constant 0 : i32
    %dma_start3A_951 = tpu.memref_slice %arg5[%add3A_947, %dma_start3A_950] : memref<8192x2048xf32, #tpu.memory_space<hbm>> -> memref<8x2048xf32, #tpu.memory_space<hbm>>
    tpu.enqueue_dma source(%arg8 : memref<8x2048xf32, #tpu.memory_space<vmem>>) target(%dma_start3A_951 : memref<8x2048xf32, #tpu.memory_space<hbm>>) target_semaphore(%arg15 : memref<!tpu.dma_semaphore, #tpu.memory_space<semaphore_mem>>)
    %dma_wait3A_952 = arith.constant 0 : i32
    %dma_wait3A_953 = tpu.memref_slice %arg5[%add3A_947, %dma_wait3A_952] : memref<8192x2048xf32, #tpu.memory_space<hbm>> -> memref<8x2048xf32, #tpu.memory_space<hbm>>
    %dma_wait3A_954 = arith.constant 0 : i32
    %dma_wait3A_955 = tpu.memref_slice %arg5[%add3A_947, %dma_wait3A_954] : memref<8192x2048xf32, #tpu.memory_space<hbm>> -> memref<8x2048xf32, #tpu.memory_space<hbm>>
    tpu.wait_dma2 semaphore(%arg15 : memref<!tpu.dma_semaphore, #tpu.memory_space<semaphore_mem>>) src(%arg8 : memref<8x2048xf32, #tpu.memory_space<vmem>>) dst(%dma_wait3A_955 : memref<8x2048xf32, #tpu.memory_space<hbm>>)
    %add3A_956 = arith.constant 208 : i32
    %add3A_957 = arith.addi %mul3A_32, %add3A_956 : i32
    %dma_start3A_958 = arith.constant 0 : i32
    %dma_start3A_959 = tpu.memref_slice %arg2[%add3A_957, %dma_start3A_958] : memref<8192x2048xf32, #tpu.memory_space<hbm>> -> memref<8x2048xf32, #tpu.memory_space<hbm>>
    %dma_start3A_960 = arith.constant 0 : i32
    %dma_start3A_961 = tpu.memref_slice %arg2[%add3A_957, %dma_start3A_960] : memref<8192x2048xf32, #tpu.memory_space<hbm>> -> memref<8x2048xf32, #tpu.memory_space<hbm>>
    tpu.enqueue_dma source(%dma_start3A_961 : memref<8x2048xf32, #tpu.memory_space<hbm>>) target(%arg8 : memref<8x2048xf32, #tpu.memory_space<vmem>>) target_semaphore(%arg13 : memref<!tpu.dma_semaphore, #tpu.memory_space<semaphore_mem>>)
    %dma_wait3A_962 = arith.constant 0 : i32
    %dma_wait3A_963 = tpu.memref_slice %arg2[%add3A_937, %dma_wait3A_962] : memref<8192x2048xf32, #tpu.memory_space<hbm>> -> memref<8x2048xf32, #tpu.memory_space<hbm>>
    %dma_wait3A_964 = arith.constant 0 : i32
    %dma_wait3A_965 = tpu.memref_slice %arg2[%add3A_937, %dma_wait3A_964] : memref<8192x2048xf32, #tpu.memory_space<hbm>> -> memref<8x2048xf32, #tpu.memory_space<hbm>>
    tpu.wait_dma2 semaphore(%arg14 : memref<!tpu.dma_semaphore, #tpu.memory_space<semaphore_mem>>) src(%dma_wait3A_965 : memref<8x2048xf32, #tpu.memory_space<hbm>>) dst(%arg9 : memref<8x2048xf32, #tpu.memory_space<vmem>>)
    %add3A_966 = arith.constant 200 : i32
    %add3A_967 = arith.addi %mul3A_32, %add3A_966 : i32
    %dma_start3A_968 = arith.constant 0 : i32
    %dma_start3A_969 = tpu.memref_slice %arg5[%add3A_967, %dma_start3A_968] : memref<8192x2048xf32, #tpu.memory_space<hbm>> -> memref<8x2048xf32, #tpu.memory_space<hbm>>
    %dma_start3A_970 = arith.constant 0 : i32
    %dma_start3A_971 = tpu.memref_slice %arg5[%add3A_967, %dma_start3A_970] : memref<8192x2048xf32, #tpu.memory_space<hbm>> -> memref<8x2048xf32, #tpu.memory_space<hbm>>
    tpu.enqueue_dma source(%arg9 : memref<8x2048xf32, #tpu.memory_space<vmem>>) target(%dma_start3A_971 : memref<8x2048xf32, #tpu.memory_space<hbm>>) target_semaphore(%arg16 : memref<!tpu.dma_semaphore, #tpu.memory_space<semaphore_mem>>)
    %dma_wait3A_972 = arith.constant 0 : i32
    %dma_wait3A_973 = tpu.memref_slice %arg5[%add3A_967, %dma_wait3A_972] : memref<8192x2048xf32, #tpu.memory_space<hbm>> -> memref<8x2048xf32, #tpu.memory_space<hbm>>
    %dma_wait3A_974 = arith.constant 0 : i32
    %dma_wait3A_975 = tpu.memref_slice %arg5[%add3A_967, %dma_wait3A_974] : memref<8192x2048xf32, #tpu.memory_space<hbm>> -> memref<8x2048xf32, #tpu.memory_space<hbm>>
    tpu.wait_dma2 semaphore(%arg16 : memref<!tpu.dma_semaphore, #tpu.memory_space<semaphore_mem>>) src(%arg9 : memref<8x2048xf32, #tpu.memory_space<vmem>>) dst(%dma_wait3A_975 : memref<8x2048xf32, #tpu.memory_space<hbm>>)
    %add3A_976 = arith.constant 216 : i32
    %add3A_977 = arith.addi %mul3A_32, %add3A_976 : i32
    %dma_start3A_978 = arith.constant 0 : i32
    %dma_start3A_979 = tpu.memref_slice %arg2[%add3A_977, %dma_start3A_978] : memref<8192x2048xf32, #tpu.memory_space<hbm>> -> memref<8x2048xf32, #tpu.memory_space<hbm>>
    %dma_start3A_980 = arith.constant 0 : i32
    %dma_start3A_981 = tpu.memref_slice %arg2[%add3A_977, %dma_start3A_980] : memref<8192x2048xf32, #tpu.memory_space<hbm>> -> memref<8x2048xf32, #tpu.memory_space<hbm>>
    tpu.enqueue_dma source(%dma_start3A_981 : memref<8x2048xf32, #tpu.memory_space<hbm>>) target(%arg9 : memref<8x2048xf32, #tpu.memory_space<vmem>>) target_semaphore(%arg14 : memref<!tpu.dma_semaphore, #tpu.memory_space<semaphore_mem>>)
    %dma_wait3A_982 = arith.constant 0 : i32
    %dma_wait3A_983 = tpu.memref_slice %arg2[%add3A_957, %dma_wait3A_982] : memref<8192x2048xf32, #tpu.memory_space<hbm>> -> memref<8x2048xf32, #tpu.memory_space<hbm>>
    %dma_wait3A_984 = arith.constant 0 : i32
    %dma_wait3A_985 = tpu.memref_slice %arg2[%add3A_957, %dma_wait3A_984] : memref<8192x2048xf32, #tpu.memory_space<hbm>> -> memref<8x2048xf32, #tpu.memory_space<hbm>>
    tpu.wait_dma2 semaphore(%arg13 : memref<!tpu.dma_semaphore, #tpu.memory_space<semaphore_mem>>) src(%dma_wait3A_985 : memref<8x2048xf32, #tpu.memory_space<hbm>>) dst(%arg8 : memref<8x2048xf32, #tpu.memory_space<vmem>>)
    %add3A_986 = arith.constant 208 : i32
    %add3A_987 = arith.addi %mul3A_32, %add3A_986 : i32
    %dma_start3A_988 = arith.constant 0 : i32
    %dma_start3A_989 = tpu.memref_slice %arg5[%add3A_987, %dma_start3A_988] : memref<8192x2048xf32, #tpu.memory_space<hbm>> -> memref<8x2048xf32, #tpu.memory_space<hbm>>
    %dma_start3A_990 = arith.constant 0 : i32
    %dma_start3A_991 = tpu.memref_slice %arg5[%add3A_987, %dma_start3A_990] : memref<8192x2048xf32, #tpu.memory_space<hbm>> -> memref<8x2048xf32, #tpu.memory_space<hbm>>
    tpu.enqueue_dma source(%arg8 : memref<8x2048xf32, #tpu.memory_space<vmem>>) target(%dma_start3A_991 : memref<8x2048xf32, #tpu.memory_space<hbm>>) target_semaphore(%arg15 : memref<!tpu.dma_semaphore, #tpu.memory_space<semaphore_mem>>)
    %dma_wait3A_992 = arith.constant 0 : i32
    %dma_wait3A_993 = tpu.memref_slice %arg5[%add3A_987, %dma_wait3A_992] : memref<8192x2048xf32, #tpu.memory_space<hbm>> -> memref<8x2048xf32, #tpu.memory_space<hbm>>
    %dma_wait3A_994 = arith.constant 0 : i32
    %dma_wait3A_995 = tpu.memref_slice %arg5[%add3A_987, %dma_wait3A_994] : memref<8192x2048xf32, #tpu.memory_space<hbm>> -> memref<8x2048xf32, #tpu.memory_space<hbm>>
    tpu.wait_dma2 semaphore(%arg15 : memref<!tpu.dma_semaphore, #tpu.memory_space<semaphore_mem>>) src(%arg8 : memref<8x2048xf32, #tpu.memory_space<vmem>>) dst(%dma_wait3A_995 : memref<8x2048xf32, #tpu.memory_space<hbm>>)
    %add3A_996 = arith.constant 224 : i32
    %add3A_997 = arith.addi %mul3A_32, %add3A_996 : i32
    %dma_start3A_998 = arith.constant 0 : i32
    %dma_start3A_999 = tpu.memref_slice %arg2[%add3A_997, %dma_start3A_998] : memref<8192x2048xf32, #tpu.memory_space<hbm>> -> memref<8x2048xf32, #tpu.memory_space<hbm>>
    %dma_start3A_1000 = arith.constant 0 : i32
    %dma_start3A_1001 = tpu.memref_slice %arg2[%add3A_997, %dma_start3A_1000] : memref<8192x2048xf32, #tpu.memory_space<hbm>> -> memref<8x2048xf32, #tpu.memory_space<hbm>>
    tpu.enqueue_dma source(%dma_start3A_1001 : memref<8x2048xf32, #tpu.memory_space<hbm>>) target(%arg8 : memref<8x2048xf32, #tpu.memory_space<vmem>>) target_semaphore(%arg13 : memref<!tpu.dma_semaphore, #tpu.memory_space<semaphore_mem>>)
    %dma_wait3A_1002 = arith.constant 0 : i32
    %dma_wait3A_1003 = tpu.memref_slice %arg2[%add3A_977, %dma_wait3A_1002] : memref<8192x2048xf32, #tpu.memory_space<hbm>> -> memref<8x2048xf32, #tpu.memory_space<hbm>>
    %dma_wait3A_1004 = arith.constant 0 : i32
    %dma_wait3A_1005 = tpu.memref_slice %arg2[%add3A_977, %dma_wait3A_1004] : memref<8192x2048xf32, #tpu.memory_space<hbm>> -> memref<8x2048xf32, #tpu.memory_space<hbm>>
    tpu.wait_dma2 semaphore(%arg14 : memref<!tpu.dma_semaphore, #tpu.memory_space<semaphore_mem>>) src(%dma_wait3A_1005 : memref<8x2048xf32, #tpu.memory_space<hbm>>) dst(%arg9 : memref<8x2048xf32, #tpu.memory_space<vmem>>)
    %add3A_1006 = arith.constant 216 : i32
    %add3A_1007 = arith.addi %mul3A_32, %add3A_1006 : i32
    %dma_start3A_1008 = arith.constant 0 : i32
    %dma_start3A_1009 = tpu.memref_slice %arg5[%add3A_1007, %dma_start3A_1008] : memref<8192x2048xf32, #tpu.memory_space<hbm>> -> memref<8x2048xf32, #tpu.memory_space<hbm>>
    %dma_start3A_1010 = arith.constant 0 : i32
    %dma_start3A_1011 = tpu.memref_slice %arg5[%add3A_1007, %dma_start3A_1010] : memref<8192x2048xf32, #tpu.memory_space<hbm>> -> memref<8x2048xf32, #tpu.memory_space<hbm>>
    tpu.enqueue_dma source(%arg9 : memref<8x2048xf32, #tpu.memory_space<vmem>>) target(%dma_start3A_1011 : memref<8x2048xf32, #tpu.memory_space<hbm>>) target_semaphore(%arg16 : memref<!tpu.dma_semaphore, #tpu.memory_space<semaphore_mem>>)
    %dma_wait3A_1012 = arith.constant 0 : i32
    %dma_wait3A_1013 = tpu.memref_slice %arg5[%add3A_1007, %dma_wait3A_1012] : memref<8192x2048xf32, #tpu.memory_space<hbm>> -> memref<8x2048xf32, #tpu.memory_space<hbm>>
    %dma_wait3A_1014 = arith.constant 0 : i32
    %dma_wait3A_1015 = tpu.memref_slice %arg5[%add3A_1007, %dma_wait3A_1014] : memref<8192x2048xf32, #tpu.memory_space<hbm>> -> memref<8x2048xf32, #tpu.memory_space<hbm>>
    tpu.wait_dma2 semaphore(%arg16 : memref<!tpu.dma_semaphore, #tpu.memory_space<semaphore_mem>>) src(%arg9 : memref<8x2048xf32, #tpu.memory_space<vmem>>) dst(%dma_wait3A_1015 : memref<8x2048xf32, #tpu.memory_space<hbm>>)
    %add3A_1016 = arith.constant 232 : i32
    %add3A_1017 = arith.addi %mul3A_32, %add3A_1016 : i32
    %dma_start3A_1018 = arith.constant 0 : i32
    %dma_start3A_1019 = tpu.memref_slice %arg2[%add3A_1017, %dma_start3A_1018] : memref<8192x2048xf32, #tpu.memory_space<hbm>> -> memref<8x2048xf32, #tpu.memory_space<hbm>>
    %dma_start3A_1020 = arith.constant 0 : i32
    %dma_start3A_1021 = tpu.memref_slice %arg2[%add3A_1017, %dma_start3A_1020] : memref<8192x2048xf32, #tpu.memory_space<hbm>> -> memref<8x2048xf32, #tpu.memory_space<hbm>>
    tpu.enqueue_dma source(%dma_start3A_1021 : memref<8x2048xf32, #tpu.memory_space<hbm>>) target(%arg9 : memref<8x2048xf32, #tpu.memory_space<vmem>>) target_semaphore(%arg14 : memref<!tpu.dma_semaphore, #tpu.memory_space<semaphore_mem>>)
    %dma_wait3A_1022 = arith.constant 0 : i32
    %dma_wait3A_1023 = tpu.memref_slice %arg2[%add3A_997, %dma_wait3A_1022] : memref<8192x2048xf32, #tpu.memory_space<hbm>> -> memref<8x2048xf32, #tpu.memory_space<hbm>>
    %dma_wait3A_1024 = arith.constant 0 : i32
    %dma_wait3A_1025 = tpu.memref_slice %arg2[%add3A_997, %dma_wait3A_1024] : memref<8192x2048xf32, #tpu.memory_space<hbm>> -> memref<8x2048xf32, #tpu.memory_space<hbm>>
    tpu.wait_dma2 semaphore(%arg13 : memref<!tpu.dma_semaphore, #tpu.memory_space<semaphore_mem>>) src(%dma_wait3A_1025 : memref<8x2048xf32, #tpu.memory_space<hbm>>) dst(%arg8 : memref<8x2048xf32, #tpu.memory_space<vmem>>)
    %add3A_1026 = arith.constant 224 : i32
    %add3A_1027 = arith.addi %mul3A_32, %add3A_1026 : i32
    %dma_start3A_1028 = arith.constant 0 : i32
    %dma_start3A_1029 = tpu.memref_slice %arg5[%add3A_1027, %dma_start3A_1028] : memref<8192x2048xf32, #tpu.memory_space<hbm>> -> memref<8x2048xf32, #tpu.memory_space<hbm>>
    %dma_start3A_1030 = arith.constant 0 : i32
    %dma_start3A_1031 = tpu.memref_slice %arg5[%add3A_1027, %dma_start3A_1030] : memref<8192x2048xf32, #tpu.memory_space<hbm>> -> memref<8x2048xf32, #tpu.memory_space<hbm>>
    tpu.enqueue_dma source(%arg8 : memref<8x2048xf32, #tpu.memory_space<vmem>>) target(%dma_start3A_1031 : memref<8x2048xf32, #tpu.memory_space<hbm>>) target_semaphore(%arg15 : memref<!tpu.dma_semaphore, #tpu.memory_space<semaphore_mem>>)
    %dma_wait3A_1032 = arith.constant 0 : i32
    %dma_wait3A_1033 = tpu.memref_slice %arg5[%add3A_1027, %dma_wait3A_1032] : memref<8192x2048xf32, #tpu.memory_space<hbm>> -> memref<8x2048xf32, #tpu.memory_space<hbm>>
    %dma_wait3A_1034 = arith.constant 0 : i32
    %dma_wait3A_1035 = tpu.memref_slice %arg5[%add3A_1027, %dma_wait3A_1034] : memref<8192x2048xf32, #tpu.memory_space<hbm>> -> memref<8x2048xf32, #tpu.memory_space<hbm>>
    tpu.wait_dma2 semaphore(%arg15 : memref<!tpu.dma_semaphore, #tpu.memory_space<semaphore_mem>>) src(%arg8 : memref<8x2048xf32, #tpu.memory_space<vmem>>) dst(%dma_wait3A_1035 : memref<8x2048xf32, #tpu.memory_space<hbm>>)
    %add3A_1036 = arith.constant 240 : i32
    %add3A_1037 = arith.addi %mul3A_32, %add3A_1036 : i32
    %dma_start3A_1038 = arith.constant 0 : i32
    %dma_start3A_1039 = tpu.memref_slice %arg2[%add3A_1037, %dma_start3A_1038] : memref<8192x2048xf32, #tpu.memory_space<hbm>> -> memref<8x2048xf32, #tpu.memory_space<hbm>>
    %dma_start3A_1040 = arith.constant 0 : i32
    %dma_start3A_1041 = tpu.memref_slice %arg2[%add3A_1037, %dma_start3A_1040] : memref<8192x2048xf32, #tpu.memory_space<hbm>> -> memref<8x2048xf32, #tpu.memory_space<hbm>>
    tpu.enqueue_dma source(%dma_start3A_1041 : memref<8x2048xf32, #tpu.memory_space<hbm>>) target(%arg8 : memref<8x2048xf32, #tpu.memory_space<vmem>>) target_semaphore(%arg13 : memref<!tpu.dma_semaphore, #tpu.memory_space<semaphore_mem>>)
    %dma_wait3A_1042 = arith.constant 0 : i32
    %dma_wait3A_1043 = tpu.memref_slice %arg2[%add3A_1017, %dma_wait3A_1042] : memref<8192x2048xf32, #tpu.memory_space<hbm>> -> memref<8x2048xf32, #tpu.memory_space<hbm>>
    %dma_wait3A_1044 = arith.constant 0 : i32
    %dma_wait3A_1045 = tpu.memref_slice %arg2[%add3A_1017, %dma_wait3A_1044] : memref<8192x2048xf32, #tpu.memory_space<hbm>> -> memref<8x2048xf32, #tpu.memory_space<hbm>>
    tpu.wait_dma2 semaphore(%arg14 : memref<!tpu.dma_semaphore, #tpu.memory_space<semaphore_mem>>) src(%dma_wait3A_1045 : memref<8x2048xf32, #tpu.memory_space<hbm>>) dst(%arg9 : memref<8x2048xf32, #tpu.memory_space<vmem>>)
    %add3A_1046 = arith.constant 232 : i32
    %add3A_1047 = arith.addi %mul3A_32, %add3A_1046 : i32
    %dma_start3A_1048 = arith.constant 0 : i32
    %dma_start3A_1049 = tpu.memref_slice %arg5[%add3A_1047, %dma_start3A_1048] : memref<8192x2048xf32, #tpu.memory_space<hbm>> -> memref<8x2048xf32, #tpu.memory_space<hbm>>
    %dma_start3A_1050 = arith.constant 0 : i32
    %dma_start3A_1051 = tpu.memref_slice %arg5[%add3A_1047, %dma_start3A_1050] : memref<8192x2048xf32, #tpu.memory_space<hbm>> -> memref<8x2048xf32, #tpu.memory_space<hbm>>
    tpu.enqueue_dma source(%arg9 : memref<8x2048xf32, #tpu.memory_space<vmem>>) target(%dma_start3A_1051 : memref<8x2048xf32, #tpu.memory_space<hbm>>) target_semaphore(%arg16 : memref<!tpu.dma_semaphore, #tpu.memory_space<semaphore_mem>>)
    %dma_wait3A_1052 = arith.constant 0 : i32
    %dma_wait3A_1053 = tpu.memref_slice %arg5[%add3A_1047, %dma_wait3A_1052] : memref<8192x2048xf32, #tpu.memory_space<hbm>> -> memref<8x2048xf32, #tpu.memory_space<hbm>>
    %dma_wait3A_1054 = arith.constant 0 : i32
    %dma_wait3A_1055 = tpu.memref_slice %arg5[%add3A_1047, %dma_wait3A_1054] : memref<8192x2048xf32, #tpu.memory_space<hbm>> -> memref<8x2048xf32, #tpu.memory_space<hbm>>
    tpu.wait_dma2 semaphore(%arg16 : memref<!tpu.dma_semaphore, #tpu.memory_space<semaphore_mem>>) src(%arg9 : memref<8x2048xf32, #tpu.memory_space<vmem>>) dst(%dma_wait3A_1055 : memref<8x2048xf32, #tpu.memory_space<hbm>>)
    %add3A_1056 = arith.constant 248 : i32
    %add3A_1057 = arith.addi %mul3A_32, %add3A_1056 : i32
    %dma_start3A_1058 = arith.constant 0 : i32
    %dma_start3A_1059 = tpu.memref_slice %arg2[%add3A_1057, %dma_start3A_1058] : memref<8192x2048xf32, #tpu.memory_space<hbm>> -> memref<8x2048xf32, #tpu.memory_space<hbm>>
    %dma_start3A_1060 = arith.constant 0 : i32
    %dma_start3A_1061 = tpu.memref_slice %arg2[%add3A_1057, %dma_start3A_1060] : memref<8192x2048xf32, #tpu.memory_space<hbm>> -> memref<8x2048xf32, #tpu.memory_space<hbm>>
    tpu.enqueue_dma source(%dma_start3A_1061 : memref<8x2048xf32, #tpu.memory_space<hbm>>) target(%arg9 : memref<8x2048xf32, #tpu.memory_space<vmem>>) target_semaphore(%arg14 : memref<!tpu.dma_semaphore, #tpu.memory_space<semaphore_mem>>)
    %dma_wait3A_1062 = arith.constant 0 : i32
    %dma_wait3A_1063 = tpu.memref_slice %arg2[%add3A_1037, %dma_wait3A_1062] : memref<8192x2048xf32, #tpu.memory_space<hbm>> -> memref<8x2048xf32, #tpu.memory_space<hbm>>
    %dma_wait3A_1064 = arith.constant 0 : i32
    %dma_wait3A_1065 = tpu.memref_slice %arg2[%add3A_1037, %dma_wait3A_1064] : memref<8192x2048xf32, #tpu.memory_space<hbm>> -> memref<8x2048xf32, #tpu.memory_space<hbm>>
    tpu.wait_dma2 semaphore(%arg13 : memref<!tpu.dma_semaphore, #tpu.memory_space<semaphore_mem>>) src(%dma_wait3A_1065 : memref<8x2048xf32, #tpu.memory_space<hbm>>) dst(%arg8 : memref<8x2048xf32, #tpu.memory_space<vmem>>)
    %add3A_1066 = arith.constant 240 : i32
    %add3A_1067 = arith.addi %mul3A_32, %add3A_1066 : i32
    %dma_start3A_1068 = arith.constant 0 : i32
    %dma_start3A_1069 = tpu.memref_slice %arg5[%add3A_1067, %dma_start3A_1068] : memref<8192x2048xf32, #tpu.memory_space<hbm>> -> memref<8x2048xf32, #tpu.memory_space<hbm>>
    %dma_start3A_1070 = arith.constant 0 : i32
    %dma_start3A_1071 = tpu.memref_slice %arg5[%add3A_1067, %dma_start3A_1070] : memref<8192x2048xf32, #tpu.memory_space<hbm>> -> memref<8x2048xf32, #tpu.memory_space<hbm>>
    tpu.enqueue_dma source(%arg8 : memref<8x2048xf32, #tpu.memory_space<vmem>>) target(%dma_start3A_1071 : memref<8x2048xf32, #tpu.memory_space<hbm>>) target_semaphore(%arg15 : memref<!tpu.dma_semaphore, #tpu.memory_space<semaphore_mem>>)
    %dma_wait3A_1072 = arith.constant 0 : i32
    %dma_wait3A_1073 = tpu.memref_slice %arg2[%add3A_1057, %dma_wait3A_1072] : memref<8192x2048xf32, #tpu.memory_space<hbm>> -> memref<8x2048xf32, #tpu.memory_space<hbm>>
    %dma_wait3A_1074 = arith.constant 0 : i32
    %dma_wait3A_1075 = tpu.memref_slice %arg2[%add3A_1057, %dma_wait3A_1074] : memref<8192x2048xf32, #tpu.memory_space<hbm>> -> memref<8x2048xf32, #tpu.memory_space<hbm>>
    tpu.wait_dma2 semaphore(%arg14 : memref<!tpu.dma_semaphore, #tpu.memory_space<semaphore_mem>>) src(%dma_wait3A_1075 : memref<8x2048xf32, #tpu.memory_space<hbm>>) dst(%arg9 : memref<8x2048xf32, #tpu.memory_space<vmem>>)
    %add3A_1076 = arith.constant 248 : i32
    %add3A_1077 = arith.addi %mul3A_32, %add3A_1076 : i32
    %dma_start3A_1078 = arith.constant 0 : i32
    %dma_start3A_1079 = tpu.memref_slice %arg5[%add3A_1077, %dma_start3A_1078] : memref<8192x2048xf32, #tpu.memory_space<hbm>> -> memref<8x2048xf32, #tpu.memory_space<hbm>>
    %dma_start3A_1080 = arith.constant 0 : i32
    %dma_start3A_1081 = tpu.memref_slice %arg5[%add3A_1077, %dma_start3A_1080] : memref<8192x2048xf32, #tpu.memory_space<hbm>> -> memref<8x2048xf32, #tpu.memory_space<hbm>>
    tpu.enqueue_dma source(%arg9 : memref<8x2048xf32, #tpu.memory_space<vmem>>) target(%dma_start3A_1081 : memref<8x2048xf32, #tpu.memory_space<hbm>>) target_semaphore(%arg16 : memref<!tpu.dma_semaphore, #tpu.memory_space<semaphore_mem>>)
    %dma_wait3A_1082 = arith.constant 0 : i32
    %dma_wait3A_1083 = tpu.memref_slice %arg5[%add3A_1067, %dma_wait3A_1082] : memref<8192x2048xf32, #tpu.memory_space<hbm>> -> memref<8x2048xf32, #tpu.memory_space<hbm>>
    %dma_wait3A_1084 = arith.constant 0 : i32
    %dma_wait3A_1085 = tpu.memref_slice %arg5[%add3A_1067, %dma_wait3A_1084] : memref<8192x2048xf32, #tpu.memory_space<hbm>> -> memref<8x2048xf32, #tpu.memory_space<hbm>>
    tpu.wait_dma2 semaphore(%arg15 : memref<!tpu.dma_semaphore, #tpu.memory_space<semaphore_mem>>) src(%arg8 : memref<8x2048xf32, #tpu.memory_space<vmem>>) dst(%dma_wait3A_1085 : memref<8x2048xf32, #tpu.memory_space<hbm>>)
    %dma_wait3A_1086 = arith.constant 0 : i32
    %dma_wait3A_1087 = tpu.memref_slice %arg5[%add3A_1077, %dma_wait3A_1086] : memref<8192x2048xf32, #tpu.memory_space<hbm>> -> memref<8x2048xf32, #tpu.memory_space<hbm>>
    %dma_wait3A_1088 = arith.constant 0 : i32
    %dma_wait3A_1089 = tpu.memref_slice %arg5[%add3A_1077, %dma_wait3A_1088] : memref<8192x2048xf32, #tpu.memory_space<hbm>> -> memref<8x2048xf32, #tpu.memory_space<hbm>>
    tpu.wait_dma2 semaphore(%arg16 : memref<!tpu.dma_semaphore, #tpu.memory_space<semaphore_mem>>) src(%arg9 : memref<8x2048xf32, #tpu.memory_space<vmem>>) dst(%dma_wait3A_1089 : memref<8x2048xf32, #tpu.memory_space<hbm>>)
    %add3A_1090 = arith.constant 16 : i32
    %add3A_1091 = arith.addi %add3A_451, %add3A_1090 : i32
    %sub3A_1092 = arith.constant 1 : i32
    %sub3A_1093 = arith.subi %add3A_1091, %sub3A_1092 : i32
    %jit3A_1094 = arith.constant 16 : i32
    %div3A_1095 = arith.divsi %sub3A_1093, %jit3A_1094 : i32
    %sign3A_1096 = arith.constant 0 : i32
    %sign3A_1097 = arith.cmpi sgt, %sub3A_1093, %sign3A_1096 : i32
    %sign3A_1098 = arith.extui %sign3A_1097 : i1 to i32
    %sign3A_1099 = arith.constant 0 : i32
    %sign3A_1100 = arith.cmpi slt, %sub3A_1093, %sign3A_1099 : i32
    %sign3A_1101 = arith.extui %sign3A_1100 : i1 to i32
    %sign3A_1102 = arith.subi %sign3A_1098, %sign3A_1101 : i32
    %sign3A_1103 = arith.constant 0 : i32
    %sign3A_1104 = arith.cmpi sgt, %jit3A_1094, %sign3A_1103 : i32
    %sign3A_1105 = arith.extui %sign3A_1104 : i1 to i32
    %sign3A_1106 = arith.constant 0 : i32
    %sign3A_1107 = arith.cmpi slt, %jit3A_1094, %sign3A_1106 : i32
    %sign3A_1108 = arith.extui %sign3A_1107 : i1 to i32
    %sign3A_1109 = arith.subi %sign3A_1105, %sign3A_1108 : i32
    %ne3A_1110 = arith.cmpi ne, %sign3A_1102, %sign3A_1109 : i32
    %rem3A_1111 = arith.remsi %sub3A_1093, %jit3A_1094 : i32
    %ne3A_1112 = arith.constant 0 : i32
    %ne3A_1113 = arith.cmpi ne, %rem3A_1111, %ne3A_1112 : i32
    %and3A_1114 = arith.andi %ne3A_1110, %ne3A_1113 : i1
    %sub3A_1115 = arith.constant 1 : i32
    %sub3A_1116 = arith.subi %div3A_1095, %sub3A_1115 : i32
    %select_n3A_1117 = arith.select %and3A_1114, %sub3A_1116, %div3A_1095 : i32
    %while3A_1118 = arith.constant 0 : i32
    %while3A_1119 = arith.constant 0 : i32
    %while3A_1120 = arith.subi %select_n3A_1117, %while3A_1119 : i32
    %while3A_1121 = arith.addi %while3A_1119, %while3A_1120 : i32
    %while3A_1122 = arith.constant 1 : i32
    %while3A_1123 = arith.divsi %while3A_1120, %while3A_1122 : i32
    %while3A_1124 = arith.muli %while3A_1123, %while3A_1122 : i32
    %while3A_1125 = arith.addi %while3A_1119, %while3A_1124 : i32
    %while3A_1126 = arith.constant 1 : i32
    scf.for %while3A_1128 = %while3A_1119 to %while3A_1125 step %while3A_1126  : i32 {
      %mul3A_1129 = arith.constant 16 : i32
      %mul3A_1130 = arith.muli %while3A_1128, %mul3A_1129 : i32
      %add3A_1131 = vector.broadcast %mul3A_1130 : i32 to vector<16xi32>
      %add3A_1132 = arith.addi %add3A_1131, %iota3A : vector<16xi32>
      %sub3A_1133 = arith.constant 1 : i32
      %sub3A_1134 = arith.subi %add3A_451, %sub3A_1133 : i32
      %min3A = vector.broadcast %sub3A_1134 : i32 to vector<16xi32>
      %min3A_1135 = arith.minsi %add3A_1132, %min3A : vector<16xi32>
      %gather3A = tpu.vector_load_idx %arg7[%min3A_1135] : memref<256xi32, #tpu.memory_space<vmem>>[vector<16xi32>], vector<16xi32>,
      %swap3A = arith.constant 0 : index
      %swap3A_1136 = tpu.vector_load %arg11[%swap3A] {strides = array<i32>} : memref<16xi32, #tpu.memory_space<vmem>>, vector<16xi32>,
      tpu.vector_store %arg11[%swap3A], %gather3A {strides = array<i32>} : memref<16xi32, #tpu.memory_space<vmem>>, vector<16xi32>,
      %mul3A_1137 = arith.constant 1024 : i32
      %mul3A_1138 = arith.muli %select_n3A, %mul3A_1137 : i32
      %add3A_1139 = vector.broadcast %reduce_sum3A_50 : i32 to vector<16xi32>
      %add3A_1140 = arith.addi %add3A_1139, %min3A_1135 : vector<16xi32>
      %min3A_1141 = arith.constant 1023 : i32
      %min3A_1142 = vector.broadcast %min3A_1141 : i32 to vector<16xi32>
      %min3A_1143 = arith.minsi %add3A_1140, %min3A_1142 : vector<16xi32>
      %add3A_1144 = vector.broadcast %mul3A_1138 : i32 to vector<16xi32>
      %add3A_1145 = arith.addi %add3A_1144, %min3A_1143 : vector<16xi32>
      %swap3A_1146 = arith.constant 0 : index
      %swap3A_1147 = tpu.vector_load %arg12[%swap3A_1146] {strides = array<i32>} : memref<16xi32, #tpu.memory_space<vmem>>, vector<16xi32>,
      tpu.vector_store %arg12[%swap3A_1146], %add3A_1145 {strides = array<i32>} : memref<16xi32, #tpu.memory_space<vmem>>, vector<16xi32>,
      %dma_start3A_1148 = arith.constant 0 : i32
      %dma_start3A_1149 = arith.constant 0 : i32
      %dma_start3A_1150 = tpu.memref_slice %arg3[%dma_start3A_1148, %dma_start3A_1149] : memref<2048x2048xf32, #tpu.memory_space<hbm>> -> memref<2048x2048xf32, #tpu.memory_space<hbm>>
      tpu.enqueue_indirect_dma source(%dma_start3A_1150 : memref<2048x2048xf32, #tpu.memory_space<hbm>>) target(%arg10 : memref<16x2048xf32, #tpu.memory_space<vmem>>) offsets(%arg12 : memref<16xi32, #tpu.memory_space<vmem>>) semaphore(%arg17 : memref<!tpu.dma_semaphore, #tpu.memory_space<semaphore_mem>>)
      %dma_wait3A_1151 = arith.constant 0 : i32
      %dma_wait3A_1152 = arith.constant 0 : i32
      %dma_wait3A_1153 = tpu.memref_slice %arg3[%dma_wait3A_1151, %dma_wait3A_1152] : memref<2048x2048xf32, #tpu.memory_space<hbm>> -> memref<2048x2048xf32, #tpu.memory_space<hbm>>
      tpu.wait_indirect_dma semaphore(%arg17 : memref<!tpu.dma_semaphore, #tpu.memory_space<semaphore_mem>>) src(%dma_wait3A_1153 : memref<2048x2048xf32, #tpu.memory_space<hbm>>) dst(%arg10 : memref<16x2048xf32, #tpu.memory_space<vmem>>)
      %dma_start3A_1154 = arith.constant 0 : i32
      %dma_start3A_1155 = arith.constant 0 : i32
      %dma_start3A_1156 = tpu.memref_slice %arg5[%dma_start3A_1154, %dma_start3A_1155] : memref<8192x2048xf32, #tpu.memory_space<hbm>> -> memref<8192x2048xf32, #tpu.memory_space<hbm>>
      tpu.enqueue_indirect_dma source(%arg10 : memref<16x2048xf32, #tpu.memory_space<vmem>>) target(%dma_start3A_1156 : memref<8192x2048xf32, #tpu.memory_space<hbm>>) offsets(%arg11 : memref<16xi32, #tpu.memory_space<vmem>>) semaphore(%arg18 : memref<!tpu.dma_semaphore, #tpu.memory_space<semaphore_mem>>)
      %dma_wait3A_1157 = arith.constant 0 : i32
      %dma_wait3A_1158 = arith.constant 0 : i32
      %dma_wait3A_1159 = tpu.memref_slice %arg5[%dma_wait3A_1157, %dma_wait3A_1158] : memref<8192x2048xf32, #tpu.memory_space<hbm>> -> memref<8192x2048xf32, #tpu.memory_space<hbm>>
      tpu.wait_indirect_dma semaphore(%arg18 : memref<!tpu.dma_semaphore, #tpu.memory_space<semaphore_mem>>) src(%arg10 : memref<16x2048xf32, #tpu.memory_space<vmem>>) dst(%dma_wait3A_1159 : memref<8192x2048xf32, #tpu.memory_space<hbm>>)
    }
    %while3A_1127 = arith.constant 1 : i32
    scf.for %while3A_1128 = %while3A_1125 to %while3A_1121 step %while3A_1127  : i32 {
      %mul3A_1129 = arith.constant 16 : i32
      %mul3A_1130 = arith.muli %while3A_1128, %mul3A_1129 : i32
      %add3A_1131 = vector.broadcast %mul3A_1130 : i32 to vector<16xi32>
      %add3A_1132 = arith.addi %add3A_1131, %iota3A : vector<16xi32>
      %sub3A_1133 = arith.constant 1 : i32
      %sub3A_1134 = arith.subi %add3A_451, %sub3A_1133 : i32
      %min3A = vector.broadcast %sub3A_1134 : i32 to vector<16xi32>
      %min3A_1135 = arith.minsi %add3A_1132, %min3A : vector<16xi32>
      %gather3A = tpu.vector_load_idx %arg7[%min3A_1135] : memref<256xi32, #tpu.memory_space<vmem>>[vector<16xi32>], vector<16xi32>,
      %swap3A = arith.constant 0 : index
      %swap3A_1136 = tpu.vector_load %arg11[%swap3A] {strides = array<i32>} : memref<16xi32, #tpu.memory_space<vmem>>, vector<16xi32>,
      tpu.vector_store %arg11[%swap3A], %gather3A {strides = array<i32>} : memref<16xi32, #tpu.memory_space<vmem>>, vector<16xi32>,
      %mul3A_1137 = arith.constant 1024 : i32
      %mul3A_1138 = arith.muli %select_n3A, %mul3A_1137 : i32
      %add3A_1139 = vector.broadcast %reduce_sum3A_50 : i32 to vector<16xi32>
      %add3A_1140 = arith.addi %add3A_1139, %min3A_1135 : vector<16xi32>
      %min3A_1141 = arith.constant 1023 : i32
      %min3A_1142 = vector.broadcast %min3A_1141 : i32 to vector<16xi32>
      %min3A_1143 = arith.minsi %add3A_1140, %min3A_1142 : vector<16xi32>
      %add3A_1144 = vector.broadcast %mul3A_1138 : i32 to vector<16xi32>
      %add3A_1145 = arith.addi %add3A_1144, %min3A_1143 : vector<16xi32>
      %swap3A_1146 = arith.constant 0 : index
      %swap3A_1147 = tpu.vector_load %arg12[%swap3A_1146] {strides = array<i32>} : memref<16xi32, #tpu.memory_space<vmem>>, vector<16xi32>,
      tpu.vector_store %arg12[%swap3A_1146], %add3A_1145 {strides = array<i32>} : memref<16xi32, #tpu.memory_space<vmem>>, vector<16xi32>,
      %dma_start3A_1148 = arith.constant 0 : i32
      %dma_start3A_1149 = arith.constant 0 : i32
      %dma_start3A_1150 = tpu.memref_slice %arg3[%dma_start3A_1148, %dma_start3A_1149] : memref<2048x2048xf32, #tpu.memory_space<hbm>> -> memref<2048x2048xf32, #tpu.memory_space<hbm>>
      tpu.enqueue_indirect_dma source(%dma_start3A_1150 : memref<2048x2048xf32, #tpu.memory_space<hbm>>) target(%arg10 : memref<16x2048xf32, #tpu.memory_space<vmem>>) offsets(%arg12 : memref<16xi32, #tpu.memory_space<vmem>>) semaphore(%arg17 : memref<!tpu.dma_semaphore, #tpu.memory_space<semaphore_mem>>)
      %dma_wait3A_1151 = arith.constant 0 : i32
      %dma_wait3A_1152 = arith.constant 0 : i32
      %dma_wait3A_1153 = tpu.memref_slice %arg3[%dma_wait3A_1151, %dma_wait3A_1152] : memref<2048x2048xf32, #tpu.memory_space<hbm>> -> memref<2048x2048xf32, #tpu.memory_space<hbm>>
      tpu.wait_indirect_dma semaphore(%arg17 : memref<!tpu.dma_semaphore, #tpu.memory_space<semaphore_mem>>) src(%dma_wait3A_1153 : memref<2048x2048xf32, #tpu.memory_space<hbm>>) dst(%arg10 : memref<16x2048xf32, #tpu.memory_space<vmem>>)
      %dma_start3A_1154 = arith.constant 0 : i32
      %dma_start3A_1155 = arith.constant 0 : i32
      %dma_start3A_1156 = tpu.memref_slice %arg5[%dma_start3A_1154, %dma_start3A_1155] : memref<8192x2048xf32, #tpu.memory_space<hbm>> -> memref<8192x2048xf32, #tpu.memory_space<hbm>>
      tpu.enqueue_indirect_dma source(%arg10 : memref<16x2048xf32, #tpu.memory_space<vmem>>) target(%dma_start3A_1156 : memref<8192x2048xf32, #tpu.memory_space<hbm>>) offsets(%arg11 : memref<16xi32, #tpu.memory_space<vmem>>) semaphore(%arg18 : memref<!tpu.dma_semaphore, #tpu.memory_space<semaphore_mem>>)
      %dma_wait3A_1157 = arith.constant 0 : i32
      %dma_wait3A_1158 = arith.constant 0 : i32
      %dma_wait3A_1159 = tpu.memref_slice %arg5[%dma_wait3A_1157, %dma_wait3A_1158] : memref<8192x2048xf32, #tpu.memory_space<hbm>> -> memref<8192x2048xf32, #tpu.memory_space<hbm>>
      tpu.wait_indirect_dma semaphore(%arg18 : memref<!tpu.dma_semaphore, #tpu.memory_space<semaphore_mem>>) src(%arg10 : memref<16x2048xf32, #tpu.memory_space<vmem>>) dst(%dma_wait3A_1159 : memref<8192x2048xf32, #tpu.memory_space<hbm>>)
    }
    return
  }
}

</mosaic_0001>

<sc_bundles>
// kernel: _run.3.cloned.1.call-start
scs
__scs_entry_jumppad:
0x0: {  	(pc) =	sbr.rel $0x88, $3  }
0x1: {  	(tag) =	ssettag $0x0;
	lr =	simm.s32 $0x1  }
0x2: {  	[smem:$0x3F9E] =	sst lr;
	_ =	strace $0xD0000000  }
0x3: {  	_ = 	snop  }
0x4: {  	_ = 	snop  }
0x5: {  	_ = 	snop  }
0x6: {  	_ = 	snop  }
0x7: {  	_ = 	snop  }
__scs_overlays_trampoline_lowered:
0x8: {  	[smem:$0x3FAD] =	sst s0  }
0x9: {  	[smem:$0x3FAE] =	sst s1  }
0xa: {  	[smem:$0x3FAF] =	sst s2  }
0xb: {  	[smem:$0x3FB0] =	sst s3  }
0xc: {  	[smem:$0x3FB1] =	sst s4  }
0xd: {  	[smem:$0x3FB2] =	sst s5  }
0xe: {  	[smem:$0x3FB3] =	sst s6  }
0xf: {  	[smem:$0x3FB4] =	sst s7  }
0x10: {  	[smem:$0x3FB5] =	sst s8  }
0x11: {  	[smem:$0x3FB6] =	sst s9;
	s0 =	simm.s32 @!p0 $0x0  }
0x12: {  	s1 =	sld [smem:$0x3F9C];
	s0 =	simm.s32 @p0 $0x1  }
0x13: {  	[smem:$0x3FB7] =	sst s0;
	s0 =	simm.s32 @!p1 $0x0  }
0x14: {  	s2 =	sld [smem:$0x3F9B];
	s0 =	simm.s32 @p1 $0x1  }
0x15: {  	[smem:$0x3FB8] =	sst s0;
	s0 =	simm.s32 @!p2 $0x0  }
0x16: {  	s3 =	sld [smem:$0x3FDB];
	s0 =	simm.s32 @p2 $0x1  }
0x17: {  	s4 =	simm.s32 $0x1BF5;
	[smem:$0x3FBA] =	sst s0  }
0x18: {  	s0 =	sld [smem:$0x3F9D];
	_ =	swait.ge [sflag:s4], $0x0  }
0x19: {  	s7 =	sld [smem:$0x3F9E]  }
0x1a: {  	s8 =	sadd.s32 $0xFFFFE003, lr  }
0x1b: {  	s9 =	sadd.s32 $0xFFFFFEF7, lr;
	s5 =	simm.s32 $0xFFFFFFFF;
	p2 =	slt.u32 s8, $0xFFFFF086  }
0x1c: {  	p1 =	slt.u32 s9, $0xF7A;
	s5 =	simm.s32 @!p2 $0x0  }
0x1d: {  	s5 =	simm.s32 @p1 $0x1;
	p0 =	seq.s32 s7, s2  }
0x1e: {  	s7 =	smul.u32 @!p0 $0xF7A, s2;
	p2 =	seq.s32 @!p0 s5, $0x0  }
0x1f: {  	s9 =	smul.u32 $0xF7A, s1;
	s8 =	simm.s32 @!p0 $0x1BF5;
	p2 =	por !p2, p0  }
0x20: {  	[sflag:s8] =	ssyncset.s32 @!p0 $0xFFFFF086;
	s6 =	sadd.s32 @!p0 s3, s7;
	s7 =	simm.s32 @!p0 $0x108  }
0x21: {  	s3 =	sadd.s32 s3, s9;
	s6 =	sadd.s32 @!p0 $0x88, s6;
	s7 =	simm.s32 @p2 $0x1082  }
0x22: {  	[simem:s7], [sflag:s8] =	dma.local @!p0 [hbm:s6], $0xF7A  }
0x23: {  	s9 =	sor.u32 $0xD0000000, s2;
	s6 =	simm.s32 $0x108;
	_ =	swait.ge @!p0 [sflag:s8], $0x0  }
0x24: {  	s3 =	sadd.s32 $0x88, s3;
	s6 =	simm.s32 @!p1 $0x1082;
	[sflag:s4] =	ssyncset.s32 $0xFFFFF086  }
0x25: {  	[simem:s6], [sflag:s4] =	dma.local [hbm:s3], $0xF7A  }
0x26: {  	[smem:$0x3F9E] =	sst s1;
	(tag) =	ssettag s2;
	_ =	strace s9  }
0x27: {  	s1 =	sld [smem:$0x3FAE]  }
0x28: {  	s2 =	sld [smem:$0x3FAF]  }
0x29: {  	s4 =	sld [smem:$0x3FB1]  }
0x2a: {  	p0 =	seq.s32 s5, $0x0;
	s5 =	sld [smem:$0x3FB2]  }
0x2b: {  	s6 =	sld [smem:$0x3FB3]  }
0x2c: {  	s7 =	sld [smem:$0x3FB4]  }
0x2d: {  	s3 =	simm.s32 $0x108;
	s8 =	sld [smem:$0x3FB5]  }
0x2e: {  	s3 =	simm.s32 @!p0 $0x1082;
	s9 =	sld [smem:$0x3FB6]  }
0x2f: {  	lr =	sadd.s32 s0, s3;
	s0 =	sld [smem:$0x3FAD]  }
0x30: {  	s3 =	sld [smem:$0x3FB0]  }
0x31: {  	[smem:$0x3FB9] =	sst s10  }
0x32: {  	s10 =	sld [smem:$0x3FB7];
	_ =	sdelay $0x3  }
0x33: {  	p0 =	seq.s32 s10, $0x1;
	s10 =	sld [smem:$0x3FB9];
	_ =	sdelay $0x3  }
0x34: {  	[smem:$0x3FB9] =	sst s10  }
0x35: {  	s10 =	sld [smem:$0x3FB8];
	_ =	sdelay $0x3  }
0x36: {  	p1 =	seq.s32 s10, $0x1;
	s10 =	sld [smem:$0x3FB9];
	_ =	sdelay $0x3  }
0x37: {  	[smem:$0x3FB9] =	sst s10  }
0x38: {  	s10 =	sld [smem:$0x3FBA]  }
0x39: {  	_ = 	snop;
	(pc) =	sbr.ind lr, $3  }
0x3a: {  	_ = 	snop  }
0x3b: {  	_ = 	snop  }
0x3c: {  	p2 =	seq.s32 s10, $0x1;
	s10 =	sld [smem:$0x3FB9]  }
0x3d: {  	_ =	shalt  }
0x3e: {  	_ =	shalt  }
0x3f: {  	_ =	shalt  }
0x40: {  	_ =	shalt  }
0x41: {  	_ =	shalt  }
0x42: {  	_ =	shalt  }
0x43: {  	_ =	shalt  }
0x44: {  	_ =	shalt  }
0x45: {  	_ =	shalt  }
0x46: {  	_ =	shalt  }
0x47: {  	_ =	shalt  }
0x48: {  	_ =	shalt  }
0x49: {  	_ =	shalt  }
0x4a: {  	_ =	shalt  }
0x4b: {  	_ =	shalt  }
0x4c: {  	_ =	shalt  }
0x4d: {  	_ =	shalt  }
0x4e: {  	_ =	shalt  }
0x4f: {  	_ =	shalt  }
0x50: {  	_ =	shalt  }
0x51: {  	_ =	shalt  }
0x52: {  	_ =	shalt  }
0x53: {  	_ =	shalt  }
0x54: {  	_ =	shalt  }
0x55: {  	_ =	shalt  }
0x56: {  	_ =	shalt  }
0x57: {  	_ =	shalt  }
0x58: {  	_ =	shalt  }
0x59: {  	_ =	shalt  }
0x5a: {  	_ =	shalt  }
0x5b: {  	_ =	shalt  }
0x5c: {  	_ =	shalt  }
0x5d: {  	_ =	shalt  }
0x5e: {  	_ =	shalt  }
0x5f: {  	_ =	shalt  }
0x60: {  	_ =	shalt  }
0x61: {  	_ =	shalt  }
0x62: {  	_ =	shalt  }
0x63: {  	_ =	shalt  }
0x64: {  	_ =	shalt  }
0x65: {  	_ =	shalt  }
0x66: {  	_ =	shalt  }
0x67: {  	_ =	shalt  }
0x68: {  	_ =	shalt  }
0x69: {  	_ =	shalt  }
0x6a: {  	_ =	shalt  }
0x6b: {  	_ =	shalt  }
0x6c: {  	_ =	shalt  }
0x6d: {  	_ =	shalt  }
0x6e: {  	_ =	shalt  }
0x6f: {  	_ =	shalt  }
0x70: {  	_ =	shalt  }
0x71: {  	_ =	shalt  }
0x72: {  	_ =	shalt  }
0x73: {  	_ =	shalt  }
0x74: {  	_ =	shalt  }
0x75: {  	_ =	shalt  }
0x76: {  	_ =	shalt  }
0x77: {  	_ =	shalt  }
0x78: {  	_ =	shalt  }
0x79: {  	_ =	shalt  }
0x7a: {  	_ =	shalt  }
0x7b: {  	_ =	shalt  }
0x7c: {  	_ =	shalt  }
0x7d: {  	_ =	shalt  }
0x7e: {  	_ =	shalt  }
0x7f: {  	_ =	shalt  }
0x80: {  	_ =	shalt  }
0x81: {  	_ =	shalt  }
0x82: {  	_ =	shalt  }
0x83: {  	_ =	shalt  }
0x84: {  	_ =	shalt  }
0x85: {  	_ =	shalt  }
0x86: {  	_ =	shalt  }
0x87: {  	_ =	shalt  }
.Lfunc_end0:
.L_simem_size_0:
called_computation_lowered:
.L_overlay_start_0:
0x88: {  	s2 =	sld [smem:$0x3FD9]  }
0x89: {  	s3 =	sld [smem:$0x3FFE];
	_ =	sdelay $0x1  }
0x8a: {  	s1 =	srdreg.scid  }
0x8b: {  	s0 =	sand.u32 $0x1, s1  }
0x8c: {  	s18 =	sshll.u32 s0, $0xA;
	s2 =	sadd.s32 s3, s2  }
0x8d: {  	s2 =	sadd.s32 s2, s18  }
0x8e: {  	[smem:$0x3FC5] =	sst s2  }
0x8f: {  	_ = 	snop  }
0x90: {  	s2 =	sld [smem:$0x3FC9]  }
0x91: {  	s19 =	sld [smem:$0x3FC8]  }
0x92: {  	s4 =	sld [smem:$0x3FC7]  }
0x93: {  	s5 =	sld [smem:$0x3FD0];
	(tm) =	ssettm $0x1  }
0x94: {  	s6 =	sld [smem:$0x3FFB];
	_ =	sdelay $0x3  }
0x95: {  	_ =	strace s6  }
0x96: {  	s6 =	sld [smem:$0x3FFC];
	_ =	sdelay $0x3  }
0x97: {  	_ =	strace s6  }
0x98: {  	s6 =	sld [smem:$0x3FFD];
	_ =	sdelay $0x3  }
0x99: {  	_ =	strace s6  }
0x9a: {  	_ =	strace $0x8FFFFFFF  }
0x9b: {  	s20 =	sld [smem:$0x3FDB];
	_ =	sdelay $0x1  }
0x9c: {  	s7 =	simm.s32 $_scs_section_size  }
0x9d: {  	s8 =	simm.s32 $_size__tile_overlayer_lowered;
	s9 =	simm.s32 $_tile_overlayer_lowered  }
0x9e: {  	s23 =	simm.s32 $0x1BFF;
	s22 =	sshll.u32 s9, $0x1;
	s6 =	sadd.s32 s7, s20  }
0x9f: {  	s10 =	simm.s32 $0x0;
	s21 =	sshll.u32 s8, $0x1;
	s8 =	sadd.s32 s22, s6  }
0xa0: {  	[timem:s10], [sflag:s23] =	dma.local [hbm:s8], s21  }
0xa1: {  	_ =	swait.ge [sflag:s23], s21  }
0xa2: {  	s7 =	ssub.s32 $0x0, s21;
	[sflag:s23] =	ssyncset.done $0x0  }
0xa3: {  	[sflag:s23] =	ssyncadd.s32 s7;
	_ =	sdelay $0x1  }
0xa4: {  	s24 =	simm.s32 $0x1B8B  }
0xa5: {  	_ =	swait.ge [sflag:s24], $0x1  }
0xa6: {  	[sflag:s24] =	ssyncset.done $0x0  }
0xa7: {  	s25 =	simm.s32 $0x1B8E;
	[sflag:s24] =	ssyncadd.s32 $0xFFFFFFFF  }
0xa8: {  	s26 =	simm.s32 $execute0_lowered;
	[smem:$0x3FD2] =	sst s25  }
0xa9: {  	s7 =	sshll.u32 s26, $0x1;
	_ =	strace $0x80000046;
	[dreg:$0x1] =	wrdreg $0xFFFFFFFF  }
0xaa: {  	s28 =	simm.s32 $_size_execute0_lowered;
	s6 =	sadd.s32 s6, s7;
	[dreg:$0x0] =	wrdreg $0x0  }
0xab: {  	s7 =	sshll.u32 s28, $0x1;
	[dreg:$0x2] =	wrdreg s6  }
0xac: {  	[dreg:$0x3] =	wrdreg s7  }
0xad: {  	[dreg:$0x4] =	wrdreg $0xC0  }
0xae: {  	_ =	task [dreg:s10], $0x5FFFF  }
0xaf: {  	[dreg:$0x1] =	wrdreg $0xFFFFFFFF  }
0xb0: {  	[dreg:$0x0] =	wrdreg $0x60  }
0xb1: {  	[dreg:$0x2] =	wrdreg s2  }
0xb2: {  	[dreg:$0x3] =	wrdreg s19  }
0xb3: {  	[dreg:$0x4] =	wrdreg s4  }
0xb4: {  	[dreg:$0x5] =	wrdreg s5  }
0xb5: {  	[dreg:$0x6] =	wrdreg $0x9  }
0xb6: {  	_ =	task.clear_ibuf [dreg:s10], $0x7FFFF;
	_ =	strace $0x90000046  }
0xb7: {  	s29 =	simm.s32 $0x9;
	_ =	strace $0x80000048  }
0xb8: {  	_ =	swait.ge [sflag:s29], $0x1  }
0xb9: {  	[sflag:s29] =	ssyncadd.s32 $0xFFFFFFFF  }
0xba: {  	_ =	strace $0x90000048  }
0xbb: {  	_ =	sfence  }
0xbc: {  	s30 =	sld [smem:$0x0];
	_ =	sdelay $0x2  }
0xbd: {  	s31 =	sshll.u32 s1, $0xD;
	s1 =	sshrl.u32 s1, $0x2  }
0xbe: {  	s3 =	sand.u32 $0x4000, s31;
	s1 =	sadd.s32 s1, s30  }
0xbf: {  	s0 =	sor.u32 s3, s0;
	s1 =	sshll.u32 s1, $0x11  }
0xc0: {  	s0 =	sor.u32 s1, s0  }
0xc1: {  	s0 =	sadd.s32 $0x8F2B, s0  }
0xc2: {  	[sflag:s0] =	ssyncadd.remote.s32 $0x1  }
0xc3: {  	_ =	sfence.sel $0xFFFF  }
0xc4: {  	[dreg:$0x0] =	wrdreg $0xFFFFFFFF;
	(pc) =	sbr.abs _section_cstart, $3  }
0xc5: {  	[dreg:$0x1] =	wrdreg $0xFFFFFFFF  }
0xc6: {  	_ =	task.clear_ibuf [dreg:s10], $0x2FFFF;
	_ =	strace $0x9FFFFFFF  }
0xc7: {  	(tm) =	ssettm $0x7FFFFFFF  }
tec
execute0_lowered:
.L_overlay_start_1:
0x0: {  	(tag) =	ssettag $0x1  }
0x1: {  	s0 =	rddreg [dreg:$0x0]  }
0x2: {  	s28 =	rddreg [dreg:$0x1]  }
0x3: {  	s8 =	rddreg [dreg:$0x2]  }
0x4: {  	s1 =	rddreg [dreg:$0x3]  }
0x5: {  	s4 =	simm.s32 $0x0;
	s2 =	srdreg.scid;
	s14 =	stileid.u32  }
0x6: {  	[smem:$0x7FF] =	sst s4;
	s9 =	sand.u32 $0x1, s2;
	s3 =	sshll.u32 s14, $0x1  }
0x7: {  	s5 =	sshrl.u32 s14, $0x3;
	_ =	strace $0x80000047;
	s2 =	ssub.s32 $0x2, s9  }
0x8: {  	s7 =	sor.u32 s9, s3;
	s15 =	sshll.u32 s5, $0x9;
	s6 =	sshrl.u32 s2, $0x1  }
0x9: {  	s10 =	sand.u32 $0xF, s7;
	s3 =	ssub.s32 s2, s6;
	s2 =	sadd.s32 s8, s15  }
0xa: {  	s6 =	sshll.u32 s7, $0x8;
	s16 =	sshll.u32 s10, $0x8;
	[dreg:$0x9] =	wrdreg s2  }
0xb: {  	s7 =	sshll.u32 s7, $0x10;
	[dreg:$0xa] =	wrdreg s16;
	s17 =	sor.u32 $0x10, s6  }
0xc: {  	s15 =	sor.u32 $0x20, s6;
	s11 =	sor.u32 $0x800, s7;
	[smem:$0x7FC] =	sst s17  }
0xd: {  	[smem:$0x7FD] =	sst s15;
	s18 =	sadd.s32 s0, s11  }
0xe: {  	s13 =	sor.u32 $0x1800, s7;
	s20 =	sadd.s32 s1, s11;
	[dreg:$0xb] =	wrdreg s18  }
0xf: {  	s21 =	sadd.s32 s0, s13;
	[dreg:$0xd] =	wrdreg s20  }
0x10: {  	s12 =	sshll.u32 s17, $0x8;
	s26 =	sadd.s32 s1, s13;
	[dreg:$0xe] =	wrdreg s21  }
0x11: {  	s25 =	sand.u32 $0x7, s14;
	s19 =	sadd.s32 s0, s12;
	[dreg:$0x11] =	wrdreg s26  }
0x12: {  	s22 =	sshll.u32 s15, $0x8;
	s23 =	sadd.s32 s1, s12;
	[dreg:$0xc] =	wrdreg s19  }
0x13: {  	s13 =	sor.u32 $0x2800, s7;
	s24 =	sadd.s32 s0, s22;
	[dreg:$0xf] =	wrdreg s23  }
0x14: {  	s9 =	sshll.u32 s9, $0x4;
	s14 =	sadd.s32 s0, s13;
	[dreg:$0x10] =	wrdreg s24  }
0x15: {  	s8 =	sor.u32 $0x30, s6;
	s15 =	sadd.s32 s1, s22;
	[dreg:$0x13] =	wrdreg s14  }
0x16: {  	s16 =	sshll.u32 s8, $0x8;
	s17 =	sadd.s32 s1, s13;
	[dreg:$0x14] =	wrdreg s15  }
0x17: {  	s12 =	sshll.u32 s25, $0x5;
	s18 =	sadd.s32 s0, s16;
	[dreg:$0x15] =	wrdreg s17  }
0x18: {  	s12 =	sor.u32 s9, s12;
	[dreg:$0x16] =	wrdreg s18  }
0x19: {  	s20 =	sor.u32 $0x3800, s7;
	s19 =	sadd.s32 s1, s16;
	[dreg:$0x12] =	wrdreg s12  }
0x1a: {  	p0 =	seq.s32 s10, $0x0;
	s22 =	sadd.s32 s0, s20;
	[dreg:$0x17] =	wrdreg s19  }
0x1b: {  	s26 =	sor.u32 $0x4800, s7;
	s23 =	sadd.s32 s1, s20;
	[dreg:$0x18] =	wrdreg s22  }
0x1c: {  	s10 =	sor.u32 $0x50, s6;
	s13 =	sadd.s32 s1, s26;
	[dreg:$0x19] =	wrdreg s23  }
0x1d: {  	s14 =	sshll.u32 s10, $0x8;
	s12 =	sadd.s32 s0, s26;
	[dreg:$0x1d] =	wrdreg s13  }
0x1e: {  	s15 =	sadd.s32 s0, s14;
	[dreg:$0x1c] =	wrdreg s12  }
0x1f: {  	s16 =	sor.u32 $0x5800, s7;
	s17 =	sadd.s32 s1, s14;
	[dreg:$0x1e] =	wrdreg s15  }
0x20: {  	s9 =	sor.u32 $0x40, s6;
	s18 =	sadd.s32 s0, s16;
	[dreg:$0x1f] =	wrdreg s17  }
0x21: {  	s21 =	sshll.u32 s9, $0x8;
	s20 =	sadd.s32 s1, s16;
	[smem:$0x7CF] =	sst s18  }
0x22: {  	s11 =	sor.u32 $0x60, s6;
	s24 =	sadd.s32 s0, s21;
	[smem:$0x7D0] =	sst s20  }
0x23: {  	s19 =	sshll.u32 s11, $0x8;
	s25 =	sadd.s32 s1, s21;
	[dreg:$0x1a] =	wrdreg s24  }
0x24: {  	s21 =	sadd.s32 s0, s19;
	[dreg:$0x1b] =	wrdreg s25  }
0x25: {  	s23 =	sor.u32 $0x6800, s7;
	s22 =	sadd.s32 s1, s19;
	[smem:$0x7D1] =	sst s21  }
0x26: {  	s26 =	sadd.s32 s1, s23;
	[smem:$0x7D2] =	sst s22  }
0x27: {  	s15 =	sor.u32 $0x7800, s7;
	s25 =	sadd.s32 s0, s23;
	[smem:$0x7D4] =	sst s26  }
0x28: {  	s12 =	sor.u32 $0x70, s6;
	s16 =	sadd.s32 s0, s15;
	[smem:$0x7D3] =	sst s25  }
0x29: {  	s24 =	sshll.u32 s12, $0x8;
	s17 =	sadd.s32 s1, s15;
	[smem:$0x7D7] =	sst s16  }
0x2a: {  	s15 =	sor.u32 $0xA0, s6;
	s13 =	sadd.s32 s0, s24;
	[smem:$0x7D8] =	sst s17  }
0x2b: {  	s14 =	sadd.s32 s1, s24;
	s16 =	sor.u32 $0x8800, s7;
	[smem:$0x7D5] =	sst s13  }
0x2c: {  	s26 =	sshll.u32 s15, $0x8;
	[smem:$0x7D6] =	sst s14;
	s21 =	sadd.s32 s0, s16  }
0x2d: {  	s13 =	sor.u32 $0x80, s6;
	s22 =	sadd.s32 s1, s16;
	[smem:$0x7DB] =	sst s21  }
0x2e: {  	s18 =	sshll.u32 s13, $0x8;
	[smem:$0x7DC] =	sst s22;
	s21 =	sadd.s32 s1, s26  }
0x2f: {  	s14 =	sor.u32 $0x90, s6;
	s19 =	sadd.s32 s0, s18;
	[smem:$0x7E2] =	sst s21  }
0x30: {  	s17 =	sshll.u32 s14, $0x8;
	s20 =	sadd.s32 s1, s18;
	[smem:$0x7D9] =	sst s19  }
0x31: {  	s23 =	sadd.s32 s0, s17;
	[smem:$0x7DA] =	sst s20  }
0x32: {  	s25 =	sor.u32 $0x9800, s7;
	s24 =	sadd.s32 s1, s17;
	[smem:$0x7DD] =	sst s23  }
0x33: {  	s18 =	sadd.s32 s0, s25;
	[smem:$0x7DE] =	sst s24  }
0x34: {  	[smem:$0x7DF] =	sst s18;
	s19 =	sadd.s32 s1, s25  }
0x35: {  	s22 =	sor.u32 $0xA800, s7;
	s20 =	sadd.s32 s0, s26;
	[smem:$0x7E0] =	sst s19  }
0x36: {  	s16 =	sor.u32 $0xB0, s6;
	s23 =	sadd.s32 s0, s22;
	[smem:$0x7E1] =	sst s20  }
0x37: {  	s24 =	sadd.s32 s1, s22;
	s18 =	sshll.u32 s16, $0x8;
	[smem:$0x7E3] =	sst s23  }
0x38: {  	[smem:$0x7E4] =	sst s24;
	s25 =	sadd.s32 s0, s18  }
0x39: {  	s19 =	sor.u32 $0xB800, s7;
	s26 =	sadd.s32 s1, s18;
	[smem:$0x7E5] =	sst s25  }
0x3a: {  	s17 =	sor.u32 $0xC0, s6;
	[smem:$0x7E6] =	sst s26;
	s18 =	sadd.s32 s0, s19  }
0x3b: {  	s20 =	sshll.u32 s17, $0x8;
	s19 =	sadd.s32 s1, s19;
	[smem:$0x7E7] =	sst s18  }
0x3c: {  	s21 =	sadd.s32 s0, s20;
	[smem:$0x7E8] =	sst s19  }
0x3d: {  	s23 =	sor.u32 $0xC800, s7;
	s22 =	sadd.s32 s1, s20;
	[smem:$0x7E9] =	sst s21  }
0x3e: {  	s25 =	sadd.s32 s0, s23;
	s26 =	sadd.s32 s1, s23;
	[smem:$0x7EA] =	sst s22  }
0x3f: {  	s18 =	sor.u32 $0xD0, s6;
	[smem:$0x7EB] =	sst s25;
	s22 =	sor.u32 $0xD800, s7  }
0x40: {  	[smem:$0x7EC] =	sst s26;
	s24 =	sshll.u32 s18, $0x8;
	s23 =	sadd.s32 s0, s22  }
0x41: {  	s19 =	sadd.s32 s0, s24;
	[smem:$0x7EF] =	sst s23  }
0x42: {  	s21 =	sadd.s32 s1, s24;
	[smem:$0x7ED] =	sst s19  }
0x43: {  	s24 =	sadd.s32 s1, s22;
	[smem:$0x7EE] =	sst s21  }
0x44: {  	s22 =	sadd.s32 s1, s7;
	s19 =	sor.u32 $0xE0, s6;
	[smem:$0x7F0] =	sst s24  }
0x45: {  	s21 =	sadd.s32 s0, s7;
	[smem:$0x7F4] =	sst s22;
	s25 =	sshll.u32 s19, $0x8  }
0x46: {  	s29 =	sadd.s32 $0x100, s1;
	[smem:$0x7F3] =	sst s21;
	s26 =	sadd.s32 s0, s25  }
0x47: {  	s21 =	sor.u32 $0xE800, s7;
	s20 =	sadd.s32 s1, s25;
	[smem:$0x7F1] =	sst s26  }
0x48: {  	s30 =	sadd.s32 $0x200, s1;
	s23 =	sadd.s32 s0, s21;
	[smem:$0x7F2] =	sst s20  }
0x49: {  	s7 =	sor.u32 $0xF800, s7;
	s24 =	sadd.s32 s1, s21;
	[smem:$0x7F5] =	sst s23  }
0x4a: {  	v0 =	vlaneseq.u32;
	s31 =	sadd.s32 $0x300, s1;
	s2 =	sadd.s32 s1, s7;
	[smem:$0x7F6] =	sst s24  }
0x4b: {  	v5 =	vor.u32 s9, v0;
	s9 =	simm.s32 $0x1000;
	s20 =	sor.u32 $0xF0, s6;
	[smem:$0x7FA] =	sst s2  }
0x4c: {  	v1 =	vor.u32 s6, v0;
	s2 =	sshll.u32 s5, $0xA;
	s5 =	smax.u32 s3, $0x1;
	s6 =	sld [smem:$0x7FC]  }
0x4d: {  	v14 =	vor.u32 s18, v0;
	s18 =	simm.s32 $0xE900;
	s24 =	sadd.s32 $0x400, s28;
	[smem:$0x7FB] =	sst s5  }
0x4e: {  	s3 =	sadd.s32 $0x500, s1;
	s22 =	sshll.u32 s20, $0x8;
	[dreg:$0x6] =	wrdreg s24  }
0x4f: {  	v18 =	vimm.s32 $0x0;
	s21 =	sadd.s32 $0x100, s28;
	[dreg:$0x8] =	wrdreg s3;
	s25 =	sadd.s32 s0, s22  }
0x50: {  	v20 =	vshrl.u32 v0, $0x3;
	v19 =	vand.u32 $0x7, v0;
	v21 =	vor.u32 $0x8, v0;
	s23 =	sadd.s32 $0x300, s28;
	s0 =	sadd.s32 s0, s7;
	[smem:$0x7F7] =	sst s25  }
.Ltmp0:
0x51: {  	v20 =	vmul.u32 $0x8, v20;
	v4 =	vor.u32 s8, v0;
	v6 =	vor.u32 s10, v0;
	s5 =	sadd.s32 $0x600, s1;
	[smem:$0x7F8] =	sst s0;
	(pc) =	sbr.rel .LBB2_1-.Ltmp0, $4  }
0x52: {  	v7 =	vor.u32 s11, v0;
	v8 =	vor.u32 s12, v0;
	s26 =	sadd.s32 s1, s22;
	s22 =	sadd.s32 $0x200, s28;
	v2 =	vor.u32 s6, v0;
	s6 =	sld [smem:$0x7FD]  }
0x53: {  	v11 =	vor.u32 s15, v0;
	v9 =	vor.u32 s13, v0;
	v10 =	vor.u32 s14, v0;
	s7 =	sadd.s32 $0x700, s1;
	[smem:$0x7F9] =	sst s26;
	s25 =	sadd.s32 $0x500, s28  }
0x54: {  	v12 =	vor.u32 s16, v0;
	v13 =	vor.u32 s17, v0;
	v15 =	vor.u32 s19, v0;
	s26 =	sadd.s32 $0x600, s28;
	s28 =	sadd.s32 $0x700, s28;
	[dreg:$0x5] =	wrdreg s22  }
0x55: {  	v16 =	vor.u32 s20, v0;
	v17 =	vmov s2;
	s0 =	sadd.s32 $0x400, s1;
	s1 =	simm.s32 $0x0;
	[dreg:$0x7] =	wrdreg s26;
	v3 =	vor.u32 s6, v0  }
.LBB2_7:
0x56: {  	s14 =	rddreg [dreg:$0x1]  }
0x57: {  	s8 =	rddreg [dreg:$0x3];
	s10 =	simm.s32 $0x9100  }
0x58: {  	s11 =	simm.s32 $0x9900;
	s12 =	simm.s32 $0xA100;
	s13 =	simm.s32 $0xA900  }
0x59: {  	s15 =	simm.s32 $0xB100;
	s16 =	simm.s32 $0xB900;
	s9 =	simm.s32 $0xC100  }
0x5a: {  	s1 =	simm.s32 $0xC900;
	s2 =	simm.s32 $0xD100;
	s17 =	simm.s32 $0xD900  }
.LBB2_12:
0x5b: {  	_ = 	snop  }
0x5c: {  	v22 =	vand.u32 $0xFFFFFF80, v27  }
0x5d: {  	s6 =	simm.s32 $0x6;
	v22 =	vor.u32 v26, v22  }
0x5e: {  	s20 =	simm.s32 $0x1000;
	[sflag:s6] =	ssyncadd.s32 @p1 $0xFFFF8000;
	v23 =	vperm.xlane v22, v19  }
0x5f: {  	v24 =	vld.idx.msk [tilespmem:v24+s20+$0x0], $0xffff  }
0x60: {  	v23 =	vadd.s32 v20, v23;
	_ =	sdelay $0x2  }
0x61: {  	[tilespmem:$0x11180] =	vst v25  }
0x62: {  	vm0 =	vmmov $0xffff;
	[tilespmem:$0x11100] =	vst v24  }
0x63: {  	[tilespmem:s10], [sflag:$0x5] =	stream.indirect_vreg.gather [hbm4b:s14+s4], $0x80, v23, vm0, $0xb8;
	[tilespmem:$0x11200] =	vst v63  }
0x64: {  	_ = 	snop  }
0x65: {  	[tilespmem:s11], [sflag:$0x5] =	stream.indirect_vreg.gather [hbm4b:s21+s4], $0x80, v23, vm0, $0xb8;
	[tilespmem:$0x11200] =	vst v63  }
0x66: {  	_ = 	snop  }
0x67: {  	[tilespmem:s12], [sflag:$0x5] =	stream.indirect_vreg.gather [hbm4b:s22+s4], $0x80, v23, vm0, $0xb8;
	[tilespmem:$0x11200] =	vst v63  }
0x68: {  	_ = 	snop  }
0x69: {  	[tilespmem:s13], [sflag:$0x5] =	stream.indirect_vreg.gather [hbm4b:s23+s4], $0x80, v23, vm0, $0xb8;
	[tilespmem:$0x11200] =	vst v63  }
0x6a: {  	_ = 	snop  }
0x6b: {  	[tilespmem:s15], [sflag:$0x5] =	stream.indirect_vreg.gather [hbm4b:s24+s4], $0x80, v23, vm0, $0xb8;
	[tilespmem:$0x11200] =	vst v63  }
0x6c: {  	v22 =	vperm.xlane v22, v21  }
0x6d: {  	[tilespmem:s16], [sflag:$0x5] =	stream.indirect_vreg.gather [hbm4b:s25+s4], $0x80, v23, vm0, $0xb8;
	[tilespmem:$0x11200] =	vst v63  }
0x6e: {  	v22 =	vadd.s32 v20, v22  }
0x6f: {  	[tilespmem:s9], [sflag:$0x5] =	stream.indirect_vreg.gather [hbm4b:s26+s4], $0x80, v23, vm0, $0xb8;
	[tilespmem:$0x11200] =	vst v63  }
0x70: {  	_ = 	snop  }
0x71: {  	[tilespmem:s1], [sflag:$0x5] =	stream.indirect_vreg.gather [hbm4b:s28+s4], $0x80, v23, vm0, $0xb8;
	[tilespmem:$0x11200] =	vst v63  }
0x72: {  	_ = 	snop  }
0x73: {  	[tilespmem:s2], [sflag:$0x5] =	stream.indirect_vreg.gather [hbm4b:s14+s4], $0x80, v22, vm0, $0xb8;
	[tilespmem:$0x11200] =	vst v63  }
0x74: {  	_ = 	snop  }
0x75: {  	[tilespmem:s17], [sflag:$0x5] =	stream.indirect_vreg.gather [hbm4b:s21+s4], $0x80, v22, vm0, $0xb8;
	[tilespmem:$0x11200] =	vst v63  }
0x76: {  	s14 =	simm.s32 $0xE100  }
0x77: {  	[tilespmem:s14], [sflag:$0x5] =	stream.indirect_vreg.gather [hbm4b:s22+s4], $0x80, v22, vm0, $0xb8;
	[tilespmem:$0x11200] =	vst v63  }
0x78: {  	_ = 	snop  }
0x79: {  	[tilespmem:s18], [sflag:$0x5] =	stream.indirect_vreg.gather [hbm4b:s23+s4], $0x80, v22, vm0, $0xb8;
	[tilespmem:$0x11200] =	vst v63  }
0x7a: {  	s19 =	simm.s32 $0xF100  }
0x7b: {  	[tilespmem:s19], [sflag:$0x5] =	stream.indirect_vreg.gather [hbm4b:s24+s4], $0x80, v22, vm0, $0xb8;
	[tilespmem:$0x11200] =	vst v63  }
0x7c: {  	s20 =	simm.s32 $0xF900  }
0x7d: {  	[tilespmem:s20], [sflag:$0x5] =	stream.indirect_vreg.gather [hbm4b:s25+s4], $0x80, v22, vm0, $0xb8;
	[tilespmem:$0x11200] =	vst v63  }
0x7e: {  	s14 =	simm.s32 $0x10100  }
0x7f: {  	[tilespmem:s14], [sflag:$0x5] =	stream.indirect_vreg.gather [hbm4b:s26+s4], $0x80, v22, vm0, $0xb8;
	[tilespmem:$0x11200] =	vst v63  }
0x80: {  	s19 =	simm.s32 $0x10900;
	s20 =	simm.s32 $0x5  }
0x81: {  	[tilespmem:s19], [sflag:$0x5] =	stream.indirect_vreg.gather [hbm4b:s28+s4], $0x80, v22, vm0, $0xb8;
	[tilespmem:$0x11200] =	vst v63  }
0x82: {  	_ =	swait.ge [sflag:s20], $0x8000  }
0x83: {  	[sflag:s20] =	ssyncset.done $0x0  }
0x84: {  	[sflag:s20] =	ssyncadd.s32 $0xFFFF8000  }
0x85: {  	v22 =	vld [tilespmem:$0x11100];
	_ =	sdelay $0x4  }
0x86: {  	v23 =	vshll.u32 v22, $0x4  }
0x87: {  	v22 =	vand.u32 $0x7, v22;
	v23 =	vand.u32 $0xFFFFFF80, v23  }
0x88: {  	v22 =	vor.u32 v22, v23  }
0x89: {  	v23 =	vperm.xlane v22, v19;
	_ =	sdelay $0x1  }
0x8a: {  	v23 =	vadd.s32 v20, v23;
	_ =	sdelay $0x4  }
0x8b: {  	[hbm4b:s8+s4] =	stream.indirect_vreg.scatter [tilespmem:s10], [sflag:$0x6], $0x80, v23, vm0, $0xb8;
	[tilespmem:$0x11200] =	vst v63  }
0x8c: {  	_ = 	snop  }
0x8d: {  	[hbm4b:s29+s4] =	stream.indirect_vreg.scatter [tilespmem:s11], [sflag:$0x6], $0x80, v23, vm0, $0xb8;
	[tilespmem:$0x11200] =	vst v63  }
0x8e: {  	_ = 	snop  }
0x8f: {  	[hbm4b:s30+s4] =	stream.indirect_vreg.scatter [tilespmem:s12], [sflag:$0x6], $0x80, v23, vm0, $0xb8;
	[tilespmem:$0x11200] =	vst v63  }
0x90: {  	_ = 	snop  }
0x91: {  	[hbm4b:s31+s4] =	stream.indirect_vreg.scatter [tilespmem:s13], [sflag:$0x6], $0x80, v23, vm0, $0xb8;
	[tilespmem:$0x11200] =	vst v63  }
0x92: {  	_ = 	snop  }
0x93: {  	[hbm4b:s0+s4] =	stream.indirect_vreg.scatter [tilespmem:s15], [sflag:$0x6], $0x80, v23, vm0, $0xb8;
	[tilespmem:$0x11200] =	vst v63  }
0x94: {  	v22 =	vperm.xlane v22, v21  }
0x95: {  	[hbm4b:s3+s4] =	stream.indirect_vreg.scatter [tilespmem:s16], [sflag:$0x6], $0x80, v23, vm0, $0xb8;
	[tilespmem:$0x11200] =	vst v63  }
0x96: {  	v22 =	vadd.s32 v20, v22  }
0x97: {  	[hbm4b:s5+s4] =	stream.indirect_vreg.scatter [tilespmem:s9], [sflag:$0x6], $0x80, v23, vm0, $0xb8;
	[tilespmem:$0x11200] =	vst v63  }
0x98: {  	_ = 	snop  }
0x99: {  	[hbm4b:s7+s4] =	stream.indirect_vreg.scatter [tilespmem:s1], [sflag:$0x6], $0x80, v23, vm0, $0xb8;
	[tilespmem:$0x11200] =	vst v63  }
0x9a: {  	_ = 	snop  }
0x9b: {  	[hbm4b:s8+s4] =	stream.indirect_vreg.scatter [tilespmem:s2], [sflag:$0x6], $0x80, v22, vm0, $0xb8;
	[tilespmem:$0x11200] =	vst v63  }
0x9c: {  	_ = 	snop  }
0x9d: {  	[hbm4b:s29+s4] =	stream.indirect_vreg.scatter [tilespmem:s17], [sflag:$0x6], $0x80, v22, vm0, $0xb8;
	[tilespmem:$0x11200] =	vst v63  }
0x9e: {  	s14 =	simm.s32 $0xE100  }
0x9f: {  	[hbm4b:s30+s4] =	stream.indirect_vreg.scatter [tilespmem:s14], [sflag:$0x6], $0x80, v22, vm0, $0xb8;
	[tilespmem:$0x11200] =	vst v63  }
0xa0: {  	_ = 	snop  }
0xa1: {  	[hbm4b:s31+s4] =	stream.indirect_vreg.scatter [tilespmem:s18], [sflag:$0x6], $0x80, v22, vm0, $0xb8;
	[tilespmem:$0x11200] =	vst v63  }
0xa2: {  	s15 =	simm.s32 $0xF100  }
0xa3: {  	[hbm4b:s0+s4] =	stream.indirect_vreg.scatter [tilespmem:s15], [sflag:$0x6], $0x80, v22, vm0, $0xb8;
	[tilespmem:$0x11200] =	vst v63  }
0xa4: {  	s16 =	simm.s32 $0xF900  }
0xa5: {  	[hbm4b:s3+s4] =	stream.indirect_vreg.scatter [tilespmem:s16], [sflag:$0x6], $0x80, v22, vm0, $0xb8;
	[tilespmem:$0x11200] =	vst v63  }
0xa6: {  	s17 =	simm.s32 $0x10100  }
0xa7: {  	[hbm4b:s5+s4] =	stream.indirect_vreg.scatter [tilespmem:s17], [sflag:$0x6], $0x80, v22, vm0, $0xb8;
	[tilespmem:$0x11200] =	vst v63  }
0xa8: {  	s19 =	simm.s32 $0x10900;
	s20 =	simm.s32 $0x6  }
0xa9: {  	[hbm4b:s7+s4] =	stream.indirect_vreg.scatter [tilespmem:s19], [sflag:$0x6], $0x80, v22, vm0, $0xb8;
	[tilespmem:$0x11200] =	vst v63  }
0xaa: {  	_ =	swait.ge [sflag:s20], $0x8000  }
0xab: {  	[sflag:s20] =	ssyncset.done $0x0  }
0xac: {  	s9 =	simm.s32 $0x1000;
	s1 =	sld [smem:$0x7CE];
	[sflag:s20] =	ssyncadd.s32 $0xFFFF8000  }
.LBB2_13:
0xad: {  	s8 =	sld [smem:$0x7FB];
	_ =	sdelay $0x1  }
0xae: {  	s1 =	sadd.s32 $0x1, s1  }
0xaf: {  	p1 =	sne.s32 s1, s8  }
.Ltmp1:
0xb0: {  	_ = 	snop;
	(pc) =	sbr.rel @!p1 .LBB2_14-.Ltmp1, $1  }
0xb1: {  	_ =	sdelay $0x3  }
.LBB2_1:
.Ltmp2:
0xb2: {  	s8 =	rddreg [dreg:$0x9];
	s20 =	simm.s32 $0x7;
	(pc) =	sbr.rel @p0 .LBB2_5-.Ltmp2, $4  }
0xb3: {  	[tilespmem:s4], [sflag:$0x7] =	stream.linear.gather [hbm4b:s8+s4], $0x1000, $0x38;
	[tilespmem:$0x11200] =	vst v63  }
0xb4: {  	_ =	swait.ge [sflag:s20], $0x1000  }
0xb5: {  	[sflag:s20] =	ssyncset.done $0x0  }
0xb6: {  	v22 =	vimm.s32 $0x0;
	[sflag:s20] =	ssyncadd.s32 $0xFFFFF000  }
0xb7: {  	s8 =	rddreg [dreg:$0x12]  }
0xb8: {  	v22 =	vld [tilespmem:s4+$0x0];
	p1 =	sne.s32 s8, $0x1  }
.Ltmp3:
0xb9: {  	_ = 	snop;
	(pc) =	sbr.rel @!p1 .LBB2_4-.Ltmp3, $2  }
0xba: {  	_ =	sdelay $0x2  }
0xbb: {  	s20 =	sadd.s32 $0x10, s4;
	s19 =	sadd.s32 $0xFFFFFFFF, s8;
	vm0 =	veq.s32 v22, $0x7;
	v22 =	vimm.s32 $0x0  }
.LBB2_3:
0xbc: {  	v23 =	vld [tilespmem:s20+$0x0];
	p1 =	sne.s32 s19, $0x1;
	s19 =	sadd.s32 $0xFFFFFFFF, s19;
	v24 =	vsel vm0, $0x1, v18  }
.Ltmp4:
0xbd: {  	v22 =	vadd.s32 v24, v22;
	(pc) =	sbr.rel @p1 .LBB2_3-.Ltmp4, $2  }
0xbe: {  	_ =	sdelay $0x2  }
0xbf: {  	s20 =	sadd.s32 $0x10, s20;
	vm0 =	veq.s32 v23, $0x7  }
.LBB2_4:
0xc0: {  	v23 =	vsel vm0, $0x1, v18  }
0xc1: {  	v22 =	vadd.s32 v23, v22  }
.LBB2_5:
0xc2: {  	s8 =	rddreg [dreg:$0xa]  }
0xc3: {  	v23 =	vld [tilespmem:s8+$0x0];
	_ =	sdelay $0x4  }
0xc4: {  	vm0 =	veq.s32 v23, $0x7  }
0xc5: {  	v23 =	vsel vm0, $0x1, v18  }
0xc6: {  	(xrf0) =	vadd.scan.msk.s32 $0xffff, v23;
	_ =	sdelay $0x5  }
0xc7: {  	v23, _, _ =	vpop (xrf0)  }
0xc8: {  	v24 =	vadd.s32 $0xFFFFFFFF, v23;
	_ =	sdelay $0x4  }
0xc9: {  	[tilespmem:v24+s9+$0x0] =	vst.idx.msk vm0, v1  }
0xca: {  	v25 =	vld [tilespmem:s8+$0x10];
	_ =	sdelay $0x4  }
0xcb: {  	vm13 =	veq.s32 v25, $0x7  }
0xcc: {  	v25 =	vsel vm13, $0x1, v18  }
0xcd: {  	(xrf0) =	vadd.scan.msk.s32 $0xffff, v25;
	_ =	sdelay $0x5  }
0xce: {  	(v2sf) =	vpush v23, $0xF;
	v24 =	vbroadcast v24, $0xF;
	v23, _, _ =	vpop (xrf0)  }
0xcf: {  	(v2sf) =	vpush v23, $0xF  }
0xd0: {  	v23 =	vadd.s32 v23, v24;
	_ =	sdelay $0x4  }
0xd1: {  	[tilespmem:v23+s9+$0x0] =	vst.idx.msk vm13, v2  }
0xd2: {  	v23 =	vld [tilespmem:s8+$0x20];
	_ =	sdelay $0x4  }
0xd3: {  	vm14 =	veq.s32 v23, $0x7  }
0xd4: {  	v23 =	vsel vm14, $0x1, v18  }
0xd5: {  	s19 =	spop (v2sf);
	(xrf0) =	vadd.scan.msk.s32 $0xffff, v23  }
0xd6: {  	s20 =	spop (v2sf)  }
0xd7: {  	s19 =	sadd.s32 s19, s20  }
0xd8: {  	v23 =	vmov s19  }
0xd9: {  	v23 =	vadd.s32 $0xFFFFFFFF, v23  }
0xda: {  	v23 =	vbroadcast v23, $0x0  }
0xdb: {  	v50, _, _ =	vpop (xrf0)  }
0xdc: {  	(v2sf) =	vpush v50, $0xF;
	v23 =	vadd.s32 v50, v23;
	_ =	sdelay $0x4  }
0xdd: {  	[tilespmem:v23+s9+$0x0] =	vst.idx.msk vm14, v3  }
0xde: {  	v23 =	vld [tilespmem:s8+$0x30];
	_ =	sdelay $0x4  }
0xdf: {  	vm15 =	veq.s32 v23, $0x7  }
0xe0: {  	v23 =	vsel vm15, $0x1, v18  }
0xe1: {  	(xrf0) =	vadd.scan.msk.s32 $0xffff, v23;
	_ =	sdelay $0x1  }
0xe2: {  	s6 =	spop (v2sf)  }
0xe3: {  	s19 =	sadd.s32 s19, s6  }
0xe4: {  	v23 =	vmov s19  }
0xe5: {  	v23 =	vadd.s32 $0xFFFFFFFF, v23  }
0xe6: {  	v23 =	vbroadcast v23, $0x0;
	v51, _, _ =	vpop (xrf0)  }
0xe7: {  	(v2sf) =	vpush v51, $0xF  }
0xe8: {  	v23 =	vadd.s32 v51, v23;
	_ =	sdelay $0x4  }
0xe9: {  	[tilespmem:v23+s9+$0x0] =	vst.idx.msk vm15, v4  }
0xea: {  	v23 =	vld [tilespmem:s8+$0x40];
	_ =	sdelay $0x4  }
0xeb: {  	vm4 =	veq.s32 v23, $0x7  }
0xec: {  	v23 =	vsel vm4, $0x1, v18  }
0xed: {  	(xrf0) =	vadd.scan.msk.s32 $0xffff, v23  }
0xee: {  	s10 =	spop (v2sf)  }
0xef: {  	s19 =	sadd.s32 s19, s10  }
0xf0: {  	v23 =	vmov s19  }
0xf1: {  	v23 =	vadd.s32 $0xFFFFFFFF, v23  }
0xf2: {  	v23 =	vbroadcast v23, $0x0  }
0xf3: {  	v52, _, _ =	vpop (xrf0)  }
0xf4: {  	(v2sf) =	vpush v52, $0xF;
	v23 =	vadd.s32 v52, v23;
	_ =	sdelay $0x4  }
0xf5: {  	[tilespmem:v23+s9+$0x0] =	vst.idx.msk vm4, v5  }
0xf6: {  	v23 =	vld [tilespmem:s8+$0x50];
	_ =	sdelay $0x4  }
0xf7: {  	vm5 =	veq.s32 v23, $0x7  }
0xf8: {  	v23 =	vsel vm5, $0x1, v18  }
0xf9: {  	(xrf0) =	vadd.scan.msk.s32 $0xffff, v23;
	_ =	sdelay $0x1  }
0xfa: {  	s11 =	spop (v2sf)  }
0xfb: {  	s19 =	sadd.s32 s19, s11  }
0xfc: {  	v23 =	vmov s19  }
0xfd: {  	v23 =	vadd.s32 $0xFFFFFFFF, v23  }
0xfe: {  	v23 =	vbroadcast v23, $0x0;
	v53, _, _ =	vpop (xrf0)  }
0xff: {  	(v2sf) =	vpush v53, $0xF  }
0x100: {  	v23 =	vadd.s32 v53, v23;
	_ =	sdelay $0x4  }
0x101: {  	[tilespmem:v23+s9+$0x0] =	vst.idx.msk vm5, v6  }
0x102: {  	v23 =	vld [tilespmem:s8+$0x60];
	_ =	sdelay $0x4  }
0x103: {  	vm6 =	veq.s32 v23, $0x7  }
0x104: {  	v23 =	vsel vm6, $0x1, v18  }
0x105: {  	(xrf0) =	vadd.scan.msk.s32 $0xffff, v23  }
0x106: {  	s12 =	spop (v2sf)  }
0x107: {  	s19 =	sadd.s32 s19, s12  }
0x108: {  	v23 =	vmov s19  }
0x109: {  	v23 =	vadd.s32 $0xFFFFFFFF, v23  }
0x10a: {  	v23 =	vbroadcast v23, $0x0  }
0x10b: {  	v54, _, _ =	vpop (xrf0)  }
0x10c: {  	(v2sf) =	vpush v54, $0xF;
	v23 =	vadd.s32 v54, v23;
	_ =	sdelay $0x4  }
0x10d: {  	[tilespmem:v23+s9+$0x0] =	vst.idx.msk vm6, v7  }
0x10e: {  	v23 =	vld [tilespmem:s8+$0x70];
	_ =	sdelay $0x4  }
0x10f: {  	vm7 =	veq.s32 v23, $0x7  }
0x110: {  	v23 =	vsel vm7, $0x1, v18  }
0x111: {  	(xrf0) =	vadd.scan.msk.s32 $0xffff, v23;
	_ =	sdelay $0x1  }
0x112: {  	s13 =	spop (v2sf)  }
0x113: {  	s19 =	sadd.s32 s19, s13  }
0x114: {  	v23 =	vmov s19  }
0x115: {  	v23 =	vadd.s32 $0xFFFFFFFF, v23  }
0x116: {  	v23 =	vbroadcast v23, $0x0;
	v55, _, _ =	vpop (xrf0)  }
0x117: {  	(v2sf) =	vpush v55, $0xF  }
0x118: {  	v23 =	vadd.s32 v55, v23;
	_ =	sdelay $0x4  }
0x119: {  	[tilespmem:v23+s9+$0x0] =	vst.idx.msk vm7, v8  }
0x11a: {  	v23 =	vld [tilespmem:s8+$0x80];
	_ =	sdelay $0x4  }
0x11b: {  	vm8 =	veq.s32 v23, $0x7  }
0x11c: {  	v23 =	vsel vm8, $0x1, v18  }
0x11d: {  	(xrf0) =	vadd.scan.msk.s32 $0xffff, v23  }
0x11e: {  	s14 =	spop (v2sf)  }
0x11f: {  	s19 =	sadd.s32 s19, s14  }
0x120: {  	v23 =	vmov s19  }
0x121: {  	v23 =	vadd.s32 $0xFFFFFFFF, v23  }
0x122: {  	v23 =	vbroadcast v23, $0x0  }
0x123: {  	v56, _, _ =	vpop (xrf0)  }
0x124: {  	(v2sf) =	vpush v56, $0xF;
	v23 =	vadd.s32 v56, v23;
	_ =	sdelay $0x4  }
0x125: {  	[tilespmem:v23+s9+$0x0] =	vst.idx.msk vm8, v9  }
0x126: {  	v23 =	vld [tilespmem:s8+$0x90];
	_ =	sdelay $0x4  }
0x127: {  	vm9 =	veq.s32 v23, $0x7  }
0x128: {  	v23 =	vsel vm9, $0x1, v18  }
0x129: {  	(xrf0) =	vadd.scan.msk.s32 $0xffff, v23;
	_ =	sdelay $0x1  }
0x12a: {  	s15 =	spop (v2sf)  }
0x12b: {  	s19 =	sadd.s32 s19, s15  }
0x12c: {  	v23 =	vmov s19  }
0x12d: {  	v23 =	vadd.s32 $0xFFFFFFFF, v23  }
0x12e: {  	v23 =	vbroadcast v23, $0x0;
	v57, _, _ =	vpop (xrf0)  }
0x12f: {  	(v2sf) =	vpush v57, $0xF  }
0x130: {  	v23 =	vadd.s32 v57, v23;
	_ =	sdelay $0x4  }
0x131: {  	[tilespmem:v23+s9+$0x0] =	vst.idx.msk vm9, v10  }
0x132: {  	v23 =	vld [tilespmem:s8+$0xA0];
	_ =	sdelay $0x4  }
0x133: {  	vm10 =	veq.s32 v23, $0x7  }
0x134: {  	v23 =	vsel vm10, $0x1, v18  }
0x135: {  	(xrf0) =	vadd.scan.msk.s32 $0xffff, v23  }
0x136: {  	s16 =	spop (v2sf)  }
0x137: {  	s19 =	sadd.s32 s19, s16  }
0x138: {  	v23 =	vmov s19  }
0x139: {  	v23 =	vadd.s32 $0xFFFFFFFF, v23  }
0x13a: {  	v23 =	vbroadcast v23, $0x0  }
0x13b: {  	v58, _, _ =	vpop (xrf0)  }
0x13c: {  	(v2sf) =	vpush v58, $0xF;
	v23 =	vadd.s32 v58, v23;
	_ =	sdelay $0x4  }
0x13d: {  	[tilespmem:v23+s9+$0x0] =	vst.idx.msk vm10, v11  }
0x13e: {  	v23 =	vld [tilespmem:s8+$0xB0];
	_ =	sdelay $0x4  }
0x13f: {  	vm11 =	veq.s32 v23, $0x7  }
0x140: {  	v23 =	vsel vm11, $0x1, v18  }
0x141: {  	(xrf0) =	vadd.scan.msk.s32 $0xffff, v23;
	_ =	sdelay $0x1  }
0x142: {  	s17 =	spop (v2sf)  }
0x143: {  	s19 =	sadd.s32 s19, s17  }
0x144: {  	v23 =	vmov s19  }
0x145: {  	v23 =	vadd.s32 $0xFFFFFFFF, v23  }
0x146: {  	v23 =	vbroadcast v23, $0x0;
	v59, _, _ =	vpop (xrf0)  }
0x147: {  	(v2sf) =	vpush v59, $0xF  }
0x148: {  	v23 =	vadd.s32 v59, v23;
	_ =	sdelay $0x4  }
0x149: {  	[tilespmem:v23+s9+$0x0] =	vst.idx.msk vm11, v12  }
0x14a: {  	v23 =	vld [tilespmem:s8+$0xC0];
	_ =	sdelay $0x4  }
0x14b: {  	vm12 =	veq.s32 v23, $0x7  }
0x14c: {  	v23 =	vsel vm12, $0x1, v18  }
0x14d: {  	(xrf0) =	vadd.scan.msk.s32 $0xffff, v23  }
0x14e: {  	s2 =	spop (v2sf)  }
0x14f: {  	s19 =	sadd.s32 s19, s2  }
0x150: {  	v23 =	vmov s19  }
0x151: {  	v23 =	vadd.s32 $0xFFFFFFFF, v23  }
0x152: {  	v23 =	vbroadcast v23, $0x0  }
0x153: {  	v60, _, _ =	vpop (xrf0)  }
0x154: {  	(v2sf) =	vpush v60, $0xF;
	v23 =	vadd.s32 v60, v23;
	_ =	sdelay $0x4  }
0x155: {  	[tilespmem:v23+s9+$0x0] =	vst.idx.msk vm12, v13  }
0x156: {  	v23 =	vld [tilespmem:s8+$0xD0];
	_ =	sdelay $0x4  }
0x157: {  	vm13 =	veq.s32 v23, $0x7  }
0x158: {  	v23 =	vsel vm13, $0x1, v18  }
0x159: {  	(xrf0) =	vadd.scan.msk.s32 $0xffff, v23;
	_ =	sdelay $0x1  }
0x15a: {  	s6 =	spop (v2sf)  }
0x15b: {  	s19 =	sadd.s32 s19, s6  }
0x15c: {  	v23 =	vmov s19  }
0x15d: {  	v23 =	vadd.s32 $0xFFFFFFFF, v23  }
0x15e: {  	v23 =	vbroadcast v23, $0x0;
	v61, _, _ =	vpop (xrf0)  }
0x15f: {  	(v2sf) =	vpush v61, $0xF  }
0x160: {  	v23 =	vadd.s32 v61, v23;
	_ =	sdelay $0x4  }
0x161: {  	[tilespmem:v23+s9+$0x0] =	vst.idx.msk vm13, v14  }
0x162: {  	v23 =	vld [tilespmem:s8+$0xE0];
	_ =	sdelay $0x4  }
0x163: {  	vm14 =	veq.s32 v23, $0x7  }
0x164: {  	v23 =	vsel vm14, $0x1, v18  }
0x165: {  	(xrf0) =	vadd.scan.msk.s32 $0xffff, v23  }
0x166: {  	s10 =	spop (v2sf)  }
0x167: {  	s19 =	sadd.s32 s19, s10  }
0x168: {  	v23 =	vmov s19  }
0x169: {  	v23 =	vadd.s32 $0xFFFFFFFF, v23  }
0x16a: {  	v23 =	vbroadcast v23, $0x0  }
0x16b: {  	v62, _, _ =	vpop (xrf0)  }
0x16c: {  	v23 =	vadd.s32 v62, v23;
	_ =	sdelay $0x4  }
0x16d: {  	(v2sf) =	vpush v62, $0xF;
	[tilespmem:v23+s9+$0x0] =	vst.idx.msk vm14, v15  }
0x16e: {  	v23 =	vld [tilespmem:s8+$0xF0];
	_ =	sdelay $0x4  }
0x16f: {  	vm15 =	veq.s32 v23, $0x7  }
0x170: {  	v23 =	vsel vm15, $0x1, v18  }
0x171: {  	(xrf0) =	vadd.scan.msk.s32 $0xffff, v23;
	_ =	sdelay $0x5  }
0x172: {  	v23, _, _ =	vpop (xrf0)  }
0x173: {  	s11 =	spop (v2sf);
	(v2sf) =	vpush v23, $0xF  }
0x174: {  	s10 =	sadd.s32 s19, s11  }
0x175: {  	v63 =	vmov s10  }
0x176: {  	v24 =	vadd.s32 $0xFFFFFFFF, v63  }
0x177: {  	v24 =	vbroadcast v24, $0x0;
	_ =	sdelay $0x1  }
0x178: {  	v23 =	vadd.s32 v23, v24;
	_ =	sdelay $0x2  }
0x179: {  	s12 =	sld [smem:$0x7F3];
	_ =	sdelay $0x1  }
0x17a: {  	s19 =	simm.s32 $0x1100;
	[tilespmem:v23+s9+$0x0] =	vst.idx.msk vm15, v16  }
0x17b: {  	[tilespmem:s19], [sflag:$0x1] =	stream.linear.gather [hbm4b:s12+s4], $0x4000, $0x38;
	[tilespmem:$0x11200] =	vst v63  }
0x17c: {  	s13 =	rddreg [dreg:$0xb];
	s11 =	simm.s32 $0x5100  }
0x17d: {  	[tilespmem:s11], [sflag:$0x2] =	stream.linear.gather [hbm4b:s13+s4], $0x4000, $0x38;
	[tilespmem:$0x11200] =	vst v63  }
0x17e: {  	s20 =	simm.s32 $0x1;
	s12 =	spop (v2sf)  }
0x17f: {  	_ =	swait.ge [sflag:s20], $0x4000  }
0x180: {  	s14 =	sld [smem:$0x7F4]  }
0x181: {  	[sflag:s20] =	ssyncset.done $0x0  }
0x182: {  	s2 =	simm.s32 $0x3;
	[sflag:s20] =	ssyncadd.s32 $0xFFFFC000  }
0x183: {  	[hbm4b:s14+s4] =	stream.linear.scatter [tilespmem:s19], [sflag:$0x3], $0x4000, $0x38;
	[tilespmem:$0x11200] =	vst v63  }
0x184: {  	_ =	swait.ge [sflag:s2], $0x4000  }
0x185: {  	[sflag:s2] =	ssyncset.done $0x0  }
0x186: {  	s6 =	simm.s32 $0x2;
	s15 =	rddreg [dreg:$0xc];
	[sflag:s2] =	ssyncadd.s32 $0xFFFFC000  }
0x187: {  	[tilespmem:s19], [sflag:$0x1] =	stream.linear.gather [hbm4b:s15+s4], $0x4000, $0x38;
	[tilespmem:$0x11200] =	vst v63  }
0x188: {  	_ =	swait.ge [sflag:s6], $0x4000  }
0x189: {  	[sflag:s6] =	ssyncset.done $0x0  }
0x18a: {  	s14 =	simm.s32 $0x4;
	s16 =	rddreg [dreg:$0xd];
	[sflag:s6] =	ssyncadd.s32 $0xFFFFC000  }
0x18b: {  	[hbm4b:s16+s4] =	stream.linear.scatter [tilespmem:s11], [sflag:$0x4], $0x4000, $0x38;
	[tilespmem:$0x11200] =	vst v63  }
0x18c: {  	_ =	swait.ge [sflag:s14], $0x4000  }
0x18d: {  	[sflag:s14] =	ssyncset.done $0x0  }
0x18e: {  	s17 =	rddreg [dreg:$0xe];
	[sflag:s14] =	ssyncadd.s32 $0xFFFFC000  }
0x18f: {  	[tilespmem:s11], [sflag:$0x2] =	stream.linear.gather [hbm4b:s17+s4], $0x4000, $0x38;
	[tilespmem:$0x11200] =	vst v63  }
0x190: {  	_ =	swait.ge [sflag:s20], $0x4000  }
0x191: {  	[sflag:s20] =	ssyncset.done $0x0  }
0x192: {  	s13 =	rddreg [dreg:$0xf];
	[sflag:s20] =	ssyncadd.s32 $0xFFFFC000  }
0x193: {  	[hbm4b:s13+s4] =	stream.linear.scatter [tilespmem:s19], [sflag:$0x3], $0x4000, $0x38;
	[tilespmem:$0x11200] =	vst v63  }
0x194: {  	_ =	swait.ge [sflag:s2], $0x4000  }
0x195: {  	[sflag:s2] =	ssyncset.done $0x0  }
0x196: {  	s15 =	rddreg [dreg:$0x10];
	[sflag:s2] =	ssyncadd.s32 $0xFFFFC000  }
0x197: {  	[tilespmem:s19], [sflag:$0x1] =	stream.linear.gather [hbm4b:s15+s4], $0x4000, $0x38;
	[tilespmem:$0x11200] =	vst v63  }
0x198: {  	_ =	swait.ge [sflag:s6], $0x4000  }
0x199: {  	[sflag:s6] =	ssyncset.done $0x0  }
0x19a: {  	s16 =	rddreg [dreg:$0x11];
	[sflag:s6] =	ssyncadd.s32 $0xFFFFC000  }
0x19b: {  	[hbm4b:s16+s4] =	stream.linear.scatter [tilespmem:s11], [sflag:$0x4], $0x4000, $0x38;
	[tilespmem:$0x11200] =	vst v63  }
0x19c: {  	_ =	swait.ge [sflag:s14], $0x4000  }
0x19d: {  	[sflag:s14] =	ssyncset.done $0x0  }
0x19e: {  	s17 =	rddreg [dreg:$0x13];
	[sflag:s14] =	ssyncadd.s32 $0xFFFFC000  }
0x19f: {  	[tilespmem:s11], [sflag:$0x2] =	stream.linear.gather [hbm4b:s17+s4], $0x4000, $0x38;
	[tilespmem:$0x11200] =	vst v63  }
0x1a0: {  	_ =	swait.ge [sflag:s20], $0x4000  }
0x1a1: {  	[sflag:s20] =	ssyncset.done $0x0  }
0x1a2: {  	s13 =	rddreg [dreg:$0x14];
	[sflag:s20] =	ssyncadd.s32 $0xFFFFC000  }
0x1a3: {  	[hbm4b:s13+s4] =	stream.linear.scatter [tilespmem:s19], [sflag:$0x3], $0x4000, $0x38;
	[tilespmem:$0x11200] =	vst v63  }
0x1a4: {  	_ =	swait.ge [sflag:s2], $0x4000  }
0x1a5: {  	[sflag:s2] =	ssyncset.done $0x0  }
0x1a6: {  	s15 =	rddreg [dreg:$0x16];
	[sflag:s2] =	ssyncadd.s32 $0xFFFFC000  }
0x1a7: {  	[tilespmem:s19], [sflag:$0x1] =	stream.linear.gather [hbm4b:s15+s4], $0x4000, $0x38;
	[tilespmem:$0x11200] =	vst v63  }
0x1a8: {  	_ =	swait.ge [sflag:s6], $0x4000  }
0x1a9: {  	[sflag:s6] =	ssyncset.done $0x0  }
0x1aa: {  	s16 =	rddreg [dreg:$0x15];
	[sflag:s6] =	ssyncadd.s32 $0xFFFFC000  }
0x1ab: {  	[hbm4b:s16+s4] =	stream.linear.scatter [tilespmem:s11], [sflag:$0x4], $0x4000, $0x38;
	[tilespmem:$0x11200] =	vst v63  }
0x1ac: {  	_ =	swait.ge [sflag:s14], $0x4000  }
0x1ad: {  	[sflag:s14] =	ssyncset.done $0x0  }
0x1ae: {  	s17 =	rddreg [dreg:$0x18];
	[sflag:s14] =	ssyncadd.s32 $0xFFFFC000  }
0x1af: {  	[tilespmem:s11], [sflag:$0x2] =	stream.linear.gather [hbm4b:s17+s4], $0x4000, $0x38;
	[tilespmem:$0x11200] =	vst v63  }
0x1b0: {  	_ =	swait.ge [sflag:s20], $0x4000  }
0x1b1: {  	[sflag:s20] =	ssyncset.done $0x0  }
0x1b2: {  	s13 =	rddreg [dreg:$0x17];
	[sflag:s20] =	ssyncadd.s32 $0xFFFFC000  }
0x1b3: {  	[hbm4b:s13+s4] =	stream.linear.scatter [tilespmem:s19], [sflag:$0x3], $0x4000, $0x38;
	[tilespmem:$0x11200] =	vst v63  }
0x1b4: {  	_ =	swait.ge [sflag:s2], $0x4000  }
0x1b5: {  	[sflag:s2] =	ssyncset.done $0x0  }
0x1b6: {  	s15 =	rddreg [dreg:$0x1a];
	[sflag:s2] =	ssyncadd.s32 $0xFFFFC000  }
0x1b7: {  	[tilespmem:s19], [sflag:$0x1] =	stream.linear.gather [hbm4b:s15+s4], $0x4000, $0x38;
	[tilespmem:$0x11200] =	vst v63  }
0x1b8: {  	_ =	swait.ge [sflag:s6], $0x4000  }
0x1b9: {  	[sflag:s6] =	ssyncset.done $0x0  }
0x1ba: {  	s16 =	rddreg [dreg:$0x19];
	[sflag:s6] =	ssyncadd.s32 $0xFFFFC000  }
0x1bb: {  	[hbm4b:s16+s4] =	stream.linear.scatter [tilespmem:s11], [sflag:$0x4], $0x4000, $0x38;
	[tilespmem:$0x11200] =	vst v63  }
0x1bc: {  	_ =	swait.ge [sflag:s14], $0x4000  }
0x1bd: {  	[sflag:s14] =	ssyncset.done $0x0  }
0x1be: {  	s17 =	rddreg [dreg:$0x1c];
	[sflag:s14] =	ssyncadd.s32 $0xFFFFC000  }
0x1bf: {  	[tilespmem:s11], [sflag:$0x2] =	stream.linear.gather [hbm4b:s17+s4], $0x4000, $0x38;
	[tilespmem:$0x11200] =	vst v63  }
0x1c0: {  	_ =	swait.ge [sflag:s20], $0x4000  }
0x1c1: {  	[sflag:s20] =	ssyncset.done $0x0  }
0x1c2: {  	s13 =	rddreg [dreg:$0x1b];
	[sflag:s20] =	ssyncadd.s32 $0xFFFFC000  }
0x1c3: {  	[hbm4b:s13+s4] =	stream.linear.scatter [tilespmem:s19], [sflag:$0x3], $0x4000, $0x38;
	[tilespmem:$0x11200] =	vst v63  }
0x1c4: {  	_ =	swait.ge [sflag:s2], $0x4000  }
0x1c5: {  	[sflag:s2] =	ssyncset.done $0x0  }
0x1c6: {  	s15 =	rddreg [dreg:$0x1e];
	[sflag:s2] =	ssyncadd.s32 $0xFFFFC000  }
0x1c7: {  	[tilespmem:s19], [sflag:$0x1] =	stream.linear.gather [hbm4b:s15+s4], $0x4000, $0x38;
	[tilespmem:$0x11200] =	vst v63  }
0x1c8: {  	_ =	swait.ge [sflag:s6], $0x4000  }
0x1c9: {  	[sflag:s6] =	ssyncset.done $0x0  }
0x1ca: {  	s16 =	rddreg [dreg:$0x1d];
	[sflag:s6] =	ssyncadd.s32 $0xFFFFC000  }
0x1cb: {  	[hbm4b:s16+s4] =	stream.linear.scatter [tilespmem:s11], [sflag:$0x4], $0x4000, $0x38;
	[tilespmem:$0x11200] =	vst v63  }
0x1cc: {  	_ =	swait.ge [sflag:s14], $0x4000  }
0x1cd: {  	s17 =	sld [smem:$0x7CF]  }
0x1ce: {  	[sflag:s14] =	ssyncset.done $0x0  }
0x1cf: {  	[sflag:s14] =	ssyncadd.s32 $0xFFFFC000  }
0x1d0: {  	[tilespmem:s11], [sflag:$0x2] =	stream.linear.gather [hbm4b:s17+s4], $0x4000, $0x38;
	[tilespmem:$0x11200] =	vst v63  }
0x1d1: {  	_ =	swait.ge [sflag:s20], $0x4000  }
0x1d2: {  	[sflag:s20] =	ssyncset.done $0x0  }
0x1d3: {  	s13 =	rddreg [dreg:$0x1f];
	[sflag:s20] =	ssyncadd.s32 $0xFFFFC000  }
0x1d4: {  	[hbm4b:s13+s4] =	stream.linear.scatter [tilespmem:s19], [sflag:$0x3], $0x4000, $0x38;
	[tilespmem:$0x11200] =	vst v63  }
0x1d5: {  	_ =	swait.ge [sflag:s2], $0x4000  }
0x1d6: {  	s15 =	sld [smem:$0x7D1]  }
0x1d7: {  	[sflag:s2] =	ssyncset.done $0x0  }
0x1d8: {  	[sflag:s2] =	ssyncadd.s32 $0xFFFFC000  }
0x1d9: {  	[tilespmem:s19], [sflag:$0x1] =	stream.linear.gather [hbm4b:s15+s4], $0x4000, $0x38;
	[tilespmem:$0x11200] =	vst v63  }
0x1da: {  	_ =	swait.ge [sflag:s6], $0x4000  }
0x1db: {  	s16 =	sld [smem:$0x7D0]  }
0x1dc: {  	[sflag:s6] =	ssyncset.done $0x0  }
0x1dd: {  	[sflag:s6] =	ssyncadd.s32 $0xFFFFC000  }
0x1de: {  	[hbm4b:s16+s4] =	stream.linear.scatter [tilespmem:s11], [sflag:$0x4], $0x4000, $0x38;
	[tilespmem:$0x11200] =	vst v63  }
0x1df: {  	_ =	swait.ge [sflag:s14], $0x4000  }
0x1e0: {  	s17 =	sld [smem:$0x7D3]  }
0x1e1: {  	[sflag:s14] =	ssyncset.done $0x0  }
0x1e2: {  	[sflag:s14] =	ssyncadd.s32 $0xFFFFC000  }
0x1e3: {  	[tilespmem:s11], [sflag:$0x2] =	stream.linear.gather [hbm4b:s17+s4], $0x4000, $0x38;
	[tilespmem:$0x11200] =	vst v63  }
0x1e4: {  	_ =	swait.ge [sflag:s20], $0x4000  }
0x1e5: {  	s13 =	sld [smem:$0x7D2]  }
0x1e6: {  	[sflag:s20] =	ssyncset.done $0x0  }
0x1e7: {  	[sflag:s20] =	ssyncadd.s32 $0xFFFFC000  }
0x1e8: {  	[hbm4b:s13+s4] =	stream.linear.scatter [tilespmem:s19], [sflag:$0x3], $0x4000, $0x38;
	[tilespmem:$0x11200] =	vst v63  }
0x1e9: {  	_ =	swait.ge [sflag:s2], $0x4000  }
0x1ea: {  	s15 =	sld [smem:$0x7D5]  }
0x1eb: {  	[sflag:s2] =	ssyncset.done $0x0  }
0x1ec: {  	[sflag:s2] =	ssyncadd.s32 $0xFFFFC000  }
0x1ed: {  	[tilespmem:s19], [sflag:$0x1] =	stream.linear.gather [hbm4b:s15+s4], $0x4000, $0x38;
	[tilespmem:$0x11200] =	vst v63  }
0x1ee: {  	_ =	swait.ge [sflag:s6], $0x4000  }
0x1ef: {  	s16 =	sld [smem:$0x7D4]  }
0x1f0: {  	[sflag:s6] =	ssyncset.done $0x0  }
0x1f1: {  	[sflag:s6] =	ssyncadd.s32 $0xFFFFC000  }
0x1f2: {  	[hbm4b:s16+s4] =	stream.linear.scatter [tilespmem:s11], [sflag:$0x4], $0x4000, $0x38;
	[tilespmem:$0x11200] =	vst v63  }
0x1f3: {  	_ =	swait.ge [sflag:s14], $0x4000  }
0x1f4: {  	s17 =	sld [smem:$0x7D7]  }
0x1f5: {  	[sflag:s14] =	ssyncset.done $0x0  }
0x1f6: {  	[sflag:s14] =	ssyncadd.s32 $0xFFFFC000  }
0x1f7: {  	[tilespmem:s11], [sflag:$0x2] =	stream.linear.gather [hbm4b:s17+s4], $0x4000, $0x38;
	[tilespmem:$0x11200] =	vst v63  }
0x1f8: {  	_ =	swait.ge [sflag:s20], $0x4000  }
0x1f9: {  	s13 =	sld [smem:$0x7D6]  }
0x1fa: {  	[sflag:s20] =	ssyncset.done $0x0  }
0x1fb: {  	[sflag:s20] =	ssyncadd.s32 $0xFFFFC000  }
0x1fc: {  	[hbm4b:s13+s4] =	stream.linear.scatter [tilespmem:s19], [sflag:$0x3], $0x4000, $0x38;
	[tilespmem:$0x11200] =	vst v63  }
0x1fd: {  	_ =	swait.ge [sflag:s2], $0x4000  }
0x1fe: {  	s15 =	sld [smem:$0x7D9]  }
0x1ff: {  	[sflag:s2] =	ssyncset.done $0x0  }
0x200: {  	[sflag:s2] =	ssyncadd.s32 $0xFFFFC000  }
0x201: {  	[tilespmem:s19], [sflag:$0x1] =	stream.linear.gather [hbm4b:s15+s4], $0x4000, $0x38;
	[tilespmem:$0x11200] =	vst v63  }
0x202: {  	_ =	swait.ge [sflag:s6], $0x4000  }
0x203: {  	s16 =	sld [smem:$0x7D8]  }
0x204: {  	[sflag:s6] =	ssyncset.done $0x0  }
0x205: {  	[sflag:s6] =	ssyncadd.s32 $0xFFFFC000  }
0x206: {  	[hbm4b:s16+s4] =	stream.linear.scatter [tilespmem:s11], [sflag:$0x4], $0x4000, $0x38;
	[tilespmem:$0x11200] =	vst v63  }
0x207: {  	_ =	swait.ge [sflag:s14], $0x4000  }
0x208: {  	s17 =	sld [smem:$0x7DB]  }
0x209: {  	[sflag:s14] =	ssyncset.done $0x0  }
0x20a: {  	[sflag:s14] =	ssyncadd.s32 $0xFFFFC000  }
0x20b: {  	[tilespmem:s11], [sflag:$0x2] =	stream.linear.gather [hbm4b:s17+s4], $0x4000, $0x38;
	[tilespmem:$0x11200] =	vst v63  }
0x20c: {  	_ =	swait.ge [sflag:s20], $0x4000  }
0x20d: {  	s13 =	sld [smem:$0x7DA]  }
0x20e: {  	[sflag:s20] =	ssyncset.done $0x0  }
0x20f: {  	[sflag:s20] =	ssyncadd.s32 $0xFFFFC000  }
0x210: {  	[hbm4b:s13+s4] =	stream.linear.scatter [tilespmem:s19], [sflag:$0x3], $0x4000, $0x38;
	[tilespmem:$0x11200] =	vst v63  }
0x211: {  	_ =	swait.ge [sflag:s2], $0x4000  }
0x212: {  	s15 =	sld [smem:$0x7DD]  }
0x213: {  	[sflag:s2] =	ssyncset.done $0x0  }
0x214: {  	[sflag:s2] =	ssyncadd.s32 $0xFFFFC000  }
0x215: {  	[tilespmem:s19], [sflag:$0x1] =	stream.linear.gather [hbm4b:s15+s4], $0x4000, $0x38;
	[tilespmem:$0x11200] =	vst v63  }
0x216: {  	_ =	swait.ge [sflag:s6], $0x4000  }
0x217: {  	s16 =	sld [smem:$0x7DC]  }
0x218: {  	[sflag:s6] =	ssyncset.done $0x0  }
0x219: {  	[sflag:s6] =	ssyncadd.s32 $0xFFFFC000  }
0x21a: {  	[hbm4b:s16+s4] =	stream.linear.scatter [tilespmem:s11], [sflag:$0x4], $0x4000, $0x38;
	[tilespmem:$0x11200] =	vst v63  }
0x21b: {  	_ =	swait.ge [sflag:s14], $0x4000  }
0x21c: {  	s17 =	sld [smem:$0x7DF]  }
0x21d: {  	[sflag:s14] =	ssyncset.done $0x0  }
0x21e: {  	[sflag:s14] =	ssyncadd.s32 $0xFFFFC000  }
0x21f: {  	[tilespmem:s11], [sflag:$0x2] =	stream.linear.gather [hbm4b:s17+s4], $0x4000, $0x38;
	[tilespmem:$0x11200] =	vst v63  }
0x220: {  	_ =	swait.ge [sflag:s20], $0x4000  }
0x221: {  	s13 =	sld [smem:$0x7DE]  }
0x222: {  	[sflag:s20] =	ssyncset.done $0x0  }
0x223: {  	[sflag:s20] =	ssyncadd.s32 $0xFFFFC000  }
0x224: {  	[hbm4b:s13+s4] =	stream.linear.scatter [tilespmem:s19], [sflag:$0x3], $0x4000, $0x38;
	[tilespmem:$0x11200] =	vst v63  }
0x225: {  	_ =	swait.ge [sflag:s2], $0x4000  }
0x226: {  	s15 =	sld [smem:$0x7E1]  }
0x227: {  	[sflag:s2] =	ssyncset.done $0x0  }
0x228: {  	[sflag:s2] =	ssyncadd.s32 $0xFFFFC000  }
0x229: {  	[tilespmem:s19], [sflag:$0x1] =	stream.linear.gather [hbm4b:s15+s4], $0x4000, $0x38;
	[tilespmem:$0x11200] =	vst v63  }
0x22a: {  	_ =	swait.ge [sflag:s6], $0x4000  }
0x22b: {  	s16 =	sld [smem:$0x7E0]  }
0x22c: {  	[sflag:s6] =	ssyncset.done $0x0  }
0x22d: {  	[sflag:s6] =	ssyncadd.s32 $0xFFFFC000  }
0x22e: {  	[hbm4b:s16+s4] =	stream.linear.scatter [tilespmem:s11], [sflag:$0x4], $0x4000, $0x38;
	[tilespmem:$0x11200] =	vst v63  }
0x22f: {  	_ =	swait.ge [sflag:s14], $0x4000  }
0x230: {  	s17 =	sld [smem:$0x7E3]  }
0x231: {  	[sflag:s14] =	ssyncset.done $0x0  }
0x232: {  	[sflag:s14] =	ssyncadd.s32 $0xFFFFC000  }
0x233: {  	[tilespmem:s11], [sflag:$0x2] =	stream.linear.gather [hbm4b:s17+s4], $0x4000, $0x38;
	[tilespmem:$0x11200] =	vst v63  }
0x234: {  	_ =	swait.ge [sflag:s20], $0x4000  }
0x235: {  	s13 =	sld [smem:$0x7E2]  }
0x236: {  	[sflag:s20] =	ssyncset.done $0x0  }
0x237: {  	[sflag:s20] =	ssyncadd.s32 $0xFFFFC000  }
0x238: {  	[hbm4b:s13+s4] =	stream.linear.scatter [tilespmem:s19], [sflag:$0x3], $0x4000, $0x38;
	[tilespmem:$0x11200] =	vst v63  }
0x239: {  	_ =	swait.ge [sflag:s2], $0x4000  }
0x23a: {  	s15 =	sld [smem:$0x7E5]  }
0x23b: {  	[sflag:s2] =	ssyncset.done $0x0  }
0x23c: {  	[sflag:s2] =	ssyncadd.s32 $0xFFFFC000  }
0x23d: {  	[tilespmem:s19], [sflag:$0x1] =	stream.linear.gather [hbm4b:s15+s4], $0x4000, $0x38;
	[tilespmem:$0x11200] =	vst v63  }
0x23e: {  	_ =	swait.ge [sflag:s6], $0x4000  }
0x23f: {  	s16 =	sld [smem:$0x7E4]  }
0x240: {  	[sflag:s6] =	ssyncset.done $0x0  }
0x241: {  	[sflag:s6] =	ssyncadd.s32 $0xFFFFC000  }
0x242: {  	[hbm4b:s16+s4] =	stream.linear.scatter [tilespmem:s11], [sflag:$0x4], $0x4000, $0x38;
	[tilespmem:$0x11200] =	vst v63  }
0x243: {  	_ =	swait.ge [sflag:s14], $0x4000  }
0x244: {  	s17 =	sld [smem:$0x7E7]  }
0x245: {  	[sflag:s14] =	ssyncset.done $0x0  }
0x246: {  	[sflag:s14] =	ssyncadd.s32 $0xFFFFC000  }
0x247: {  	[tilespmem:s11], [sflag:$0x2] =	stream.linear.gather [hbm4b:s17+s4], $0x4000, $0x38;
	[tilespmem:$0x11200] =	vst v63  }
0x248: {  	_ =	swait.ge [sflag:s20], $0x4000  }
0x249: {  	s13 =	sld [smem:$0x7E6]  }
0x24a: {  	[sflag:s20] =	ssyncset.done $0x0  }
0x24b: {  	[sflag:s20] =	ssyncadd.s32 $0xFFFFC000  }
0x24c: {  	[hbm4b:s13+s4] =	stream.linear.scatter [tilespmem:s19], [sflag:$0x3], $0x4000, $0x38;
	[tilespmem:$0x11200] =	vst v63  }
0x24d: {  	_ =	swait.ge [sflag:s2], $0x4000  }
0x24e: {  	s15 =	sld [smem:$0x7E9]  }
0x24f: {  	[sflag:s2] =	ssyncset.done $0x0  }
0x250: {  	[sflag:s2] =	ssyncadd.s32 $0xFFFFC000  }
0x251: {  	[tilespmem:s19], [sflag:$0x1] =	stream.linear.gather [hbm4b:s15+s4], $0x4000, $0x38;
	[tilespmem:$0x11200] =	vst v63  }
0x252: {  	_ =	swait.ge [sflag:s6], $0x4000  }
0x253: {  	s16 =	sld [smem:$0x7E8]  }
0x254: {  	[sflag:s6] =	ssyncset.done $0x0  }
0x255: {  	[sflag:s6] =	ssyncadd.s32 $0xFFFFC000  }
0x256: {  	[hbm4b:s16+s4] =	stream.linear.scatter [tilespmem:s11], [sflag:$0x4], $0x4000, $0x38;
	[tilespmem:$0x11200] =	vst v63  }
0x257: {  	_ =	swait.ge [sflag:s14], $0x4000  }
0x258: {  	s17 =	sld [smem:$0x7EB]  }
0x259: {  	[sflag:s14] =	ssyncset.done $0x0  }
0x25a: {  	[sflag:s14] =	ssyncadd.s32 $0xFFFFC000  }
0x25b: {  	[tilespmem:s11], [sflag:$0x2] =	stream.linear.gather [hbm4b:s17+s4], $0x4000, $0x38;
	[tilespmem:$0x11200] =	vst v63  }
0x25c: {  	_ =	swait.ge [sflag:s20], $0x4000  }
0x25d: {  	s13 =	sld [smem:$0x7EA]  }
0x25e: {  	[sflag:s20] =	ssyncset.done $0x0  }
0x25f: {  	[sflag:s20] =	ssyncadd.s32 $0xFFFFC000  }
0x260: {  	[hbm4b:s13+s4] =	stream.linear.scatter [tilespmem:s19], [sflag:$0x3], $0x4000, $0x38;
	[tilespmem:$0x11200] =	vst v63  }
0x261: {  	_ =	swait.ge [sflag:s2], $0x4000  }
0x262: {  	s15 =	sld [smem:$0x7ED]  }
0x263: {  	[sflag:s2] =	ssyncset.done $0x0  }
0x264: {  	[sflag:s2] =	ssyncadd.s32 $0xFFFFC000  }
0x265: {  	[tilespmem:s19], [sflag:$0x1] =	stream.linear.gather [hbm4b:s15+s4], $0x4000, $0x38;
	[tilespmem:$0x11200] =	vst v63  }
0x266: {  	_ =	swait.ge [sflag:s6], $0x4000  }
0x267: {  	s16 =	sld [smem:$0x7EC]  }
0x268: {  	[sflag:s6] =	ssyncset.done $0x0  }
0x269: {  	[sflag:s6] =	ssyncadd.s32 $0xFFFFC000  }
0x26a: {  	[hbm4b:s16+s4] =	stream.linear.scatter [tilespmem:s11], [sflag:$0x4], $0x4000, $0x38;
	[tilespmem:$0x11200] =	vst v63  }
0x26b: {  	_ =	swait.ge [sflag:s14], $0x4000  }
0x26c: {  	s17 =	sld [smem:$0x7EF]  }
0x26d: {  	[sflag:s14] =	ssyncset.done $0x0  }
0x26e: {  	[sflag:s14] =	ssyncadd.s32 $0xFFFFC000  }
0x26f: {  	[tilespmem:s11], [sflag:$0x2] =	stream.linear.gather [hbm4b:s17+s4], $0x4000, $0x38;
	[tilespmem:$0x11200] =	vst v63  }
0x270: {  	_ =	swait.ge [sflag:s20], $0x4000  }
0x271: {  	s13 =	sld [smem:$0x7EE]  }
0x272: {  	[sflag:s20] =	ssyncset.done $0x0  }
0x273: {  	[sflag:s20] =	ssyncadd.s32 $0xFFFFC000  }
0x274: {  	[hbm4b:s13+s4] =	stream.linear.scatter [tilespmem:s19], [sflag:$0x3], $0x4000, $0x38;
	[tilespmem:$0x11200] =	vst v63  }
0x275: {  	_ =	swait.ge [sflag:s2], $0x4000  }
0x276: {  	s15 =	sld [smem:$0x7F1]  }
0x277: {  	[sflag:s2] =	ssyncset.done $0x0  }
0x278: {  	[sflag:s2] =	ssyncadd.s32 $0xFFFFC000  }
0x279: {  	[tilespmem:s19], [sflag:$0x1] =	stream.linear.gather [hbm4b:s15+s4], $0x4000, $0x38;
	[tilespmem:$0x11200] =	vst v63  }
0x27a: {  	_ =	swait.ge [sflag:s6], $0x4000  }
0x27b: {  	s16 =	sld [smem:$0x7F0]  }
0x27c: {  	[sflag:s6] =	ssyncset.done $0x0  }
0x27d: {  	[sflag:s6] =	ssyncadd.s32 $0xFFFFC000  }
0x27e: {  	[hbm4b:s16+s4] =	stream.linear.scatter [tilespmem:s11], [sflag:$0x4], $0x4000, $0x38;
	[tilespmem:$0x11200] =	vst v63  }
0x27f: {  	_ =	swait.ge [sflag:s14], $0x4000  }
0x280: {  	s17 =	sld [smem:$0x7F5]  }
0x281: {  	[sflag:s14] =	ssyncset.done $0x0  }
0x282: {  	[sflag:s14] =	ssyncadd.s32 $0xFFFFC000  }
0x283: {  	[tilespmem:s11], [sflag:$0x2] =	stream.linear.gather [hbm4b:s17+s4], $0x4000, $0x38;
	[tilespmem:$0x11200] =	vst v63  }
0x284: {  	_ =	swait.ge [sflag:s20], $0x4000  }
0x285: {  	s13 =	sld [smem:$0x7F2]  }
0x286: {  	[sflag:s20] =	ssyncset.done $0x0  }
0x287: {  	[sflag:s20] =	ssyncadd.s32 $0xFFFFC000  }
0x288: {  	[hbm4b:s13+s4] =	stream.linear.scatter [tilespmem:s19], [sflag:$0x3], $0x4000, $0x38;
	[tilespmem:$0x11200] =	vst v63  }
0x289: {  	_ =	swait.ge [sflag:s2], $0x4000  }
0x28a: {  	s15 =	sld [smem:$0x7F7]  }
0x28b: {  	[sflag:s2] =	ssyncset.done $0x0  }
0x28c: {  	[sflag:s2] =	ssyncadd.s32 $0xFFFFC000  }
0x28d: {  	[tilespmem:s19], [sflag:$0x1] =	stream.linear.gather [hbm4b:s15+s4], $0x4000, $0x38;
	[tilespmem:$0x11200] =	vst v63  }
0x28e: {  	_ =	swait.ge [sflag:s6], $0x4000  }
0x28f: {  	s16 =	sld [smem:$0x7F6]  }
0x290: {  	[sflag:s6] =	ssyncset.done $0x0  }
0x291: {  	[sflag:s6] =	ssyncadd.s32 $0xFFFFC000  }
0x292: {  	[hbm4b:s16+s4] =	stream.linear.scatter [tilespmem:s11], [sflag:$0x4], $0x4000, $0x38;
	[tilespmem:$0x11200] =	vst v63  }
0x293: {  	_ =	swait.ge [sflag:s14], $0x4000  }
0x294: {  	s17 =	sld [smem:$0x7F8]  }
0x295: {  	[sflag:s14] =	ssyncset.done $0x0  }
0x296: {  	[sflag:s14] =	ssyncadd.s32 $0xFFFFC000  }
0x297: {  	[tilespmem:s11], [sflag:$0x2] =	stream.linear.gather [hbm4b:s17+s4], $0x4000, $0x38;
	[tilespmem:$0x11200] =	vst v63  }
0x298: {  	s10 =	sadd.s32 s10, s12;
	_ =	swait.ge [sflag:s20], $0x4000  }
0x299: {  	s15 =	sadd.s32 $0xF, s10;
	[sflag:s20] =	ssyncset.done $0x0  }
0x29a: {  	s16 =	sand.u32 $0xF, s15;
	[sflag:s20] =	ssyncadd.s32 $0xFFFFC000;
	s20 =	sld [smem:$0x7F9]  }
0x29b: {  	p2 =	slt.s32 s15, $0x1;
	p1 =	sne.s32 s16, $0x0  }
0x29c: {  	p1 =	por !p2, !p1;
	s17 =	sshra.s32 s15, $0x1F  }
0x29d: {  	[hbm4b:s20+s4] =	stream.linear.scatter [tilespmem:s19], [sflag:$0x3], $0x4000, $0x38;
	[tilespmem:$0x11200] =	vst v63  }
0x29e: {  	p1 =	por !p1, !p1;
	s19 =	sshrl.u32 s17, $0x1C;
	_ =	swait.ge [sflag:s6], $0x4000  }
0x29f: {  	s20 =	simm.s32 $0x1;
	s19 =	sadd.s32 s19, s15;
	s13 =	sld [smem:$0x7FA]  }
0x2a0: {  	s20 =	simm.s32 @!p1 $0x0;
	[sflag:s6] =	ssyncset.done $0x0;
	s19 =	sshra.s32 s19, $0x4  }
0x2a1: {  	[sflag:s6] =	ssyncadd.s32 $0xFFFFC000;
	s20 =	ssub.s32 s19, s20  }
0x2a2: {  	[hbm4b:s13+s4] =	stream.linear.scatter [tilespmem:s11], [sflag:$0x4], $0x4000, $0x38;
	[tilespmem:$0x11200] =	vst v63  }
0x2a3: {  	p1 =	slt.s32 s20, $0x1;
	_ =	swait.ge [sflag:s2], $0x4000  }
.Ltmp5:
0x2a4: {  	[sflag:s2] =	ssyncset.done $0x0;
	(pc) =	sbr.rel @p1 .LBB2_13-.Ltmp5, $4  }
0x2a5: {  	[sflag:s2] =	ssyncadd.s32 $0xFFFFC000  }
0x2a6: {  	_ =	swait.ge [sflag:s14], $0x4000  }
0x2a7: {  	[sflag:s14] =	ssyncset.done $0x0  }
0x2a8: {  	[sflag:s14] =	ssyncadd.s32 $0xFFFFC000  }
0x2a9: {  	(xrf0) =	vadd.scan.msk.s32 $0xffff, v22;
	_ =	sdelay $0x4  }
0x2aa: {  	s19 =	sadd.s32 $0xFFFFFFFF, s10;
	s17 =	simm.s32 $0x0  }
0x2ab: {  	v22 =	vmov s19;
	v24 =	vor.u32 s17, v0;
	v23, _, _ =	vpop (xrf0)  }
0x2ac: {  	vm0 =	vlt.s32 v24, v22;
	v23 =	vbroadcast v23, $0xF  }
0x2ad: {  	p2 =	sne.s32 s20, $0x1;
	v24 =	vsel vm0, v24, v22  }
.Ltmp6:
0x2ae: {  	v25 =	vadd.s32 v23, v24;
	(pc) =	sbr.rel @!p2 .LBB2_7-.Ltmp6, $4  }
0x2af: {  	vm15 =	vlt.s32 v25, $0x3FF  }
0x2b0: {  	v26 =	vnsel vm15, $0x3FF, v25  }
0x2b1: {  	v25 =	vadd.s32 v17, v26  }
0x2b2: {  	[smem:$0x7CE] =	sst s1;
	s20 =	sadd.s32 $0xFFFFFFFF, s20;
	p1 =	por $0x0, $0x0;
	v26 =	vand.u32 $0x7, v26;
	v27 =	vshll.u32 v25, $0x4  }
0x2b3: {  	_ = 	snop  }
0x2b4: {  	v27 =	vand.u32 $0xFFFFFF80, v27  }
0x2b5: {  	v26 =	vor.u32 v26, v27  }
0x2b6: {  	v27 =	vperm.xlane v26, v19  }
0x2b7: {  	v24 =	vld.idx.msk [tilespmem:v24+s9+$0x0], $0xffff  }
0x2b8: {  	v27 =	vadd.s32 v20, v27;
	_ =	sdelay $0x2  }
0x2b9: {  	[tilespmem:$0x11180] =	vst v25  }
0x2ba: {  	vm0 =	vmmov $0xffff;
	s14 =	rddreg [dreg:$0x1];
	s9 =	simm.s32 $0x9100;
	[tilespmem:$0x11100] =	vst v24  }
0x2bb: {  	[tilespmem:s9], [sflag:$0x5] =	stream.indirect_vreg.gather [hbm4b:s14+s4], $0x80, v27, vm0, $0xb8;
	[tilespmem:$0x11200] =	vst v63  }
0x2bc: {  	s1 =	simm.s32 $0x9900  }
0x2bd: {  	[tilespmem:s1], [sflag:$0x5] =	stream.indirect_vreg.gather [hbm4b:s21+s4], $0x80, v27, vm0, $0xb8;
	[tilespmem:$0x11200] =	vst v63  }
0x2be: {  	s2 =	simm.s32 $0xA100  }
0x2bf: {  	[tilespmem:s2], [sflag:$0x5] =	stream.indirect_vreg.gather [hbm4b:s22+s4], $0x80, v27, vm0, $0xb8;
	[tilespmem:$0x11200] =	vst v63  }
0x2c0: {  	s15 =	simm.s32 $0xA900  }
0x2c1: {  	[tilespmem:s15], [sflag:$0x5] =	stream.indirect_vreg.gather [hbm4b:s23+s4], $0x80, v27, vm0, $0xb8;
	[tilespmem:$0x11200] =	vst v63  }
0x2c2: {  	s16 =	simm.s32 $0xB100  }
0x2c3: {  	[tilespmem:s16], [sflag:$0x5] =	stream.indirect_vreg.gather [hbm4b:s24+s4], $0x80, v27, vm0, $0xb8;
	[tilespmem:$0x11200] =	vst v63  }
0x2c4: {  	s6 =	simm.s32 $0xB900;
	v24 =	vperm.xlane v26, v21  }
0x2c5: {  	[tilespmem:s6], [sflag:$0x5] =	stream.indirect_vreg.gather [hbm4b:s25+s4], $0x80, v27, vm0, $0xb8;
	[tilespmem:$0x11200] =	vst v63  }
0x2c6: {  	s10 =	simm.s32 $0xC100;
	v24 =	vadd.s32 v20, v24  }
0x2c7: {  	[tilespmem:s10], [sflag:$0x5] =	stream.indirect_vreg.gather [hbm4b:s26+s4], $0x80, v27, vm0, $0xb8;
	[tilespmem:$0x11200] =	vst v63  }
0x2c8: {  	s17 =	simm.s32 $0xC900  }
0x2c9: {  	[tilespmem:s17], [sflag:$0x5] =	stream.indirect_vreg.gather [hbm4b:s28+s4], $0x80, v27, vm0, $0xb8;
	[tilespmem:$0x11200] =	vst v63  }
0x2ca: {  	s18 =	simm.s32 $0xD100  }
0x2cb: {  	[tilespmem:s18], [sflag:$0x5] =	stream.indirect_vreg.gather [hbm4b:s14+s4], $0x80, v24, vm0, $0xb8;
	[tilespmem:$0x11200] =	vst v63  }
0x2cc: {  	s19 =	simm.s32 $0xD900  }
0x2cd: {  	[tilespmem:s19], [sflag:$0x5] =	stream.indirect_vreg.gather [hbm4b:s21+s4], $0x80, v24, vm0, $0xb8;
	[tilespmem:$0x11200] =	vst v63  }
0x2ce: {  	s12 =	simm.s32 $0xE100  }
0x2cf: {  	[tilespmem:s12], [sflag:$0x5] =	stream.indirect_vreg.gather [hbm4b:s22+s4], $0x80, v24, vm0, $0xb8;
	[tilespmem:$0x11200] =	vst v63  }
0x2d0: {  	s11 =	simm.s32 $0xE900  }
0x2d1: {  	[tilespmem:s11], [sflag:$0x5] =	stream.indirect_vreg.gather [hbm4b:s23+s4], $0x80, v24, vm0, $0xb8;
	[tilespmem:$0x11200] =	vst v63  }
0x2d2: {  	s13 =	simm.s32 $0xF100  }
0x2d3: {  	[tilespmem:s13], [sflag:$0x5] =	stream.indirect_vreg.gather [hbm4b:s24+s4], $0x80, v24, vm0, $0xb8;
	[tilespmem:$0x11200] =	vst v63  }
0x2d4: {  	s22 =	simm.s32 $0xF900  }
0x2d5: {  	[tilespmem:s22], [sflag:$0x5] =	stream.indirect_vreg.gather [hbm4b:s25+s4], $0x80, v24, vm0, $0xb8;
	[tilespmem:$0x11200] =	vst v63  }
0x2d6: {  	s24 =	simm.s32 $0x10100  }
0x2d7: {  	[tilespmem:s24], [sflag:$0x5] =	stream.indirect_vreg.gather [hbm4b:s26+s4], $0x80, v24, vm0, $0xb8;
	[tilespmem:$0x11200] =	vst v63  }
0x2d8: {  	s8 =	simm.s32 $0x5;
	s26 =	simm.s32 $0x10900  }
0x2d9: {  	[tilespmem:s26], [sflag:$0x5] =	stream.indirect_vreg.gather [hbm4b:s28+s4], $0x80, v24, vm0, $0xb8;
	[tilespmem:$0x11200] =	vst v63  }
0x2da: {  	_ =	swait.ge [sflag:s8], $0x8000  }
0x2db: {  	[sflag:s8] =	ssyncset.done $0x0  }
0x2dc: {  	[sflag:s8] =	ssyncadd.s32 $0xFFFF8000  }
0x2dd: {  	v24 =	vld [tilespmem:$0x11100];
	_ =	sdelay $0x4  }
0x2de: {  	v25 =	vshll.u32 v24, $0x4  }
0x2df: {  	v24 =	vand.u32 $0x7, v24;
	v25 =	vand.u32 $0xFFFFFF80, v25  }
0x2e0: {  	v24 =	vor.u32 v24, v25  }
0x2e1: {  	v25 =	vperm.xlane v24, v19;
	_ =	sdelay $0x1  }
0x2e2: {  	v25 =	vadd.s32 v20, v25;
	_ =	sdelay $0x3  }
0x2e3: {  	s8 =	rddreg [dreg:$0x3]  }
0x2e4: {  	[hbm4b:s8+s4] =	stream.indirect_vreg.scatter [tilespmem:s9], [sflag:$0x6], $0x80, v25, vm0, $0xb8;
	[tilespmem:$0x11200] =	vst v63  }
0x2e5: {  	_ = 	snop  }
0x2e6: {  	[hbm4b:s29+s4] =	stream.indirect_vreg.scatter [tilespmem:s1], [sflag:$0x6], $0x80, v25, vm0, $0xb8;
	[tilespmem:$0x11200] =	vst v63  }
0x2e7: {  	_ = 	snop  }
0x2e8: {  	[hbm4b:s30+s4] =	stream.indirect_vreg.scatter [tilespmem:s2], [sflag:$0x6], $0x80, v25, vm0, $0xb8;
	[tilespmem:$0x11200] =	vst v63  }
0x2e9: {  	_ = 	snop  }
0x2ea: {  	[hbm4b:s31+s4] =	stream.indirect_vreg.scatter [tilespmem:s15], [sflag:$0x6], $0x80, v25, vm0, $0xb8;
	[tilespmem:$0x11200] =	vst v63  }
0x2eb: {  	_ = 	snop  }
0x2ec: {  	[hbm4b:s0+s4] =	stream.indirect_vreg.scatter [tilespmem:s16], [sflag:$0x6], $0x80, v25, vm0, $0xb8;
	[tilespmem:$0x11200] =	vst v63  }
0x2ed: {  	v24 =	vperm.xlane v24, v21  }
0x2ee: {  	[hbm4b:s3+s4] =	stream.indirect_vreg.scatter [tilespmem:s6], [sflag:$0x6], $0x80, v25, vm0, $0xb8;
	[tilespmem:$0x11200] =	vst v63  }
0x2ef: {  	v26 =	vadd.s32 v20, v24  }
0x2f0: {  	[hbm4b:s5+s4] =	stream.indirect_vreg.scatter [tilespmem:s10], [sflag:$0x6], $0x80, v25, vm0, $0xb8;
	[tilespmem:$0x11200] =	vst v63  }
0x2f1: {  	_ = 	snop  }
0x2f2: {  	[hbm4b:s7+s4] =	stream.indirect_vreg.scatter [tilespmem:s17], [sflag:$0x6], $0x80, v25, vm0, $0xb8;
	[tilespmem:$0x11200] =	vst v63  }
0x2f3: {  	_ = 	snop  }
0x2f4: {  	[hbm4b:s8+s4] =	stream.indirect_vreg.scatter [tilespmem:s18], [sflag:$0x6], $0x80, v26, vm0, $0xb8;
	[tilespmem:$0x11200] =	vst v63  }
0x2f5: {  	_ = 	snop  }
0x2f6: {  	[hbm4b:s29+s4] =	stream.indirect_vreg.scatter [tilespmem:s19], [sflag:$0x6], $0x80, v26, vm0, $0xb8;
	[tilespmem:$0x11200] =	vst v63  }
0x2f7: {  	_ = 	snop  }
0x2f8: {  	[hbm4b:s30+s4] =	stream.indirect_vreg.scatter [tilespmem:s12], [sflag:$0x6], $0x80, v26, vm0, $0xb8;
	[tilespmem:$0x11200] =	vst v63  }
0x2f9: {  	_ = 	snop  }
0x2fa: {  	[hbm4b:s31+s4] =	stream.indirect_vreg.scatter [tilespmem:s11], [sflag:$0x6], $0x80, v26, vm0, $0xb8;
	[tilespmem:$0x11200] =	vst v63  }
0x2fb: {  	_ = 	snop  }
0x2fc: {  	[hbm4b:s0+s4] =	stream.indirect_vreg.scatter [tilespmem:s13], [sflag:$0x6], $0x80, v26, vm0, $0xb8;
	[tilespmem:$0x11200] =	vst v63  }
0x2fd: {  	s19 =	simm.s32 $0x10  }
0x2fe: {  	v24 =	vor.u32 s19, v0;
	[hbm4b:s3+s4] =	stream.indirect_vreg.scatter [tilespmem:s22], [sflag:$0x6], $0x80, v26, vm0, $0xb8;
	[tilespmem:$0x11200] =	vst v63  }
0x2ff: {  	p2 =	sne.s32 s20, $0x1;
	vm1 =	vlt.s32 v24, v22  }
0x300: {  	v24 =	vsel vm1, v24, v22;
	[hbm4b:s5+s4] =	stream.indirect_vreg.scatter [tilespmem:s24], [sflag:$0x6], $0x80, v26, vm0, $0xb8;
	[tilespmem:$0x11200] =	vst v63  }
.Ltmp7:
0x301: {  	v25 =	vadd.s32 v23, v24;
	(pc) =	sbr.rel @!p2 .LBB2_9-.Ltmp7, $4  }
0x302: {  	vm1 =	vlt.s32 v25, $0x3FF;
	s3 =	simm.s32 $0x6  }
0x303: {  	v27 =	vnsel vm1, $0x3FF, v25;
	[hbm4b:s7+s4] =	stream.indirect_vreg.scatter [tilespmem:s26], [sflag:$0x6], $0x80, v26, vm0, $0xb8;
	[tilespmem:$0x11200] =	vst v63  }
0x304: {  	v25 =	vadd.s32 v17, v27;
	_ =	swait.ge [sflag:s3], $0x8000  }
0x305: {  	s20 =	sadd.s32 $0xFFFFFFFF, s20;
	p1 =	por $0x1, $0x1;
	v26 =	vand.u32 $0x7, v27;
	v27 =	vshll.u32 v25, $0x4;
	[sflag:s3] =	ssyncset.done $0x0  }
.LBB2_10:
0x306: {  	v27 =	vand.u32 $0xFFFFFF80, v27  }
0x307: {  	v26 =	vor.u32 v26, v27  }
0x308: {  	[sflag:s3] =	ssyncadd.s32 $0xFFFF8000;
	s16 =	simm.s32 $0x1000;
	v27 =	vperm.xlane v26, v19  }
0x309: {  	v24 =	vld.idx.msk [tilespmem:v24+s16+$0x0], $0xffff  }
0x30a: {  	v27 =	vadd.s32 v20, v27;
	_ =	sdelay $0x2  }
0x30b: {  	[tilespmem:$0x11180] =	vst v25  }
0x30c: {  	s9 =	simm.s32 $0x9100;
	s15 =	rddreg [dreg:$0x1];
	[tilespmem:$0x11100] =	vst v24  }
0x30d: {  	[tilespmem:s9], [sflag:$0x5] =	stream.indirect_vreg.gather [hbm4b:s15+s4], $0x80, v27, vm0, $0xb8;
	[tilespmem:$0x11200] =	vst v63  }
0x30e: {  	s1 =	simm.s32 $0x9900  }
0x30f: {  	[tilespmem:s1], [sflag:$0x5] =	stream.indirect_vreg.gather [hbm4b:s21+s4], $0x80, v27, vm0, $0xb8;
	[tilespmem:$0x11200] =	vst v63  }
0x310: {  	s2 =	simm.s32 $0xA100;
	s11 =	rddreg [dreg:$0x5]  }
0x311: {  	[tilespmem:s2], [sflag:$0x5] =	stream.indirect_vreg.gather [hbm4b:s11+s4], $0x80, v27, vm0, $0xb8;
	[tilespmem:$0x11200] =	vst v63  }
0x312: {  	s17 =	simm.s32 $0xA900  }
0x313: {  	[tilespmem:s17], [sflag:$0x5] =	stream.indirect_vreg.gather [hbm4b:s23+s4], $0x80, v27, vm0, $0xb8;
	[tilespmem:$0x11200] =	vst v63  }
0x314: {  	s18 =	simm.s32 $0xB100;
	s13 =	rddreg [dreg:$0x6]  }
0x315: {  	[tilespmem:s18], [sflag:$0x5] =	stream.indirect_vreg.gather [hbm4b:s13+s4], $0x80, v27, vm0, $0xb8;
	[tilespmem:$0x11200] =	vst v63  }
0x316: {  	s6 =	simm.s32 $0xB900;
	v26 =	vperm.xlane v26, v21  }
0x317: {  	[tilespmem:s6], [sflag:$0x5] =	stream.indirect_vreg.gather [hbm4b:s25+s4], $0x80, v27, vm0, $0xb8;
	[tilespmem:$0x11200] =	vst v63  }
0x318: {  	s10 =	simm.s32 $0xC100;
	s26 =	rddreg [dreg:$0x7];
	v24 =	vadd.s32 v20, v26  }
0x319: {  	[tilespmem:s10], [sflag:$0x5] =	stream.indirect_vreg.gather [hbm4b:s26+s4], $0x80, v27, vm0, $0xb8;
	[tilespmem:$0x11200] =	vst v63  }
0x31a: {  	s8 =	simm.s32 $0xC900  }
0x31b: {  	[tilespmem:s8], [sflag:$0x5] =	stream.indirect_vreg.gather [hbm4b:s28+s4], $0x80, v27, vm0, $0xb8;
	[tilespmem:$0x11200] =	vst v63  }
0x31c: {  	s14 =	simm.s32 $0xD100  }
0x31d: {  	[tilespmem:s14], [sflag:$0x5] =	stream.indirect_vreg.gather [hbm4b:s15+s4], $0x80, v24, vm0, $0xb8;
	[tilespmem:$0x11200] =	vst v63  }
0x31e: {  	s16 =	simm.s32 $0xD900  }
0x31f: {  	[tilespmem:s16], [sflag:$0x5] =	stream.indirect_vreg.gather [hbm4b:s21+s4], $0x80, v24, vm0, $0xb8;
	[tilespmem:$0x11200] =	vst v63  }
0x320: {  	s12 =	simm.s32 $0xE100  }
0x321: {  	[tilespmem:s12], [sflag:$0x5] =	stream.indirect_vreg.gather [hbm4b:s11+s4], $0x80, v24, vm0, $0xb8;
	[tilespmem:$0x11200] =	vst v63  }
0x322: {  	s11 =	simm.s32 $0xE900  }
0x323: {  	[tilespmem:s11], [sflag:$0x5] =	stream.indirect_vreg.gather [hbm4b:s23+s4], $0x80, v24, vm0, $0xb8;
	[tilespmem:$0x11200] =	vst v63  }
0x324: {  	s15 =	simm.s32 $0xF100  }
0x325: {  	[tilespmem:s15], [sflag:$0x5] =	stream.indirect_vreg.gather [hbm4b:s13+s4], $0x80, v24, vm0, $0xb8;
	[tilespmem:$0x11200] =	vst v63  }
0x326: {  	s22 =	simm.s32 $0xF900  }
0x327: {  	[tilespmem:s22], [sflag:$0x5] =	stream.indirect_vreg.gather [hbm4b:s25+s4], $0x80, v24, vm0, $0xb8;
	[tilespmem:$0x11200] =	vst v63  }
0x328: {  	s24 =	simm.s32 $0x10100  }
0x329: {  	[tilespmem:s24], [sflag:$0x5] =	stream.indirect_vreg.gather [hbm4b:s26+s4], $0x80, v24, vm0, $0xb8;
	[tilespmem:$0x11200] =	vst v63  }
0x32a: {  	s13 =	simm.s32 $0x5;
	s26 =	simm.s32 $0x10900  }
0x32b: {  	[tilespmem:s26], [sflag:$0x5] =	stream.indirect_vreg.gather [hbm4b:s28+s4], $0x80, v24, vm0, $0xb8;
	[tilespmem:$0x11200] =	vst v63  }
0x32c: {  	_ =	swait.ge [sflag:s13], $0x8000  }
0x32d: {  	[sflag:s13] =	ssyncset.done $0x0  }
0x32e: {  	[sflag:s13] =	ssyncadd.s32 $0xFFFF8000  }
0x32f: {  	v24 =	vld [tilespmem:$0x11100];
	_ =	sdelay $0x4  }
0x330: {  	v25 =	vshll.u32 v24, $0x4  }
0x331: {  	v24 =	vand.u32 $0x7, v24;
	v25 =	vand.u32 $0xFFFFFF80, v25  }
0x332: {  	v24 =	vor.u32 v24, v25  }
0x333: {  	v25 =	vperm.xlane v24, v19;
	_ =	sdelay $0x1  }
0x334: {  	v25 =	vadd.s32 v20, v25;
	_ =	sdelay $0x3  }
0x335: {  	s13 =	rddreg [dreg:$0x3]  }
0x336: {  	[hbm4b:s13+s4] =	stream.indirect_vreg.scatter [tilespmem:s9], [sflag:$0x6], $0x80, v25, vm0, $0xb8;
	[tilespmem:$0x11200] =	vst v63  }
0x337: {  	_ = 	snop  }
0x338: {  	[hbm4b:s29+s4] =	stream.indirect_vreg.scatter [tilespmem:s1], [sflag:$0x6], $0x80, v25, vm0, $0xb8;
	[tilespmem:$0x11200] =	vst v63  }
0x339: {  	_ = 	snop  }
0x33a: {  	[hbm4b:s30+s4] =	stream.indirect_vreg.scatter [tilespmem:s2], [sflag:$0x6], $0x80, v25, vm0, $0xb8;
	[tilespmem:$0x11200] =	vst v63  }
0x33b: {  	_ = 	snop  }
0x33c: {  	[hbm4b:s31+s4] =	stream.indirect_vreg.scatter [tilespmem:s17], [sflag:$0x6], $0x80, v25, vm0, $0xb8;
	[tilespmem:$0x11200] =	vst v63  }
0x33d: {  	_ = 	snop  }
0x33e: {  	[hbm4b:s0+s4] =	stream.indirect_vreg.scatter [tilespmem:s18], [sflag:$0x6], $0x80, v25, vm0, $0xb8;
	[tilespmem:$0x11200] =	vst v63  }
0x33f: {  	v24 =	vperm.xlane v24, v21;
	s18 =	rddreg [dreg:$0x8]  }
0x340: {  	[hbm4b:s18+s4] =	stream.indirect_vreg.scatter [tilespmem:s6], [sflag:$0x6], $0x80, v25, vm0, $0xb8;
	[tilespmem:$0x11200] =	vst v63  }
0x341: {  	v26 =	vadd.s32 v20, v24  }
0x342: {  	[hbm4b:s5+s4] =	stream.indirect_vreg.scatter [tilespmem:s10], [sflag:$0x6], $0x80, v25, vm0, $0xb8;
	[tilespmem:$0x11200] =	vst v63  }
0x343: {  	_ = 	snop  }
0x344: {  	[hbm4b:s7+s4] =	stream.indirect_vreg.scatter [tilespmem:s8], [sflag:$0x6], $0x80, v25, vm0, $0xb8;
	[tilespmem:$0x11200] =	vst v63  }
0x345: {  	_ = 	snop  }
0x346: {  	[hbm4b:s13+s4] =	stream.indirect_vreg.scatter [tilespmem:s14], [sflag:$0x6], $0x80, v26, vm0, $0xb8;
	[tilespmem:$0x11200] =	vst v63  }
0x347: {  	_ = 	snop  }
0x348: {  	[hbm4b:s29+s4] =	stream.indirect_vreg.scatter [tilespmem:s16], [sflag:$0x6], $0x80, v26, vm0, $0xb8;
	[tilespmem:$0x11200] =	vst v63  }
0x349: {  	_ = 	snop  }
0x34a: {  	[hbm4b:s30+s4] =	stream.indirect_vreg.scatter [tilespmem:s12], [sflag:$0x6], $0x80, v26, vm0, $0xb8;
	[tilespmem:$0x11200] =	vst v63  }
0x34b: {  	_ = 	snop  }
0x34c: {  	[hbm4b:s31+s4] =	stream.indirect_vreg.scatter [tilespmem:s11], [sflag:$0x6], $0x80, v26, vm0, $0xb8;
	[tilespmem:$0x11200] =	vst v63  }
0x34d: {  	_ = 	snop  }
0x34e: {  	[hbm4b:s0+s4] =	stream.indirect_vreg.scatter [tilespmem:s15], [sflag:$0x6], $0x80, v26, vm0, $0xb8;
	[tilespmem:$0x11200] =	vst v63  }
0x34f: {  	s19 =	sadd.s32 $0x10, s19  }
0x350: {  	v24 =	vor.u32 s19, v0;
	[hbm4b:s18+s4] =	stream.indirect_vreg.scatter [tilespmem:s22], [sflag:$0x6], $0x80, v26, vm0, $0xb8;
	[tilespmem:$0x11200] =	vst v63  }
0x351: {  	p2 =	sne.s32 s20, $0x1;
	vm1 =	vlt.s32 v24, v22  }
0x352: {  	v24 =	vsel vm1, v24, v22;
	[hbm4b:s5+s4] =	stream.indirect_vreg.scatter [tilespmem:s24], [sflag:$0x6], $0x80, v26, vm0, $0xb8;
	[tilespmem:$0x11200] =	vst v63  }
.Ltmp8:
0x353: {  	v25 =	vadd.s32 v23, v24;
	(pc) =	sbr.rel @p2 .LBB2_10-.Ltmp8, $4  }
0x354: {  	vm1 =	vlt.s32 v25, $0x3FF  }
0x355: {  	v27 =	vnsel vm1, $0x3FF, v25;
	[hbm4b:s7+s4] =	stream.indirect_vreg.scatter [tilespmem:s26], [sflag:$0x6], $0x80, v26, vm0, $0xb8;
	[tilespmem:$0x11200] =	vst v63  }
0x356: {  	v25 =	vadd.s32 v17, v27;
	_ =	swait.ge [sflag:s3], $0x8000  }
0x357: {  	s20 =	sadd.s32 $0xFFFFFFFF, s20;
	v26 =	vand.u32 $0x7, v27;
	v27 =	vshll.u32 v25, $0x4;
	[sflag:s3] =	ssyncset.done $0x0  }
0x358: {  	s14 =	rddreg [dreg:$0x1]  }
0x359: {  	s8 =	rddreg [dreg:$0x3];
	s10 =	simm.s32 $0x9100  }
.Ltmp9:
0x35a: {  	s11 =	simm.s32 $0x9900;
	s12 =	simm.s32 $0xA100;
	(pc) =	sbr.rel .LBB2_12-.Ltmp9, $4  }
0x35b: {  	s13 =	simm.s32 $0xA900;
	s15 =	simm.s32 $0xB100;
	s22 =	rddreg [dreg:$0x5]  }
0x35c: {  	s16 =	simm.s32 $0xB900;
	s9 =	simm.s32 $0xC100;
	s24 =	rddreg [dreg:$0x6]  }
0x35d: {  	s1 =	simm.s32 $0xC900;
	s2 =	simm.s32 $0xD100;
	s26 =	rddreg [dreg:$0x7]  }
0x35e: {  	s17 =	simm.s32 $0xD900;
	s18 =	simm.s32 $0xE900;
	s3 =	rddreg [dreg:$0x8]  }
.LBB2_9:
0x35f: {  	s14 =	rddreg [dreg:$0x1]  }
0x360: {  	s8 =	rddreg [dreg:$0x3];
	s10 =	simm.s32 $0x9100  }
.Ltmp10:
0x361: {  	s11 =	simm.s32 $0x9900;
	s12 =	simm.s32 $0xA100;
	(pc) =	sbr.rel .LBB2_12-.Ltmp10, $4  }
0x362: {  	s13 =	simm.s32 $0xA900;
	s15 =	simm.s32 $0xB100;
	s22 =	rddreg [dreg:$0x5]  }
0x363: {  	s16 =	simm.s32 $0xB900;
	s9 =	simm.s32 $0xC100;
	s24 =	rddreg [dreg:$0x6]  }
0x364: {  	s1 =	simm.s32 $0xC900;
	s2 =	simm.s32 $0xD100;
	s26 =	rddreg [dreg:$0x7]  }
0x365: {  	s17 =	simm.s32 $0xD900;
	s18 =	simm.s32 $0xE900;
	s3 =	rddreg [dreg:$0x8]  }
.LBB2_14:
0x366: {  	_ =	sfence.sel $0x180000  }
0x367: {  	[bflag:$0x0] =	sbarrier.arrive $0xFFFF  }
0x368: {  	_ =	strace $0x90000047  }
0x369: {  	s0 =	stileid.u32;
	[bflag:$0x2] =	sbarrier.arrive $0xFFFF  }
0x36a: {  	p0 =	sne.s32 s0, $0x0;
	s0 =	rddreg [dreg:$0x4]  }
0x36b: {  	s0 =	sadd.s32 @!p0 $0x100000, s0  }
0x36c: {  	[sflag:s0] =	ssyncadd.tile.s32 @!p0 $0x1;
	_ =	shalt  }
.Lfunc_end2:
_tile_overlayer_lowered:
.L_overlay_start_2:
0x36d: {  	(tag) =	ssettag $0x2  }
0x36e: {  	s0 =	rddreg [dreg:$0x0];
	s2 =	stileid.u32  }
0x36f: {  	s1 =	rddreg [dreg:$0x1];
	p0 =	sne.s32 s2, $0x0  }
0x370: {  	s3 =	rddreg [dreg:$0x2];
	[bflag:$0x3] =	sbarrier.arrive $0xFFFF;
	s2 =	simm.s32 @!p0 $0x1C07  }
0x371: {  	[timem:s3], [sflag:s2] =	dma.local @!p0 [hbm:s0], s1  }
0x372: {  	s0 =	simm.s32 @!p0 $0x7  }
0x373: {  	_ =	swait.ge @!p0 [sflag:s0], s1  }
0x374: {  	s1 =	ssub.s32 @!p0 $0x0, s1;
	[sflag:s0] =	ssyncset.done @!p0 $0x0  }
0x375: {  	[sflag:s0] =	ssyncadd.s32 @!p0 s1  }
0x376: {  	[bflag:$0x3] =	sbarrier.arrive $0xFFFF  }
0x377: {  	_ =	shalt  }

</sc_bundles>
